<compile_context>
chip_gen: v7x
topology: tpu7x:2x2x1
jax: 0.10.2.dev20260603
libtpu: 0.0.44.dev20260713+nightly
codegen_flags: <defaults>
</compile_context>

<pallas_src>
import jax
import jax.numpy as jnp
from jax import lax
from jax.experimental import pallas as pl
from jax.experimental.pallas import tpu as pltpu
from jax.experimental.pallas import tpu_sc as plsc

D_MODEL = 64
BATCH = 16384
HIST = 50

NC = 2
NS = 16
NW = NC * NS

BT_PER_W = (BATCH // 128) // NW
NG = 4
L = 16


def _body(idx_hbm, table_hbm, out_hbm, slab, g0, g1, g2, g3, t0, t1,
          gs0, gs1, gs2, gs3, os0, os1):
    cid = lax.axis_index("c")
    sid = lax.axis_index("s")
    wid = sid * NC + cid
    G = (g0, g1, g2, g3)
    T = (t0, t1)
    gsem = (gs0, gs1, gs2, gs3)
    osem = (os0, os1)

    iota = lax.iota(jnp.int32, L)

    def start_gather(h, g):
        pltpu.async_copy(table_hbm.at[slab.at[h]], G[g], gsem[g])

    def wait_gather(g):
        pltpu.make_async_copy(
            table_hbm.at[pl.ds(0, 128)], G[g], gsem[g]
        ).wait()

    def start_out(h, bt, t):
        pltpu.async_copy(
            T[t].at[:, :, pl.ds(0, 128)], out_hbm.at[h, :, bt, :, :], osem[t]
        )

    def wait_out(t):
        pltpu.make_async_copy(
            T[t].at[:, :, pl.ds(0, 128)], out_hbm.at[0, :, 0, :, :], osem[t]
        ).wait()

    dl_vec = iota % 8
    dt_vecs = [iota // 8 + 2 * k for k in range(4)]

    def transpose(g, t):
        def b_body(b, carry):
            vs = []
            bvecs = []
            for u in range(4):
                bb = 4 * b + u
                bvecs.append(jnp.full((L,), 0, jnp.int32) + bb)
                for k in range(4):
                    vs.append(G[g][bb, pl.ds(L * k, L)])
            for u in range(4):
                for k in range(4):
                    plsc.store_scatter(
                        T[t], [dt_vecs[k], dl_vec, bvecs[u]], vs[4 * u + k]
                    )
            return carry

        lax.fori_loop(0, 32, b_body, 0)

    def step(h, bt, g, t, owait, gstart):
        wait_gather(g)
        if owait:
            wait_out(t)
        transpose(g, t)
        start_out(h, bt, t)
        if gstart:
            start_gather(h + NG, g)

    def bt_body(bti, carry):
        bt = wid * BT_PER_W + bti
        pltpu.sync_copy(idx_hbm.at[:, pl.ds(bt * 128, 128)], slab)
        for h in range(NG):
            start_gather(h, h)
        step(0, bt, 0, 0, owait=False, gstart=True)
        step(1, bt, 1, 1, owait=False, gstart=True)

        def quad_body(i, carry2):
            h = 2 + 4 * i
            step(h + 0, bt, 2, 0, owait=True, gstart=True)
            step(h + 1, bt, 3, 1, owait=True, gstart=True)
            step(h + 2, bt, 0, 0, owait=True, gstart=True)
            step(h + 3, bt, 1, 1, owait=True, gstart=True)
            return carry2

        lax.fori_loop(0, (HIST - 6) // 4, quad_body, 0)
        step(HIST - 4, bt, 2, 0, owait=True, gstart=False)
        step(HIST - 3, bt, 3, 1, owait=True, gstart=False)
        step(HIST - 2, bt, 0, 0, owait=True, gstart=False)
        step(HIST - 1, bt, 1, 1, owait=True, gstart=False)
        wait_out(0)
        wait_out(1)
        return carry

    lax.fori_loop(0, BT_PER_W, bt_body, 0)


@jax.jit
def _gather(idx_t, table):
    mesh = plsc.VectorSubcoreMesh(core_axis_name="c", subcore_axis_name="s")
    f = pl.kernel(
        _body,
        out_type=jax.ShapeDtypeStruct(
            (HIST, D_MODEL // 8, BATCH // 128, 8, 128), jnp.float32
        ),
        mesh=mesh,
        scratch_types=[
            pltpu.VMEM((HIST, 128), jnp.int32),
            pltpu.VMEM((128, D_MODEL), jnp.float32),
            pltpu.VMEM((128, D_MODEL), jnp.float32),
            pltpu.VMEM((128, D_MODEL), jnp.float32),
            pltpu.VMEM((128, D_MODEL), jnp.float32),
            pltpu.VMEM((8, 8, 129), jnp.float32),
            pltpu.VMEM((8, 8, 129), jnp.float32),
            pltpu.SemaphoreType.DMA,
            pltpu.SemaphoreType.DMA,
            pltpu.SemaphoreType.DMA,
            pltpu.SemaphoreType.DMA,
            pltpu.SemaphoreType.DMA,
            pltpu.SemaphoreType.DMA,
        ],
        compiler_params=pltpu.CompilerParams(
            use_tc_tiling_on_sc=False, needs_layout_passes=False
        ),
    )
    return f(idx_t, table)


def kernel(type_input, segment_embeddings_weight):
    idx_t = type_input.T.astype(jnp.int32)
    out5 = _gather(idx_t, segment_embeddings_weight)
    return out5.transpose((2, 4, 0, 1, 3)).reshape(BATCH, HIST, D_MODEL)

# --- scband reference (transcript-rebuilt; emitter-appended) ---
"""Pipeline reference for scband-segment-encoding-33646773796894 (READ-ONLY COPY).

The authoritative reference and input builder live on the scoring server;
editing this copy changes nothing except your own understanding.
"""

import jax, jax.numpy as jnp
import numpy as np

TYPE_NUM = 100000
D_MODEL = 64
BATCH = 16384
HIST = 50

def setup_inputs(seed: int = 0) -> dict:
    key = jax.random.key(seed)
    k1, k2 = jax.random.split(key)
    type_input = jax.random.randint(k1, (BATCH, HIST), 0, TYPE_NUM, dtype=jnp.int64 if jax.config.jax_enable_x64 else jnp.int32)
    # nn.Embedding default init is N(0,1); module's init_weights uses N(0.02, 0.02).
    segment_embeddings_weight = jax.random.normal(k2, (TYPE_NUM, D_MODEL), dtype=jnp.float32) * 0.02 + 0.02
    return {"type_input": type_input, "segment_embeddings_weight": segment_embeddings_weight}

def reference(type_input, segment_embeddings_weight):
    # Faithful translation of SegmentEncoding.forward: embedding lookup
    return jnp.take(segment_embeddings_weight, type_input, axis=0)

if __name__ == "__main__":
    import jax
    _d = setup_inputs()
    print(jax.jit(kernel)(*tuple(_d.values())))

</pallas_src>

<mosaic_0001>
#map = affine_map<(d0, d1) -> (0, 0)>
#map1 = affine_map<(d0, d1) -> (0, 0, 0, 0, 0)>
module attributes {stable_mosaic.version = 14 : i64} {
  func.func @_body(%arg0: i32, %arg1: i32, %arg2: memref<50x16384xi32, #tpu.memory_space<hbm>>, %arg3: memref<100000x64xf32, #tpu.memory_space<hbm>>, %arg4: memref<50x8x128x8x128xf32, #tpu.memory_space<hbm>>, %arg5: memref<50x128xi32, #tpu.memory_space<vmem>>, %arg6: memref<128x64xf32, #tpu.memory_space<vmem>>, %arg7: memref<128x64xf32, #tpu.memory_space<vmem>>, %arg8: memref<128x64xf32, #tpu.memory_space<vmem>>, %arg9: memref<128x64xf32, #tpu.memory_space<vmem>>, %arg10: memref<8x8x129xf32, #tpu.memory_space<vmem>>, %arg11: memref<8x8x129xf32, #tpu.memory_space<vmem>>, %arg12: memref<!tpu.dma_semaphore, #tpu.memory_space<semaphore_mem>>, %arg13: memref<!tpu.dma_semaphore, #tpu.memory_space<semaphore_mem>>, %arg14: memref<!tpu.dma_semaphore, #tpu.memory_space<semaphore_mem>>, %arg15: memref<!tpu.dma_semaphore, #tpu.memory_space<semaphore_mem>>, %arg16: memref<!tpu.dma_semaphore, #tpu.memory_space<semaphore_mem>>, %arg17: memref<!tpu.dma_semaphore, #tpu.memory_space<semaphore_mem>>) attributes {dimension_semantics = [#tpu.dimension_semantics<core_parallel>, #tpu.dimension_semantics<subcore_parallel>], iteration_bounds = array<i64: 2, 16>, scalar_prefetch = 0 : i64, scratch_operands = 13 : i64, tpu.core_type = #tpu.core_type<sc_vector_subcore>, window_params = [{transform_indices = #map}, {transform_indices = #map}, {transform_indices = #map1}]} {
    %mul3A = arith.constant 2 : i32
    %mul3A_0 = arith.muli %arg1, %mul3A : i32
    %add3A = arith.addi %mul3A_0, %arg0 : i32
    %iota3A = tpu.iota {dimensions = array<i32: 0>} : vector<16xi32>
    %jit3A = arith.constant 8 : i32
    %eq3A = arith.constant 0 : i32
    %eq3A_1 = arith.cmpi eq, %jit3A, %eq3A : i32
    %jit3A_2 = arith.constant 1 : i32
    %select_n3A = arith.select %eq3A_1, %jit3A_2, %jit3A : i32
    %rem3A = vector.broadcast %select_n3A : i32 to vector<16xi32>
    %rem3A_3 = arith.remsi %iota3A, %rem3A : vector<16xi32>
    %ne3A = arith.constant 0 : i32
    %ne3A_4 = vector.broadcast %ne3A : i32 to vector<16xi32>
    %ne3A_5 = arith.cmpi ne, %rem3A_3, %ne3A_4 : vector<16xi32>
    %lt3A = arith.constant 0 : i32
    %lt3A_6 = vector.broadcast %lt3A : i32 to vector<16xi32>
    %lt3A_7 = arith.cmpi slt, %rem3A_3, %lt3A_6 : vector<16xi32>
    %lt3A_8 = arith.constant 0 : i32
    %lt3A_9 = arith.cmpi slt, %select_n3A, %lt3A_8 : i32
    %ne3A_10 = vector.broadcast %lt3A_9 : i1 to vector<16xi1>
    %ne3A_11 = vector.broadcast %ne3A_10 : vector<16xi1> to vector<16xi1>
    %ne3A_12 = arith.xori %lt3A_7, %ne3A_11 : vector<16xi1>
    %and3A = arith.andi %ne3A_12, %ne3A_5 : vector<16xi1>
    %add3A_13 = vector.broadcast %select_n3A : i32 to vector<16xi32>
    %add3A_14 = arith.addi %rem3A_3, %add3A_13 : vector<16xi32>
    %select_n3A_15 = arith.select %and3A, %add3A_14, %rem3A_3 : vector<16xi1>, vector<16xi32>
    %jit3A_16 = arith.constant 8 : i32
    %div3A = vector.broadcast %jit3A_16 : i32 to vector<16xi32>
    %div3A_17 = arith.divsi %iota3A, %div3A : vector<16xi32>
    %sign3A = arith.constant 0 : i32
    %sign3A_18 = vector.broadcast %sign3A : i32 to vector<16xi32>
    %sign3A_19 = arith.cmpi sgt, %iota3A, %sign3A_18 : vector<16xi32>
    %sign3A_20 = arith.extui %sign3A_19 : vector<16xi1> to vector<16xi32>
    %sign3A_21 = arith.constant 0 : i32
    %sign3A_22 = vector.broadcast %sign3A_21 : i32 to vector<16xi32>
    %sign3A_23 = arith.cmpi slt, %iota3A, %sign3A_22 : vector<16xi32>
    %sign3A_24 = arith.extui %sign3A_23 : vector<16xi1> to vector<16xi32>
    %sign3A_25 = arith.subi %sign3A_20, %sign3A_24 : vector<16xi32>
    %sign3A_26 = arith.constant 0 : i32
    %sign3A_27 = arith.cmpi sgt, %jit3A_16, %sign3A_26 : i32
    %sign3A_28 = arith.extui %sign3A_27 : i1 to i32
    %sign3A_29 = arith.constant 0 : i32
    %sign3A_30 = arith.cmpi slt, %jit3A_16, %sign3A_29 : i32
    %sign3A_31 = arith.extui %sign3A_30 : i1 to i32
    %sign3A_32 = arith.subi %sign3A_28, %sign3A_31 : i32
    %ne3A_33 = vector.broadcast %sign3A_32 : i32 to vector<16xi32>
    %ne3A_34 = arith.cmpi ne, %sign3A_25, %ne3A_33 : vector<16xi32>
    %rem3A_35 = vector.broadcast %jit3A_16 : i32 to vector<16xi32>
    %rem3A_36 = arith.remsi %iota3A, %rem3A_35 : vector<16xi32>
    %ne3A_37 = arith.constant 0 : i32
    %ne3A_38 = vector.broadcast %ne3A_37 : i32 to vector<16xi32>
    %ne3A_39 = arith.cmpi ne, %rem3A_36, %ne3A_38 : vector<16xi32>
    %and3A_40 = arith.andi %ne3A_34, %ne3A_39 : vector<16xi1>
    %sub3A = arith.constant 1 : i32
    %sub3A_41 = vector.broadcast %sub3A : i32 to vector<16xi32>
    %sub3A_42 = arith.subi %div3A_17, %sub3A_41 : vector<16xi32>
    %select_n3A_43 = arith.select %and3A_40, %sub3A_42, %div3A_17 : vector<16xi1>, vector<16xi32>
    %add3A_44 = arith.constant 0 : i32
    %add3A_45 = vector.broadcast %add3A_44 : i32 to vector<16xi32>
    %add3A_46 = arith.addi %select_n3A_43, %add3A_45 : vector<16xi32>
    %jit3A_47 = arith.constant 8 : i32
    %div3A_48 = vector.broadcast %jit3A_47 : i32 to vector<16xi32>
    %div3A_49 = arith.divsi %iota3A, %div3A_48 : vector<16xi32>
    %sign3A_50 = arith.constant 0 : i32
    %sign3A_51 = vector.broadcast %sign3A_50 : i32 to vector<16xi32>
    %sign3A_52 = arith.cmpi sgt, %iota3A, %sign3A_51 : vector<16xi32>
    %sign3A_53 = arith.extui %sign3A_52 : vector<16xi1> to vector<16xi32>
    %sign3A_54 = arith.constant 0 : i32
    %sign3A_55 = vector.broadcast %sign3A_54 : i32 to vector<16xi32>
    %sign3A_56 = arith.cmpi slt, %iota3A, %sign3A_55 : vector<16xi32>
    %sign3A_57 = arith.extui %sign3A_56 : vector<16xi1> to vector<16xi32>
    %sign3A_58 = arith.subi %sign3A_53, %sign3A_57 : vector<16xi32>
    %sign3A_59 = arith.constant 0 : i32
    %sign3A_60 = arith.cmpi sgt, %jit3A_47, %sign3A_59 : i32
    %sign3A_61 = arith.extui %sign3A_60 : i1 to i32
    %sign3A_62 = arith.constant 0 : i32
    %sign3A_63 = arith.cmpi slt, %jit3A_47, %sign3A_62 : i32
    %sign3A_64 = arith.extui %sign3A_63 : i1 to i32
    %sign3A_65 = arith.subi %sign3A_61, %sign3A_64 : i32
    %ne3A_66 = vector.broadcast %sign3A_65 : i32 to vector<16xi32>
    %ne3A_67 = arith.cmpi ne, %sign3A_58, %ne3A_66 : vector<16xi32>
    %rem3A_68 = vector.broadcast %jit3A_47 : i32 to vector<16xi32>
    %rem3A_69 = arith.remsi %iota3A, %rem3A_68 : vector<16xi32>
    %ne3A_70 = arith.constant 0 : i32
    %ne3A_71 = vector.broadcast %ne3A_70 : i32 to vector<16xi32>
    %ne3A_72 = arith.cmpi ne, %rem3A_69, %ne3A_71 : vector<16xi32>
    %and3A_73 = arith.andi %ne3A_67, %ne3A_72 : vector<16xi1>
    %sub3A_74 = arith.constant 1 : i32
    %sub3A_75 = vector.broadcast %sub3A_74 : i32 to vector<16xi32>
    %sub3A_76 = arith.subi %div3A_49, %sub3A_75 : vector<16xi32>
    %select_n3A_77 = arith.select %and3A_73, %sub3A_76, %div3A_49 : vector<16xi1>, vector<16xi32>
    %add3A_78 = arith.constant 2 : i32
    %add3A_79 = vector.broadcast %add3A_78 : i32 to vector<16xi32>
    %add3A_80 = arith.addi %select_n3A_77, %add3A_79 : vector<16xi32>
    %jit3A_81 = arith.constant 8 : i32
    %div3A_82 = vector.broadcast %jit3A_81 : i32 to vector<16xi32>
    %div3A_83 = arith.divsi %iota3A, %div3A_82 : vector<16xi32>
    %sign3A_84 = arith.constant 0 : i32
    %sign3A_85 = vector.broadcast %sign3A_84 : i32 to vector<16xi32>
    %sign3A_86 = arith.cmpi sgt, %iota3A, %sign3A_85 : vector<16xi32>
    %sign3A_87 = arith.extui %sign3A_86 : vector<16xi1> to vector<16xi32>
    %sign3A_88 = arith.constant 0 : i32
    %sign3A_89 = vector.broadcast %sign3A_88 : i32 to vector<16xi32>
    %sign3A_90 = arith.cmpi slt, %iota3A, %sign3A_89 : vector<16xi32>
    %sign3A_91 = arith.extui %sign3A_90 : vector<16xi1> to vector<16xi32>
    %sign3A_92 = arith.subi %sign3A_87, %sign3A_91 : vector<16xi32>
    %sign3A_93 = arith.constant 0 : i32
    %sign3A_94 = arith.cmpi sgt, %jit3A_81, %sign3A_93 : i32
    %sign3A_95 = arith.extui %sign3A_94 : i1 to i32
    %sign3A_96 = arith.constant 0 : i32
    %sign3A_97 = arith.cmpi slt, %jit3A_81, %sign3A_96 : i32
    %sign3A_98 = arith.extui %sign3A_97 : i1 to i32
    %sign3A_99 = arith.subi %sign3A_95, %sign3A_98 : i32
    %ne3A_100 = vector.broadcast %sign3A_99 : i32 to vector<16xi32>
    %ne3A_101 = arith.cmpi ne, %sign3A_92, %ne3A_100 : vector<16xi32>
    %rem3A_102 = vector.broadcast %jit3A_81 : i32 to vector<16xi32>
    %rem3A_103 = arith.remsi %iota3A, %rem3A_102 : vector<16xi32>
    %ne3A_104 = arith.constant 0 : i32
    %ne3A_105 = vector.broadcast %ne3A_104 : i32 to vector<16xi32>
    %ne3A_106 = arith.cmpi ne, %rem3A_103, %ne3A_105 : vector<16xi32>
    %and3A_107 = arith.andi %ne3A_101, %ne3A_106 : vector<16xi1>
    %sub3A_108 = arith.constant 1 : i32
    %sub3A_109 = vector.broadcast %sub3A_108 : i32 to vector<16xi32>
    %sub3A_110 = arith.subi %div3A_83, %sub3A_109 : vector<16xi32>
    %select_n3A_111 = arith.select %and3A_107, %sub3A_110, %div3A_83 : vector<16xi1>, vector<16xi32>
    %add3A_112 = arith.constant 4 : i32
    %add3A_113 = vector.broadcast %add3A_112 : i32 to vector<16xi32>
    %add3A_114 = arith.addi %select_n3A_111, %add3A_113 : vector<16xi32>
    %jit3A_115 = arith.constant 8 : i32
    %div3A_116 = vector.broadcast %jit3A_115 : i32 to vector<16xi32>
    %div3A_117 = arith.divsi %iota3A, %div3A_116 : vector<16xi32>
    %sign3A_118 = arith.constant 0 : i32
    %sign3A_119 = vector.broadcast %sign3A_118 : i32 to vector<16xi32>
    %sign3A_120 = arith.cmpi sgt, %iota3A, %sign3A_119 : vector<16xi32>
    %sign3A_121 = arith.extui %sign3A_120 : vector<16xi1> to vector<16xi32>
    %sign3A_122 = arith.constant 0 : i32
    %sign3A_123 = vector.broadcast %sign3A_122 : i32 to vector<16xi32>
    %sign3A_124 = arith.cmpi slt, %iota3A, %sign3A_123 : vector<16xi32>
    %sign3A_125 = arith.extui %sign3A_124 : vector<16xi1> to vector<16xi32>
    %sign3A_126 = arith.subi %sign3A_121, %sign3A_125 : vector<16xi32>
    %sign3A_127 = arith.constant 0 : i32
    %sign3A_128 = arith.cmpi sgt, %jit3A_115, %sign3A_127 : i32
    %sign3A_129 = arith.extui %sign3A_128 : i1 to i32
    %sign3A_130 = arith.constant 0 : i32
    %sign3A_131 = arith.cmpi slt, %jit3A_115, %sign3A_130 : i32
    %sign3A_132 = arith.extui %sign3A_131 : i1 to i32
    %sign3A_133 = arith.subi %sign3A_129, %sign3A_132 : i32
    %ne3A_134 = vector.broadcast %sign3A_133 : i32 to vector<16xi32>
    %ne3A_135 = arith.cmpi ne, %sign3A_126, %ne3A_134 : vector<16xi32>
    %rem3A_136 = vector.broadcast %jit3A_115 : i32 to vector<16xi32>
    %rem3A_137 = arith.remsi %iota3A, %rem3A_136 : vector<16xi32>
    %ne3A_138 = arith.constant 0 : i32
    %ne3A_139 = vector.broadcast %ne3A_138 : i32 to vector<16xi32>
    %ne3A_140 = arith.cmpi ne, %rem3A_137, %ne3A_139 : vector<16xi32>
    %and3A_141 = arith.andi %ne3A_135, %ne3A_140 : vector<16xi1>
    %sub3A_142 = arith.constant 1 : i32
    %sub3A_143 = vector.broadcast %sub3A_142 : i32 to vector<16xi32>
    %sub3A_144 = arith.subi %div3A_117, %sub3A_143 : vector<16xi32>
    %select_n3A_145 = arith.select %and3A_141, %sub3A_144, %div3A_117 : vector<16xi1>, vector<16xi32>
    %add3A_146 = arith.constant 6 : i32
    %add3A_147 = vector.broadcast %add3A_146 : i32 to vector<16xi32>
    %add3A_148 = arith.addi %select_n3A_145, %add3A_147 : vector<16xi32>
    %scan3A = arith.constant 0 : i32
    %scan3A_149 = arith.constant 0 : i32
    %scan3A_150 = arith.constant 4 : i32
    %scan3A_151 = arith.addi %scan3A_149, %scan3A_150 : i32
    %scan3A_152 = arith.constant 1 : i32
    scf.for %scan3A_154 = %scan3A_149 to %scan3A_151 step %scan3A_152  : i32 {
      %mul3A_155 = arith.constant 4 : i32
      %mul3A_156 = arith.muli %add3A, %mul3A_155 : i32
      %add3A_157 = arith.addi %mul3A_156, %scan3A_154 : i32
      %mul3A_158 = arith.constant 128 : i32
      %mul3A_159 = arith.muli %add3A_157, %mul3A_158 : i32
      "tpu.region"() ({
        %run_scoped3A = tpu.sem_alloc : memref<!tpu.dma_semaphore, #tpu.memory_space<semaphore_mem>>
        %dma_start3A_512 = arith.constant 0 : i32
        %dma_start3A_513 = tpu.memref_slice %arg2[%dma_start3A_512, %mul3A_159] : memref<50x16384xi32, #tpu.memory_space<hbm>> -> memref<50x128xi32, #tpu.memory_space<hbm>>
        %dma_start3A_514 = arith.constant 0 : i32
        %dma_start3A_515 = tpu.memref_slice %arg2[%dma_start3A_514, %mul3A_159] : memref<50x16384xi32, #tpu.memory_space<hbm>> -> memref<50x128xi32, #tpu.memory_space<hbm>>
        tpu.enqueue_dma source(%dma_start3A_515 : memref<50x128xi32, #tpu.memory_space<hbm>>) target(%arg5 : memref<50x128xi32, #tpu.memory_space<vmem>>) target_semaphore(%run_scoped3A : memref<!tpu.dma_semaphore, #tpu.memory_space<semaphore_mem>>)
        %dma_wait3A_516 = arith.constant 0 : i32
        %dma_wait3A_517 = tpu.memref_slice %arg2[%dma_wait3A_516, %mul3A_159] : memref<50x16384xi32, #tpu.memory_space<hbm>> -> memref<50x128xi32, #tpu.memory_space<hbm>>
        %dma_wait3A_518 = arith.constant 0 : i32
        %dma_wait3A_519 = tpu.memref_slice %arg2[%dma_wait3A_518, %mul3A_159] : memref<50x16384xi32, #tpu.memory_space<hbm>> -> memref<50x128xi32, #tpu.memory_space<hbm>>
        tpu.wait_dma2 semaphore(%run_scoped3A : memref<!tpu.dma_semaphore, #tpu.memory_space<semaphore_mem>>) src(%dma_wait3A_519 : memref<50x128xi32, #tpu.memory_space<hbm>>) dst(%arg5 : memref<50x128xi32, #tpu.memory_space<vmem>>)
        tpu.yield
      }) : () -> ()
      %dma_start3A = arith.constant 0 : i32
      %dma_start3A_160 = arith.constant 0 : i32
      %dma_start3A_161 = tpu.memref_slice %arg5[%dma_start3A, %dma_start3A_160] : memref<50x128xi32, #tpu.memory_space<vmem>> -> memref<1x128xi32, #tpu.memory_space<vmem>>
      %dma_start3A_162 = tpu.memref_squeeze %dma_start3A_161 : memref<1x128xi32, #tpu.memory_space<vmem>> -> memref<128xi32, #tpu.memory_space<vmem>>
      %dma_start3A_163 = arith.constant 0 : i32
      %dma_start3A_164 = arith.constant 0 : i32
      %dma_start3A_165 = tpu.memref_slice %arg3[%dma_start3A_163, %dma_start3A_164] : memref<100000x64xf32, #tpu.memory_space<hbm>> -> memref<100000x64xf32, #tpu.memory_space<hbm>>
      tpu.enqueue_indirect_dma source(%dma_start3A_165 : memref<100000x64xf32, #tpu.memory_space<hbm>>) target(%arg6 : memref<128x64xf32, #tpu.memory_space<vmem>>) offsets(%dma_start3A_162 : memref<128xi32, #tpu.memory_space<vmem>>) semaphore(%arg12 : memref<!tpu.dma_semaphore, #tpu.memory_space<semaphore_mem>>)
      %dma_start3A_166 = arith.constant 1 : i32
      %dma_start3A_167 = arith.constant 0 : i32
      %dma_start3A_168 = tpu.memref_slice %arg5[%dma_start3A_166, %dma_start3A_167] : memref<50x128xi32, #tpu.memory_space<vmem>> -> memref<1x128xi32, #tpu.memory_space<vmem>>
      %dma_start3A_169 = tpu.memref_squeeze %dma_start3A_168 : memref<1x128xi32, #tpu.memory_space<vmem>> -> memref<128xi32, #tpu.memory_space<vmem>>
      %dma_start3A_170 = arith.constant 0 : i32
      %dma_start3A_171 = arith.constant 0 : i32
      %dma_start3A_172 = tpu.memref_slice %arg3[%dma_start3A_170, %dma_start3A_171] : memref<100000x64xf32, #tpu.memory_space<hbm>> -> memref<100000x64xf32, #tpu.memory_space<hbm>>
      tpu.enqueue_indirect_dma source(%dma_start3A_172 : memref<100000x64xf32, #tpu.memory_space<hbm>>) target(%arg7 : memref<128x64xf32, #tpu.memory_space<vmem>>) offsets(%dma_start3A_169 : memref<128xi32, #tpu.memory_space<vmem>>) semaphore(%arg13 : memref<!tpu.dma_semaphore, #tpu.memory_space<semaphore_mem>>)
      %dma_start3A_173 = arith.constant 2 : i32
      %dma_start3A_174 = arith.constant 0 : i32
      %dma_start3A_175 = tpu.memref_slice %arg5[%dma_start3A_173, %dma_start3A_174] : memref<50x128xi32, #tpu.memory_space<vmem>> -> memref<1x128xi32, #tpu.memory_space<vmem>>
      %dma_start3A_176 = tpu.memref_squeeze %dma_start3A_175 : memref<1x128xi32, #tpu.memory_space<vmem>> -> memref<128xi32, #tpu.memory_space<vmem>>
      %dma_start3A_177 = arith.constant 0 : i32
      %dma_start3A_178 = arith.constant 0 : i32
      %dma_start3A_179 = tpu.memref_slice %arg3[%dma_start3A_177, %dma_start3A_178] : memref<100000x64xf32, #tpu.memory_space<hbm>> -> memref<100000x64xf32, #tpu.memory_space<hbm>>
      tpu.enqueue_indirect_dma source(%dma_start3A_179 : memref<100000x64xf32, #tpu.memory_space<hbm>>) target(%arg8 : memref<128x64xf32, #tpu.memory_space<vmem>>) offsets(%dma_start3A_176 : memref<128xi32, #tpu.memory_space<vmem>>) semaphore(%arg14 : memref<!tpu.dma_semaphore, #tpu.memory_space<semaphore_mem>>)
      %dma_start3A_180 = arith.constant 3 : i32
      %dma_start3A_181 = arith.constant 0 : i32
      %dma_start3A_182 = tpu.memref_slice %arg5[%dma_start3A_180, %dma_start3A_181] : memref<50x128xi32, #tpu.memory_space<vmem>> -> memref<1x128xi32, #tpu.memory_space<vmem>>
      %dma_start3A_183 = tpu.memref_squeeze %dma_start3A_182 : memref<1x128xi32, #tpu.memory_space<vmem>> -> memref<128xi32, #tpu.memory_space<vmem>>
      %dma_start3A_184 = arith.constant 0 : i32
      %dma_start3A_185 = arith.constant 0 : i32
      %dma_start3A_186 = tpu.memref_slice %arg3[%dma_start3A_184, %dma_start3A_185] : memref<100000x64xf32, #tpu.memory_space<hbm>> -> memref<100000x64xf32, #tpu.memory_space<hbm>>
      tpu.enqueue_indirect_dma source(%dma_start3A_186 : memref<100000x64xf32, #tpu.memory_space<hbm>>) target(%arg9 : memref<128x64xf32, #tpu.memory_space<vmem>>) offsets(%dma_start3A_183 : memref<128xi32, #tpu.memory_space<vmem>>) semaphore(%arg15 : memref<!tpu.dma_semaphore, #tpu.memory_space<semaphore_mem>>)
      %dma_wait3A = arith.constant 0 : i32
      %dma_wait3A_187 = arith.constant 0 : i32
      %dma_wait3A_188 = tpu.memref_slice %arg3[%dma_wait3A, %dma_wait3A_187] : memref<100000x64xf32, #tpu.memory_space<hbm>> -> memref<128x64xf32, #tpu.memory_space<hbm>>
      %dma_wait3A_189 = arith.constant 0 : i32
      %dma_wait3A_190 = arith.constant 0 : i32
      %dma_wait3A_191 = tpu.memref_slice %arg3[%dma_wait3A_189, %dma_wait3A_190] : memref<100000x64xf32, #tpu.memory_space<hbm>> -> memref<128x64xf32, #tpu.memory_space<hbm>>
      tpu.wait_dma2 semaphore(%arg12 : memref<!tpu.dma_semaphore, #tpu.memory_space<semaphore_mem>>) src(%dma_wait3A_191 : memref<128x64xf32, #tpu.memory_space<hbm>>) dst(%arg6 : memref<128x64xf32, #tpu.memory_space<vmem>>)
      %scan3A_192 = arith.constant 0 : i32
      %scan3A_193 = arith.constant 0 : i32
      %scan3A_194 = arith.constant 32 : i32
      %scan3A_195 = arith.addi %scan3A_193, %scan3A_194 : i32
      %scan3A_196 = arith.constant 1 : i32
      scf.for %scan3A_512 = %scan3A_193 to %scan3A_195 step %scan3A_196  : i32 {
        %mul3A_513 = arith.constant 4 : i32
        %mul3A_514 = arith.muli %mul3A_513, %scan3A_512 : i32
        %add3A_515 = arith.constant 0 : i32
        %add3A_516 = arith.addi %mul3A_514, %add3A_515 : i32
        %broadcast_in_dim3A = arith.constant 0 : i32
        %broadcast_in_dim3A_517 = vector.broadcast %broadcast_in_dim3A : i32 to vector<16xi32>
        %add3A_518 = vector.broadcast %add3A_516 : i32 to vector<16xi32>
        %add3A_519 = arith.addi %broadcast_in_dim3A_517, %add3A_518 : vector<16xi32>
        %get3A = arith.index_cast %add3A_516 : i32 to index
        %get3A_520 = arith.constant 0 : index
        %get3A_521 = tpu.vector_load %arg6[%get3A, %get3A_520] {strides = array<i32>} : memref<128x64xf32, #tpu.memory_space<vmem>>, vector<16xf32>,
        %get3A_522 = arith.index_cast %add3A_516 : i32 to index
        %get3A_523 = arith.constant 16 : index
        %get3A_524 = tpu.vector_load %arg6[%get3A_522, %get3A_523] {strides = array<i32>} : memref<128x64xf32, #tpu.memory_space<vmem>>, vector<16xf32>,
        %get3A_525 = arith.index_cast %add3A_516 : i32 to index
        %get3A_526 = arith.constant 32 : index
        %get3A_527 = tpu.vector_load %arg6[%get3A_525, %get3A_526] {strides = array<i32>} : memref<128x64xf32, #tpu.memory_space<vmem>>, vector<16xf32>,
        %get3A_528 = arith.index_cast %add3A_516 : i32 to index
        %get3A_529 = arith.constant 48 : index
        %get3A_530 = tpu.vector_load %arg6[%get3A_528, %get3A_529] {strides = array<i32>} : memref<128x64xf32, #tpu.memory_space<vmem>>, vector<16xf32>,
        %mul3A_531 = arith.constant 4 : i32
        %mul3A_532 = arith.muli %mul3A_531, %scan3A_512 : i32
        %add3A_533 = arith.constant 1 : i32
        %add3A_534 = arith.addi %mul3A_532, %add3A_533 : i32
        %broadcast_in_dim3A_535 = arith.constant 0 : i32
        %broadcast_in_dim3A_536 = vector.broadcast %broadcast_in_dim3A_535 : i32 to vector<16xi32>
        %add3A_537 = vector.broadcast %add3A_534 : i32 to vector<16xi32>
        %add3A_538 = arith.addi %broadcast_in_dim3A_536, %add3A_537 : vector<16xi32>
        %get3A_539 = arith.index_cast %add3A_534 : i32 to index
        %get3A_540 = arith.constant 0 : index
        %get3A_541 = tpu.vector_load %arg6[%get3A_539, %get3A_540] {strides = array<i32>} : memref<128x64xf32, #tpu.memory_space<vmem>>, vector<16xf32>,
        %get3A_542 = arith.index_cast %add3A_534 : i32 to index
        %get3A_543 = arith.constant 16 : index
        %get3A_544 = tpu.vector_load %arg6[%get3A_542, %get3A_543] {strides = array<i32>} : memref<128x64xf32, #tpu.memory_space<vmem>>, vector<16xf32>,
        %get3A_545 = arith.index_cast %add3A_534 : i32 to index
        %get3A_546 = arith.constant 32 : index
        %get3A_547 = tpu.vector_load %arg6[%get3A_545, %get3A_546] {strides = array<i32>} : memref<128x64xf32, #tpu.memory_space<vmem>>, vector<16xf32>,
        %get3A_548 = arith.index_cast %add3A_534 : i32 to index
        %get3A_549 = arith.constant 48 : index
        %get3A_550 = tpu.vector_load %arg6[%get3A_548, %get3A_549] {strides = array<i32>} : memref<128x64xf32, #tpu.memory_space<vmem>>, vector<16xf32>,
        %mul3A_551 = arith.constant 4 : i32
        %mul3A_552 = arith.muli %mul3A_551, %scan3A_512 : i32
        %add3A_553 = arith.constant 2 : i32
        %add3A_554 = arith.addi %mul3A_552, %add3A_553 : i32
        %broadcast_in_dim3A_555 = arith.constant 0 : i32
        %broadcast_in_dim3A_556 = vector.broadcast %broadcast_in_dim3A_555 : i32 to vector<16xi32>
        %add3A_557 = vector.broadcast %add3A_554 : i32 to vector<16xi32>
        %add3A_558 = arith.addi %broadcast_in_dim3A_556, %add3A_557 : vector<16xi32>
        %get3A_559 = arith.index_cast %add3A_554 : i32 to index
        %get3A_560 = arith.constant 0 : index
        %get3A_561 = tpu.vector_load %arg6[%get3A_559, %get3A_560] {strides = array<i32>} : memref<128x64xf32, #tpu.memory_space<vmem>>, vector<16xf32>,
        %get3A_562 = arith.index_cast %add3A_554 : i32 to index
        %get3A_563 = arith.constant 16 : index
        %get3A_564 = tpu.vector_load %arg6[%get3A_562, %get3A_563] {strides = array<i32>} : memref<128x64xf32, #tpu.memory_space<vmem>>, vector<16xf32>,
        %get3A_565 = arith.index_cast %add3A_554 : i32 to index
        %get3A_566 = arith.constant 32 : index
        %get3A_567 = tpu.vector_load %arg6[%get3A_565, %get3A_566] {strides = array<i32>} : memref<128x64xf32, #tpu.memory_space<vmem>>, vector<16xf32>,
        %get3A_568 = arith.index_cast %add3A_554 : i32 to index
        %get3A_569 = arith.constant 48 : index
        %get3A_570 = tpu.vector_load %arg6[%get3A_568, %get3A_569] {strides = array<i32>} : memref<128x64xf32, #tpu.memory_space<vmem>>, vector<16xf32>,
        %mul3A_571 = arith.constant 4 : i32
        %mul3A_572 = arith.muli %mul3A_571, %scan3A_512 : i32
        %add3A_573 = arith.constant 3 : i32
        %add3A_574 = arith.addi %mul3A_572, %add3A_573 : i32
        %broadcast_in_dim3A_575 = arith.constant 0 : i32
        %broadcast_in_dim3A_576 = vector.broadcast %broadcast_in_dim3A_575 : i32 to vector<16xi32>
        %add3A_577 = vector.broadcast %add3A_574 : i32 to vector<16xi32>
        %add3A_578 = arith.addi %broadcast_in_dim3A_576, %add3A_577 : vector<16xi32>
        %get3A_579 = arith.index_cast %add3A_574 : i32 to index
        %get3A_580 = arith.constant 0 : index
        %get3A_581 = tpu.vector_load %arg6[%get3A_579, %get3A_580] {strides = array<i32>} : memref<128x64xf32, #tpu.memory_space<vmem>>, vector<16xf32>,
        %get3A_582 = arith.index_cast %add3A_574 : i32 to index
        %get3A_583 = arith.constant 16 : index
        %get3A_584 = tpu.vector_load %arg6[%get3A_582, %get3A_583] {strides = array<i32>} : memref<128x64xf32, #tpu.memory_space<vmem>>, vector<16xf32>,
        %get3A_585 = arith.index_cast %add3A_574 : i32 to index
        %get3A_586 = arith.constant 32 : index
        %get3A_587 = tpu.vector_load %arg6[%get3A_585, %get3A_586] {strides = array<i32>} : memref<128x64xf32, #tpu.memory_space<vmem>>, vector<16xf32>,
        %get3A_588 = arith.index_cast %add3A_574 : i32 to index
        %get3A_589 = arith.constant 48 : index
        %get3A_590 = tpu.vector_load %arg6[%get3A_588, %get3A_589] {strides = array<i32>} : memref<128x64xf32, #tpu.memory_space<vmem>>, vector<16xf32>,
        tpu.vector_store_idx %arg10[%add3A_46, %select_n3A_15, %add3A_519], %get3A_521 : memref<8x8x129xf32, #tpu.memory_space<vmem>>[vector<16xi32>, vector<16xi32>, vector<16xi32>], vector<16xf32>,
        tpu.vector_store_idx %arg10[%add3A_80, %select_n3A_15, %add3A_519], %get3A_524 : memref<8x8x129xf32, #tpu.memory_space<vmem>>[vector<16xi32>, vector<16xi32>, vector<16xi32>], vector<16xf32>,
        tpu.vector_store_idx %arg10[%add3A_114, %select_n3A_15, %add3A_519], %get3A_527 : memref<8x8x129xf32, #tpu.memory_space<vmem>>[vector<16xi32>, vector<16xi32>, vector<16xi32>], vector<16xf32>,
        tpu.vector_store_idx %arg10[%add3A_148, %select_n3A_15, %add3A_519], %get3A_530 : memref<8x8x129xf32, #tpu.memory_space<vmem>>[vector<16xi32>, vector<16xi32>, vector<16xi32>], vector<16xf32>,
        tpu.vector_store_idx %arg10[%add3A_46, %select_n3A_15, %add3A_538], %get3A_541 : memref<8x8x129xf32, #tpu.memory_space<vmem>>[vector<16xi32>, vector<16xi32>, vector<16xi32>], vector<16xf32>,
        tpu.vector_store_idx %arg10[%add3A_80, %select_n3A_15, %add3A_538], %get3A_544 : memref<8x8x129xf32, #tpu.memory_space<vmem>>[vector<16xi32>, vector<16xi32>, vector<16xi32>], vector<16xf32>,
        tpu.vector_store_idx %arg10[%add3A_114, %select_n3A_15, %add3A_538], %get3A_547 : memref<8x8x129xf32, #tpu.memory_space<vmem>>[vector<16xi32>, vector<16xi32>, vector<16xi32>], vector<16xf32>,
        tpu.vector_store_idx %arg10[%add3A_148, %select_n3A_15, %add3A_538], %get3A_550 : memref<8x8x129xf32, #tpu.memory_space<vmem>>[vector<16xi32>, vector<16xi32>, vector<16xi32>], vector<16xf32>,
        tpu.vector_store_idx %arg10[%add3A_46, %select_n3A_15, %add3A_558], %get3A_561 : memref<8x8x129xf32, #tpu.memory_space<vmem>>[vector<16xi32>, vector<16xi32>, vector<16xi32>], vector<16xf32>,
        tpu.vector_store_idx %arg10[%add3A_80, %select_n3A_15, %add3A_558], %get3A_564 : memref<8x8x129xf32, #tpu.memory_space<vmem>>[vector<16xi32>, vector<16xi32>, vector<16xi32>], vector<16xf32>,
        tpu.vector_store_idx %arg10[%add3A_114, %select_n3A_15, %add3A_558], %get3A_567 : memref<8x8x129xf32, #tpu.memory_space<vmem>>[vector<16xi32>, vector<16xi32>, vector<16xi32>], vector<16xf32>,
        tpu.vector_store_idx %arg10[%add3A_148, %select_n3A_15, %add3A_558], %get3A_570 : memref<8x8x129xf32, #tpu.memory_space<vmem>>[vector<16xi32>, vector<16xi32>, vector<16xi32>], vector<16xf32>,
        tpu.vector_store_idx %arg10[%add3A_46, %select_n3A_15, %add3A_578], %get3A_581 : memref<8x8x129xf32, #tpu.memory_space<vmem>>[vector<16xi32>, vector<16xi32>, vector<16xi32>], vector<16xf32>,
        tpu.vector_store_idx %arg10[%add3A_80, %select_n3A_15, %add3A_578], %get3A_584 : memref<8x8x129xf32, #tpu.memory_space<vmem>>[vector<16xi32>, vector<16xi32>, vector<16xi32>], vector<16xf32>,
        tpu.vector_store_idx %arg10[%add3A_114, %select_n3A_15, %add3A_578], %get3A_587 : memref<8x8x129xf32, #tpu.memory_space<vmem>>[vector<16xi32>, vector<16xi32>, vector<16xi32>], vector<16xf32>,
        tpu.vector_store_idx %arg10[%add3A_148, %select_n3A_15, %add3A_578], %get3A_590 : memref<8x8x129xf32, #tpu.memory_space<vmem>>[vector<16xi32>, vector<16xi32>, vector<16xi32>], vector<16xf32>,
      }
      %scan3A_197 = arith.constant 32 : i32
      %dma_start3A_198 = arith.constant 0 : i32
      %dma_start3A_199 = arith.constant 0 : i32
      %dma_start3A_200 = arith.constant 0 : i32
      %dma_start3A_201 = arith.constant 0 : i32
      %dma_start3A_202 = tpu.memref_slice %arg10[%dma_start3A_199, %dma_start3A_200, %dma_start3A_201] : memref<8x8x129xf32, #tpu.memory_space<vmem>> -> memref<8x8x128xf32, #tpu.memory_space<vmem>>
      %dma_start3A_203 = arith.constant 0 : i32
      %dma_start3A_204 = arith.constant 0 : i32
      %dma_start3A_205 = arith.constant 0 : i32
      %dma_start3A_206 = tpu.memref_slice %arg4[%dma_start3A_198, %dma_start3A_203, %add3A_157, %dma_start3A_204, %dma_start3A_205] : memref<50x8x128x8x128xf32, #tpu.memory_space<hbm>> -> memref<1x8x1x8x128xf32, #tpu.memory_space<hbm>>
      %dma_start3A_207 = tpu.memref_squeeze %dma_start3A_206 : memref<1x8x1x8x128xf32, #tpu.memory_space<hbm>> -> memref<8x8x128xf32, #tpu.memory_space<hbm>>
      %dma_start3A_208 = arith.constant 0 : i32
      %dma_start3A_209 = arith.constant 0 : i32
      %dma_start3A_210 = arith.constant 0 : i32
      %dma_start3A_211 = tpu.memref_slice %arg4[%dma_start3A_198, %dma_start3A_208, %add3A_157, %dma_start3A_209, %dma_start3A_210] : memref<50x8x128x8x128xf32, #tpu.memory_space<hbm>> -> memref<1x8x1x8x128xf32, #tpu.memory_space<hbm>>
      %dma_start3A_212 = tpu.memref_squeeze %dma_start3A_211 : memref<1x8x1x8x128xf32, #tpu.memory_space<hbm>> -> memref<8x8x128xf32, #tpu.memory_space<hbm>>
      %dma_start3A_213 = arith.constant 0 : i32
      %dma_start3A_214 = arith.constant 0 : i32
      %dma_start3A_215 = arith.constant 0 : i32
      %dma_start3A_216 = tpu.memref_slice %arg10[%dma_start3A_213, %dma_start3A_214, %dma_start3A_215] : memref<8x8x129xf32, #tpu.memory_space<vmem>> -> memref<8x8x128xf32, #tpu.memory_space<vmem>>
      tpu.enqueue_dma source(%dma_start3A_216 : memref<8x8x128xf32, #tpu.memory_space<vmem>>) target(%dma_start3A_212 : memref<8x8x128xf32, #tpu.memory_space<hbm>>) target_semaphore(%arg16 : memref<!tpu.dma_semaphore, #tpu.memory_space<semaphore_mem>>)
      %dma_start3A_217 = arith.constant 4 : i32
      %dma_start3A_218 = arith.constant 0 : i32
      %dma_start3A_219 = tpu.memref_slice %arg5[%dma_start3A_217, %dma_start3A_218] : memref<50x128xi32, #tpu.memory_space<vmem>> -> memref<1x128xi32, #tpu.memory_space<vmem>>
      %dma_start3A_220 = tpu.memref_squeeze %dma_start3A_219 : memref<1x128xi32, #tpu.memory_space<vmem>> -> memref<128xi32, #tpu.memory_space<vmem>>
      %dma_start3A_221 = arith.constant 0 : i32
      %dma_start3A_222 = arith.constant 0 : i32
      %dma_start3A_223 = tpu.memref_slice %arg3[%dma_start3A_221, %dma_start3A_222] : memref<100000x64xf32, #tpu.memory_space<hbm>> -> memref<100000x64xf32, #tpu.memory_space<hbm>>
      tpu.enqueue_indirect_dma source(%dma_start3A_223 : memref<100000x64xf32, #tpu.memory_space<hbm>>) target(%arg6 : memref<128x64xf32, #tpu.memory_space<vmem>>) offsets(%dma_start3A_220 : memref<128xi32, #tpu.memory_space<vmem>>) semaphore(%arg12 : memref<!tpu.dma_semaphore, #tpu.memory_space<semaphore_mem>>)
      %dma_wait3A_224 = arith.constant 0 : i32
      %dma_wait3A_225 = arith.constant 0 : i32
      %dma_wait3A_226 = tpu.memref_slice %arg3[%dma_wait3A_224, %dma_wait3A_225] : memref<100000x64xf32, #tpu.memory_space<hbm>> -> memref<128x64xf32, #tpu.memory_space<hbm>>
      %dma_wait3A_227 = arith.constant 0 : i32
      %dma_wait3A_228 = arith.constant 0 : i32
      %dma_wait3A_229 = tpu.memref_slice %arg3[%dma_wait3A_227, %dma_wait3A_228] : memref<100000x64xf32, #tpu.memory_space<hbm>> -> memref<128x64xf32, #tpu.memory_space<hbm>>
      tpu.wait_dma2 semaphore(%arg13 : memref<!tpu.dma_semaphore, #tpu.memory_space<semaphore_mem>>) src(%dma_wait3A_229 : memref<128x64xf32, #tpu.memory_space<hbm>>) dst(%arg7 : memref<128x64xf32, #tpu.memory_space<vmem>>)
      %scan3A_230 = arith.constant 0 : i32
      %scan3A_231 = arith.constant 0 : i32
      %scan3A_232 = arith.constant 32 : i32
      %scan3A_233 = arith.addi %scan3A_231, %scan3A_232 : i32
      %scan3A_234 = arith.constant 1 : i32
      scf.for %scan3A_512 = %scan3A_231 to %scan3A_233 step %scan3A_234  : i32 {
        %mul3A_513 = arith.constant 4 : i32
        %mul3A_514 = arith.muli %mul3A_513, %scan3A_512 : i32
        %add3A_515 = arith.constant 0 : i32
        %add3A_516 = arith.addi %mul3A_514, %add3A_515 : i32
        %broadcast_in_dim3A = arith.constant 0 : i32
        %broadcast_in_dim3A_517 = vector.broadcast %broadcast_in_dim3A : i32 to vector<16xi32>
        %add3A_518 = vector.broadcast %add3A_516 : i32 to vector<16xi32>
        %add3A_519 = arith.addi %broadcast_in_dim3A_517, %add3A_518 : vector<16xi32>
        %get3A = arith.index_cast %add3A_516 : i32 to index
        %get3A_520 = arith.constant 0 : index
        %get3A_521 = tpu.vector_load %arg7[%get3A, %get3A_520] {strides = array<i32>} : memref<128x64xf32, #tpu.memory_space<vmem>>, vector<16xf32>,
        %get3A_522 = arith.index_cast %add3A_516 : i32 to index
        %get3A_523 = arith.constant 16 : index
        %get3A_524 = tpu.vector_load %arg7[%get3A_522, %get3A_523] {strides = array<i32>} : memref<128x64xf32, #tpu.memory_space<vmem>>, vector<16xf32>,
        %get3A_525 = arith.index_cast %add3A_516 : i32 to index
        %get3A_526 = arith.constant 32 : index
        %get3A_527 = tpu.vector_load %arg7[%get3A_525, %get3A_526] {strides = array<i32>} : memref<128x64xf32, #tpu.memory_space<vmem>>, vector<16xf32>,
        %get3A_528 = arith.index_cast %add3A_516 : i32 to index
        %get3A_529 = arith.constant 48 : index
        %get3A_530 = tpu.vector_load %arg7[%get3A_528, %get3A_529] {strides = array<i32>} : memref<128x64xf32, #tpu.memory_space<vmem>>, vector<16xf32>,
        %mul3A_531 = arith.constant 4 : i32
        %mul3A_532 = arith.muli %mul3A_531, %scan3A_512 : i32
        %add3A_533 = arith.constant 1 : i32
        %add3A_534 = arith.addi %mul3A_532, %add3A_533 : i32
        %broadcast_in_dim3A_535 = arith.constant 0 : i32
        %broadcast_in_dim3A_536 = vector.broadcast %broadcast_in_dim3A_535 : i32 to vector<16xi32>
        %add3A_537 = vector.broadcast %add3A_534 : i32 to vector<16xi32>
        %add3A_538 = arith.addi %broadcast_in_dim3A_536, %add3A_537 : vector<16xi32>
        %get3A_539 = arith.index_cast %add3A_534 : i32 to index
        %get3A_540 = arith.constant 0 : index
        %get3A_541 = tpu.vector_load %arg7[%get3A_539, %get3A_540] {strides = array<i32>} : memref<128x64xf32, #tpu.memory_space<vmem>>, vector<16xf32>,
        %get3A_542 = arith.index_cast %add3A_534 : i32 to index
        %get3A_543 = arith.constant 16 : index
        %get3A_544 = tpu.vector_load %arg7[%get3A_542, %get3A_543] {strides = array<i32>} : memref<128x64xf32, #tpu.memory_space<vmem>>, vector<16xf32>,
        %get3A_545 = arith.index_cast %add3A_534 : i32 to index
        %get3A_546 = arith.constant 32 : index
        %get3A_547 = tpu.vector_load %arg7[%get3A_545, %get3A_546] {strides = array<i32>} : memref<128x64xf32, #tpu.memory_space<vmem>>, vector<16xf32>,
        %get3A_548 = arith.index_cast %add3A_534 : i32 to index
        %get3A_549 = arith.constant 48 : index
        %get3A_550 = tpu.vector_load %arg7[%get3A_548, %get3A_549] {strides = array<i32>} : memref<128x64xf32, #tpu.memory_space<vmem>>, vector<16xf32>,
        %mul3A_551 = arith.constant 4 : i32
        %mul3A_552 = arith.muli %mul3A_551, %scan3A_512 : i32
        %add3A_553 = arith.constant 2 : i32
        %add3A_554 = arith.addi %mul3A_552, %add3A_553 : i32
        %broadcast_in_dim3A_555 = arith.constant 0 : i32
        %broadcast_in_dim3A_556 = vector.broadcast %broadcast_in_dim3A_555 : i32 to vector<16xi32>
        %add3A_557 = vector.broadcast %add3A_554 : i32 to vector<16xi32>
        %add3A_558 = arith.addi %broadcast_in_dim3A_556, %add3A_557 : vector<16xi32>
        %get3A_559 = arith.index_cast %add3A_554 : i32 to index
        %get3A_560 = arith.constant 0 : index
        %get3A_561 = tpu.vector_load %arg7[%get3A_559, %get3A_560] {strides = array<i32>} : memref<128x64xf32, #tpu.memory_space<vmem>>, vector<16xf32>,
        %get3A_562 = arith.index_cast %add3A_554 : i32 to index
        %get3A_563 = arith.constant 16 : index
        %get3A_564 = tpu.vector_load %arg7[%get3A_562, %get3A_563] {strides = array<i32>} : memref<128x64xf32, #tpu.memory_space<vmem>>, vector<16xf32>,
        %get3A_565 = arith.index_cast %add3A_554 : i32 to index
        %get3A_566 = arith.constant 32 : index
        %get3A_567 = tpu.vector_load %arg7[%get3A_565, %get3A_566] {strides = array<i32>} : memref<128x64xf32, #tpu.memory_space<vmem>>, vector<16xf32>,
        %get3A_568 = arith.index_cast %add3A_554 : i32 to index
        %get3A_569 = arith.constant 48 : index
        %get3A_570 = tpu.vector_load %arg7[%get3A_568, %get3A_569] {strides = array<i32>} : memref<128x64xf32, #tpu.memory_space<vmem>>, vector<16xf32>,
        %mul3A_571 = arith.constant 4 : i32
        %mul3A_572 = arith.muli %mul3A_571, %scan3A_512 : i32
        %add3A_573 = arith.constant 3 : i32
        %add3A_574 = arith.addi %mul3A_572, %add3A_573 : i32
        %broadcast_in_dim3A_575 = arith.constant 0 : i32
        %broadcast_in_dim3A_576 = vector.broadcast %broadcast_in_dim3A_575 : i32 to vector<16xi32>
        %add3A_577 = vector.broadcast %add3A_574 : i32 to vector<16xi32>
        %add3A_578 = arith.addi %broadcast_in_dim3A_576, %add3A_577 : vector<16xi32>
        %get3A_579 = arith.index_cast %add3A_574 : i32 to index
        %get3A_580 = arith.constant 0 : index
        %get3A_581 = tpu.vector_load %arg7[%get3A_579, %get3A_580] {strides = array<i32>} : memref<128x64xf32, #tpu.memory_space<vmem>>, vector<16xf32>,
        %get3A_582 = arith.index_cast %add3A_574 : i32 to index
        %get3A_583 = arith.constant 16 : index
        %get3A_584 = tpu.vector_load %arg7[%get3A_582, %get3A_583] {strides = array<i32>} : memref<128x64xf32, #tpu.memory_space<vmem>>, vector<16xf32>,
        %get3A_585 = arith.index_cast %add3A_574 : i32 to index
        %get3A_586 = arith.constant 32 : index
        %get3A_587 = tpu.vector_load %arg7[%get3A_585, %get3A_586] {strides = array<i32>} : memref<128x64xf32, #tpu.memory_space<vmem>>, vector<16xf32>,
        %get3A_588 = arith.index_cast %add3A_574 : i32 to index
        %get3A_589 = arith.constant 48 : index
        %get3A_590 = tpu.vector_load %arg7[%get3A_588, %get3A_589] {strides = array<i32>} : memref<128x64xf32, #tpu.memory_space<vmem>>, vector<16xf32>,
        tpu.vector_store_idx %arg11[%add3A_46, %select_n3A_15, %add3A_519], %get3A_521 : memref<8x8x129xf32, #tpu.memory_space<vmem>>[vector<16xi32>, vector<16xi32>, vector<16xi32>], vector<16xf32>,
        tpu.vector_store_idx %arg11[%add3A_80, %select_n3A_15, %add3A_519], %get3A_524 : memref<8x8x129xf32, #tpu.memory_space<vmem>>[vector<16xi32>, vector<16xi32>, vector<16xi32>], vector<16xf32>,
        tpu.vector_store_idx %arg11[%add3A_114, %select_n3A_15, %add3A_519], %get3A_527 : memref<8x8x129xf32, #tpu.memory_space<vmem>>[vector<16xi32>, vector<16xi32>, vector<16xi32>], vector<16xf32>,
        tpu.vector_store_idx %arg11[%add3A_148, %select_n3A_15, %add3A_519], %get3A_530 : memref<8x8x129xf32, #tpu.memory_space<vmem>>[vector<16xi32>, vector<16xi32>, vector<16xi32>], vector<16xf32>,
        tpu.vector_store_idx %arg11[%add3A_46, %select_n3A_15, %add3A_538], %get3A_541 : memref<8x8x129xf32, #tpu.memory_space<vmem>>[vector<16xi32>, vector<16xi32>, vector<16xi32>], vector<16xf32>,
        tpu.vector_store_idx %arg11[%add3A_80, %select_n3A_15, %add3A_538], %get3A_544 : memref<8x8x129xf32, #tpu.memory_space<vmem>>[vector<16xi32>, vector<16xi32>, vector<16xi32>], vector<16xf32>,
        tpu.vector_store_idx %arg11[%add3A_114, %select_n3A_15, %add3A_538], %get3A_547 : memref<8x8x129xf32, #tpu.memory_space<vmem>>[vector<16xi32>, vector<16xi32>, vector<16xi32>], vector<16xf32>,
        tpu.vector_store_idx %arg11[%add3A_148, %select_n3A_15, %add3A_538], %get3A_550 : memref<8x8x129xf32, #tpu.memory_space<vmem>>[vector<16xi32>, vector<16xi32>, vector<16xi32>], vector<16xf32>,
        tpu.vector_store_idx %arg11[%add3A_46, %select_n3A_15, %add3A_558], %get3A_561 : memref<8x8x129xf32, #tpu.memory_space<vmem>>[vector<16xi32>, vector<16xi32>, vector<16xi32>], vector<16xf32>,
        tpu.vector_store_idx %arg11[%add3A_80, %select_n3A_15, %add3A_558], %get3A_564 : memref<8x8x129xf32, #tpu.memory_space<vmem>>[vector<16xi32>, vector<16xi32>, vector<16xi32>], vector<16xf32>,
        tpu.vector_store_idx %arg11[%add3A_114, %select_n3A_15, %add3A_558], %get3A_567 : memref<8x8x129xf32, #tpu.memory_space<vmem>>[vector<16xi32>, vector<16xi32>, vector<16xi32>], vector<16xf32>,
        tpu.vector_store_idx %arg11[%add3A_148, %select_n3A_15, %add3A_558], %get3A_570 : memref<8x8x129xf32, #tpu.memory_space<vmem>>[vector<16xi32>, vector<16xi32>, vector<16xi32>], vector<16xf32>,
        tpu.vector_store_idx %arg11[%add3A_46, %select_n3A_15, %add3A_578], %get3A_581 : memref<8x8x129xf32, #tpu.memory_space<vmem>>[vector<16xi32>, vector<16xi32>, vector<16xi32>], vector<16xf32>,
        tpu.vector_store_idx %arg11[%add3A_80, %select_n3A_15, %add3A_578], %get3A_584 : memref<8x8x129xf32, #tpu.memory_space<vmem>>[vector<16xi32>, vector<16xi32>, vector<16xi32>], vector<16xf32>,
        tpu.vector_store_idx %arg11[%add3A_114, %select_n3A_15, %add3A_578], %get3A_587 : memref<8x8x129xf32, #tpu.memory_space<vmem>>[vector<16xi32>, vector<16xi32>, vector<16xi32>], vector<16xf32>,
        tpu.vector_store_idx %arg11[%add3A_148, %select_n3A_15, %add3A_578], %get3A_590 : memref<8x8x129xf32, #tpu.memory_space<vmem>>[vector<16xi32>, vector<16xi32>, vector<16xi32>], vector<16xf32>,
      }
      %scan3A_235 = arith.constant 32 : i32
      %dma_start3A_236 = arith.constant 1 : i32
      %dma_start3A_237 = arith.constant 0 : i32
      %dma_start3A_238 = arith.constant 0 : i32
      %dma_start3A_239 = arith.constant 0 : i32
      %dma_start3A_240 = tpu.memref_slice %arg11[%dma_start3A_237, %dma_start3A_238, %dma_start3A_239] : memref<8x8x129xf32, #tpu.memory_space<vmem>> -> memref<8x8x128xf32, #tpu.memory_space<vmem>>
      %dma_start3A_241 = arith.constant 0 : i32
      %dma_start3A_242 = arith.constant 0 : i32
      %dma_start3A_243 = arith.constant 0 : i32
      %dma_start3A_244 = tpu.memref_slice %arg4[%dma_start3A_236, %dma_start3A_241, %add3A_157, %dma_start3A_242, %dma_start3A_243] : memref<50x8x128x8x128xf32, #tpu.memory_space<hbm>> -> memref<1x8x1x8x128xf32, #tpu.memory_space<hbm>>
      %dma_start3A_245 = tpu.memref_squeeze %dma_start3A_244 : memref<1x8x1x8x128xf32, #tpu.memory_space<hbm>> -> memref<8x8x128xf32, #tpu.memory_space<hbm>>
      %dma_start3A_246 = arith.constant 0 : i32
      %dma_start3A_247 = arith.constant 0 : i32
      %dma_start3A_248 = arith.constant 0 : i32
      %dma_start3A_249 = tpu.memref_slice %arg4[%dma_start3A_236, %dma_start3A_246, %add3A_157, %dma_start3A_247, %dma_start3A_248] : memref<50x8x128x8x128xf32, #tpu.memory_space<hbm>> -> memref<1x8x1x8x128xf32, #tpu.memory_space<hbm>>
      %dma_start3A_250 = tpu.memref_squeeze %dma_start3A_249 : memref<1x8x1x8x128xf32, #tpu.memory_space<hbm>> -> memref<8x8x128xf32, #tpu.memory_space<hbm>>
      %dma_start3A_251 = arith.constant 0 : i32
      %dma_start3A_252 = arith.constant 0 : i32
      %dma_start3A_253 = arith.constant 0 : i32
      %dma_start3A_254 = tpu.memref_slice %arg11[%dma_start3A_251, %dma_start3A_252, %dma_start3A_253] : memref<8x8x129xf32, #tpu.memory_space<vmem>> -> memref<8x8x128xf32, #tpu.memory_space<vmem>>
      tpu.enqueue_dma source(%dma_start3A_254 : memref<8x8x128xf32, #tpu.memory_space<vmem>>) target(%dma_start3A_250 : memref<8x8x128xf32, #tpu.memory_space<hbm>>) target_semaphore(%arg17 : memref<!tpu.dma_semaphore, #tpu.memory_space<semaphore_mem>>)
      %dma_start3A_255 = arith.constant 5 : i32
      %dma_start3A_256 = arith.constant 0 : i32
      %dma_start3A_257 = tpu.memref_slice %arg5[%dma_start3A_255, %dma_start3A_256] : memref<50x128xi32, #tpu.memory_space<vmem>> -> memref<1x128xi32, #tpu.memory_space<vmem>>
      %dma_start3A_258 = tpu.memref_squeeze %dma_start3A_257 : memref<1x128xi32, #tpu.memory_space<vmem>> -> memref<128xi32, #tpu.memory_space<vmem>>
      %dma_start3A_259 = arith.constant 0 : i32
      %dma_start3A_260 = arith.constant 0 : i32
      %dma_start3A_261 = tpu.memref_slice %arg3[%dma_start3A_259, %dma_start3A_260] : memref<100000x64xf32, #tpu.memory_space<hbm>> -> memref<100000x64xf32, #tpu.memory_space<hbm>>
      tpu.enqueue_indirect_dma source(%dma_start3A_261 : memref<100000x64xf32, #tpu.memory_space<hbm>>) target(%arg7 : memref<128x64xf32, #tpu.memory_space<vmem>>) offsets(%dma_start3A_258 : memref<128xi32, #tpu.memory_space<vmem>>) semaphore(%arg13 : memref<!tpu.dma_semaphore, #tpu.memory_space<semaphore_mem>>)
      %scan3A_262 = arith.constant 0 : i32
      %scan3A_263 = arith.constant 0 : i32
      %scan3A_264 = arith.constant 11 : i32
      %scan3A_265 = arith.addi %scan3A_263, %scan3A_264 : i32
      %scan3A_266 = arith.constant 1 : i32
      scf.for %scan3A_512 = %scan3A_263 to %scan3A_265 step %scan3A_266  : i32 {
        %mul3A_513 = arith.constant 4 : i32
        %mul3A_514 = arith.muli %mul3A_513, %scan3A_512 : i32
        %add3A_515 = arith.constant 2 : i32
        %add3A_516 = arith.addi %add3A_515, %mul3A_514 : i32
        %add3A_517 = arith.constant 0 : i32
        %add3A_518 = arith.addi %add3A_516, %add3A_517 : i32
        %dma_wait3A_519 = arith.constant 0 : i32
        %dma_wait3A_520 = arith.constant 0 : i32
        %dma_wait3A_521 = tpu.memref_slice %arg3[%dma_wait3A_519, %dma_wait3A_520] : memref<100000x64xf32, #tpu.memory_space<hbm>> -> memref<128x64xf32, #tpu.memory_space<hbm>>
        %dma_wait3A_522 = arith.constant 0 : i32
        %dma_wait3A_523 = arith.constant 0 : i32
        %dma_wait3A_524 = tpu.memref_slice %arg3[%dma_wait3A_522, %dma_wait3A_523] : memref<100000x64xf32, #tpu.memory_space<hbm>> -> memref<128x64xf32, #tpu.memory_space<hbm>>
        tpu.wait_dma2 semaphore(%arg14 : memref<!tpu.dma_semaphore, #tpu.memory_space<semaphore_mem>>) src(%dma_wait3A_524 : memref<128x64xf32, #tpu.memory_space<hbm>>) dst(%arg8 : memref<128x64xf32, #tpu.memory_space<vmem>>)
        %dma_wait3A_525 = arith.constant 0 : i32
        %dma_wait3A_526 = arith.constant 0 : i32
        %dma_wait3A_527 = arith.constant 0 : i32
        %dma_wait3A_528 = arith.constant 0 : i32
        %dma_wait3A_529 = arith.constant 0 : i32
        %dma_wait3A_530 = tpu.memref_slice %arg10[%dma_wait3A_527, %dma_wait3A_528, %dma_wait3A_529] : memref<8x8x129xf32, #tpu.memory_space<vmem>> -> memref<8x8x128xf32, #tpu.memory_space<vmem>>
        %dma_wait3A_531 = arith.constant 0 : i32
        %dma_wait3A_532 = arith.constant 0 : i32
        %dma_wait3A_533 = arith.constant 0 : i32
        %dma_wait3A_534 = tpu.memref_slice %arg4[%dma_wait3A_525, %dma_wait3A_531, %dma_wait3A_526, %dma_wait3A_532, %dma_wait3A_533] : memref<50x8x128x8x128xf32, #tpu.memory_space<hbm>> -> memref<1x8x1x8x128xf32, #tpu.memory_space<hbm>>
        %dma_wait3A_535 = tpu.memref_squeeze %dma_wait3A_534 : memref<1x8x1x8x128xf32, #tpu.memory_space<hbm>> -> memref<8x8x128xf32, #tpu.memory_space<hbm>>
        %dma_wait3A_536 = arith.constant 0 : i32
        %dma_wait3A_537 = arith.constant 0 : i32
        %dma_wait3A_538 = arith.constant 0 : i32
        %dma_wait3A_539 = tpu.memref_slice %arg4[%dma_wait3A_525, %dma_wait3A_536, %dma_wait3A_526, %dma_wait3A_537, %dma_wait3A_538] : memref<50x8x128x8x128xf32, #tpu.memory_space<hbm>> -> memref<1x8x1x8x128xf32, #tpu.memory_space<hbm>>
        %dma_wait3A_540 = tpu.memref_squeeze %dma_wait3A_539 : memref<1x8x1x8x128xf32, #tpu.memory_space<hbm>> -> memref<8x8x128xf32, #tpu.memory_space<hbm>>
        %dma_wait3A_541 = arith.constant 0 : i32
        %dma_wait3A_542 = arith.constant 0 : i32
        %dma_wait3A_543 = arith.constant 0 : i32
        %dma_wait3A_544 = tpu.memref_slice %arg10[%dma_wait3A_541, %dma_wait3A_542, %dma_wait3A_543] : memref<8x8x129xf32, #tpu.memory_space<vmem>> -> memref<8x8x128xf32, #tpu.memory_space<vmem>>
        tpu.wait_dma2 semaphore(%arg16 : memref<!tpu.dma_semaphore, #tpu.memory_space<semaphore_mem>>) src(%dma_wait3A_544 : memref<8x8x128xf32, #tpu.memory_space<vmem>>) dst(%dma_wait3A_540 : memref<8x8x128xf32, #tpu.memory_space<hbm>>)
        %scan3A_545 = arith.constant 0 : i32
        %scan3A_546 = arith.constant 0 : i32
        %scan3A_547 = arith.constant 32 : i32
        %scan3A_548 = arith.addi %scan3A_546, %scan3A_547 : i32
        %scan3A_549 = arith.constant 1 : i32
        scf.for %scan3A_757 = %scan3A_546 to %scan3A_548 step %scan3A_549  : i32 {
          %mul3A_758 = arith.constant 4 : i32
          %mul3A_759 = arith.muli %mul3A_758, %scan3A_757 : i32
          %add3A_760 = arith.constant 0 : i32
          %add3A_761 = arith.addi %mul3A_759, %add3A_760 : i32
          %broadcast_in_dim3A = arith.constant 0 : i32
          %broadcast_in_dim3A_762 = vector.broadcast %broadcast_in_dim3A : i32 to vector<16xi32>
          %add3A_763 = vector.broadcast %add3A_761 : i32 to vector<16xi32>
          %add3A_764 = arith.addi %broadcast_in_dim3A_762, %add3A_763 : vector<16xi32>
          %get3A = arith.index_cast %add3A_761 : i32 to index
          %get3A_765 = arith.constant 0 : index
          %get3A_766 = tpu.vector_load %arg8[%get3A, %get3A_765] {strides = array<i32>} : memref<128x64xf32, #tpu.memory_space<vmem>>, vector<16xf32>,
          %get3A_767 = arith.index_cast %add3A_761 : i32 to index
          %get3A_768 = arith.constant 16 : index
          %get3A_769 = tpu.vector_load %arg8[%get3A_767, %get3A_768] {strides = array<i32>} : memref<128x64xf32, #tpu.memory_space<vmem>>, vector<16xf32>,
          %get3A_770 = arith.index_cast %add3A_761 : i32 to index
          %get3A_771 = arith.constant 32 : index
          %get3A_772 = tpu.vector_load %arg8[%get3A_770, %get3A_771] {strides = array<i32>} : memref<128x64xf32, #tpu.memory_space<vmem>>, vector<16xf32>,
          %get3A_773 = arith.index_cast %add3A_761 : i32 to index
          %get3A_774 = arith.constant 48 : index
          %get3A_775 = tpu.vector_load %arg8[%get3A_773, %get3A_774] {strides = array<i32>} : memref<128x64xf32, #tpu.memory_space<vmem>>, vector<16xf32>,
          %mul3A_776 = arith.constant 4 : i32
          %mul3A_777 = arith.muli %mul3A_776, %scan3A_757 : i32
          %add3A_778 = arith.constant 1 : i32
          %add3A_779 = arith.addi %mul3A_777, %add3A_778 : i32
          %broadcast_in_dim3A_780 = arith.constant 0 : i32
          %broadcast_in_dim3A_781 = vector.broadcast %broadcast_in_dim3A_780 : i32 to vector<16xi32>
          %add3A_782 = vector.broadcast %add3A_779 : i32 to vector<16xi32>
          %add3A_783 = arith.addi %broadcast_in_dim3A_781, %add3A_782 : vector<16xi32>
          %get3A_784 = arith.index_cast %add3A_779 : i32 to index
          %get3A_785 = arith.constant 0 : index
          %get3A_786 = tpu.vector_load %arg8[%get3A_784, %get3A_785] {strides = array<i32>} : memref<128x64xf32, #tpu.memory_space<vmem>>, vector<16xf32>,
          %get3A_787 = arith.index_cast %add3A_779 : i32 to index
          %get3A_788 = arith.constant 16 : index
          %get3A_789 = tpu.vector_load %arg8[%get3A_787, %get3A_788] {strides = array<i32>} : memref<128x64xf32, #tpu.memory_space<vmem>>, vector<16xf32>,
          %get3A_790 = arith.index_cast %add3A_779 : i32 to index
          %get3A_791 = arith.constant 32 : index
          %get3A_792 = tpu.vector_load %arg8[%get3A_790, %get3A_791] {strides = array<i32>} : memref<128x64xf32, #tpu.memory_space<vmem>>, vector<16xf32>,
          %get3A_793 = arith.index_cast %add3A_779 : i32 to index
          %get3A_794 = arith.constant 48 : index
          %get3A_795 = tpu.vector_load %arg8[%get3A_793, %get3A_794] {strides = array<i32>} : memref<128x64xf32, #tpu.memory_space<vmem>>, vector<16xf32>,
          %mul3A_796 = arith.constant 4 : i32
          %mul3A_797 = arith.muli %mul3A_796, %scan3A_757 : i32
          %add3A_798 = arith.constant 2 : i32
          %add3A_799 = arith.addi %mul3A_797, %add3A_798 : i32
          %broadcast_in_dim3A_800 = arith.constant 0 : i32
          %broadcast_in_dim3A_801 = vector.broadcast %broadcast_in_dim3A_800 : i32 to vector<16xi32>
          %add3A_802 = vector.broadcast %add3A_799 : i32 to vector<16xi32>
          %add3A_803 = arith.addi %broadcast_in_dim3A_801, %add3A_802 : vector<16xi32>
          %get3A_804 = arith.index_cast %add3A_799 : i32 to index
          %get3A_805 = arith.constant 0 : index
          %get3A_806 = tpu.vector_load %arg8[%get3A_804, %get3A_805] {strides = array<i32>} : memref<128x64xf32, #tpu.memory_space<vmem>>, vector<16xf32>,
          %get3A_807 = arith.index_cast %add3A_799 : i32 to index
          %get3A_808 = arith.constant 16 : index
          %get3A_809 = tpu.vector_load %arg8[%get3A_807, %get3A_808] {strides = array<i32>} : memref<128x64xf32, #tpu.memory_space<vmem>>, vector<16xf32>,
          %get3A_810 = arith.index_cast %add3A_799 : i32 to index
          %get3A_811 = arith.constant 32 : index
          %get3A_812 = tpu.vector_load %arg8[%get3A_810, %get3A_811] {strides = array<i32>} : memref<128x64xf32, #tpu.memory_space<vmem>>, vector<16xf32>,
          %get3A_813 = arith.index_cast %add3A_799 : i32 to index
          %get3A_814 = arith.constant 48 : index
          %get3A_815 = tpu.vector_load %arg8[%get3A_813, %get3A_814] {strides = array<i32>} : memref<128x64xf32, #tpu.memory_space<vmem>>, vector<16xf32>,
          %mul3A_816 = arith.constant 4 : i32
          %mul3A_817 = arith.muli %mul3A_816, %scan3A_757 : i32
          %add3A_818 = arith.constant 3 : i32
          %add3A_819 = arith.addi %mul3A_817, %add3A_818 : i32
          %broadcast_in_dim3A_820 = arith.constant 0 : i32
          %broadcast_in_dim3A_821 = vector.broadcast %broadcast_in_dim3A_820 : i32 to vector<16xi32>
          %add3A_822 = vector.broadcast %add3A_819 : i32 to vector<16xi32>
          %add3A_823 = arith.addi %broadcast_in_dim3A_821, %add3A_822 : vector<16xi32>
          %get3A_824 = arith.index_cast %add3A_819 : i32 to index
          %get3A_825 = arith.constant 0 : index
          %get3A_826 = tpu.vector_load %arg8[%get3A_824, %get3A_825] {strides = array<i32>} : memref<128x64xf32, #tpu.memory_space<vmem>>, vector<16xf32>,
          %get3A_827 = arith.index_cast %add3A_819 : i32 to index
          %get3A_828 = arith.constant 16 : index
          %get3A_829 = tpu.vector_load %arg8[%get3A_827, %get3A_828] {strides = array<i32>} : memref<128x64xf32, #tpu.memory_space<vmem>>, vector<16xf32>,
          %get3A_830 = arith.index_cast %add3A_819 : i32 to index
          %get3A_831 = arith.constant 32 : index
          %get3A_832 = tpu.vector_load %arg8[%get3A_830, %get3A_831] {strides = array<i32>} : memref<128x64xf32, #tpu.memory_space<vmem>>, vector<16xf32>,
          %get3A_833 = arith.index_cast %add3A_819 : i32 to index
          %get3A_834 = arith.constant 48 : index
          %get3A_835 = tpu.vector_load %arg8[%get3A_833, %get3A_834] {strides = array<i32>} : memref<128x64xf32, #tpu.memory_space<vmem>>, vector<16xf32>,
          tpu.vector_store_idx %arg10[%add3A_46, %select_n3A_15, %add3A_764], %get3A_766 : memref<8x8x129xf32, #tpu.memory_space<vmem>>[vector<16xi32>, vector<16xi32>, vector<16xi32>], vector<16xf32>,
          tpu.vector_store_idx %arg10[%add3A_80, %select_n3A_15, %add3A_764], %get3A_769 : memref<8x8x129xf32, #tpu.memory_space<vmem>>[vector<16xi32>, vector<16xi32>, vector<16xi32>], vector<16xf32>,
          tpu.vector_store_idx %arg10[%add3A_114, %select_n3A_15, %add3A_764], %get3A_772 : memref<8x8x129xf32, #tpu.memory_space<vmem>>[vector<16xi32>, vector<16xi32>, vector<16xi32>], vector<16xf32>,
          tpu.vector_store_idx %arg10[%add3A_148, %select_n3A_15, %add3A_764], %get3A_775 : memref<8x8x129xf32, #tpu.memory_space<vmem>>[vector<16xi32>, vector<16xi32>, vector<16xi32>], vector<16xf32>,
          tpu.vector_store_idx %arg10[%add3A_46, %select_n3A_15, %add3A_783], %get3A_786 : memref<8x8x129xf32, #tpu.memory_space<vmem>>[vector<16xi32>, vector<16xi32>, vector<16xi32>], vector<16xf32>,
          tpu.vector_store_idx %arg10[%add3A_80, %select_n3A_15, %add3A_783], %get3A_789 : memref<8x8x129xf32, #tpu.memory_space<vmem>>[vector<16xi32>, vector<16xi32>, vector<16xi32>], vector<16xf32>,
          tpu.vector_store_idx %arg10[%add3A_114, %select_n3A_15, %add3A_783], %get3A_792 : memref<8x8x129xf32, #tpu.memory_space<vmem>>[vector<16xi32>, vector<16xi32>, vector<16xi32>], vector<16xf32>,
          tpu.vector_store_idx %arg10[%add3A_148, %select_n3A_15, %add3A_783], %get3A_795 : memref<8x8x129xf32, #tpu.memory_space<vmem>>[vector<16xi32>, vector<16xi32>, vector<16xi32>], vector<16xf32>,
          tpu.vector_store_idx %arg10[%add3A_46, %select_n3A_15, %add3A_803], %get3A_806 : memref<8x8x129xf32, #tpu.memory_space<vmem>>[vector<16xi32>, vector<16xi32>, vector<16xi32>], vector<16xf32>,
          tpu.vector_store_idx %arg10[%add3A_80, %select_n3A_15, %add3A_803], %get3A_809 : memref<8x8x129xf32, #tpu.memory_space<vmem>>[vector<16xi32>, vector<16xi32>, vector<16xi32>], vector<16xf32>,
          tpu.vector_store_idx %arg10[%add3A_114, %select_n3A_15, %add3A_803], %get3A_812 : memref<8x8x129xf32, #tpu.memory_space<vmem>>[vector<16xi32>, vector<16xi32>, vector<16xi32>], vector<16xf32>,
          tpu.vector_store_idx %arg10[%add3A_148, %select_n3A_15, %add3A_803], %get3A_815 : memref<8x8x129xf32, #tpu.memory_space<vmem>>[vector<16xi32>, vector<16xi32>, vector<16xi32>], vector<16xf32>,
          tpu.vector_store_idx %arg10[%add3A_46, %select_n3A_15, %add3A_823], %get3A_826 : memref<8x8x129xf32, #tpu.memory_space<vmem>>[vector<16xi32>, vector<16xi32>, vector<16xi32>], vector<16xf32>,
          tpu.vector_store_idx %arg10[%add3A_80, %select_n3A_15, %add3A_823], %get3A_829 : memref<8x8x129xf32, #tpu.memory_space<vmem>>[vector<16xi32>, vector<16xi32>, vector<16xi32>], vector<16xf32>,
          tpu.vector_store_idx %arg10[%add3A_114, %select_n3A_15, %add3A_823], %get3A_832 : memref<8x8x129xf32, #tpu.memory_space<vmem>>[vector<16xi32>, vector<16xi32>, vector<16xi32>], vector<16xf32>,
          tpu.vector_store_idx %arg10[%add3A_148, %select_n3A_15, %add3A_823], %get3A_835 : memref<8x8x129xf32, #tpu.memory_space<vmem>>[vector<16xi32>, vector<16xi32>, vector<16xi32>], vector<16xf32>,
        }
        %scan3A_550 = arith.constant 32 : i32
        %dma_start3A_551 = arith.constant 0 : i32
        %dma_start3A_552 = arith.constant 0 : i32
        %dma_start3A_553 = arith.constant 0 : i32
        %dma_start3A_554 = tpu.memref_slice %arg10[%dma_start3A_551, %dma_start3A_552, %dma_start3A_553] : memref<8x8x129xf32, #tpu.memory_space<vmem>> -> memref<8x8x128xf32, #tpu.memory_space<vmem>>
        %dma_start3A_555 = arith.constant 0 : i32
        %dma_start3A_556 = arith.constant 0 : i32
        %dma_start3A_557 = arith.constant 0 : i32
        %dma_start3A_558 = tpu.memref_slice %arg4[%add3A_518, %dma_start3A_555, %add3A_157, %dma_start3A_556, %dma_start3A_557] : memref<50x8x128x8x128xf32, #tpu.memory_space<hbm>> -> memref<1x8x1x8x128xf32, #tpu.memory_space<hbm>>
        %dma_start3A_559 = tpu.memref_squeeze %dma_start3A_558 : memref<1x8x1x8x128xf32, #tpu.memory_space<hbm>> -> memref<8x8x128xf32, #tpu.memory_space<hbm>>
        %dma_start3A_560 = arith.constant 0 : i32
        %dma_start3A_561 = arith.constant 0 : i32
        %dma_start3A_562 = arith.constant 0 : i32
        %dma_start3A_563 = tpu.memref_slice %arg4[%add3A_518, %dma_start3A_560, %add3A_157, %dma_start3A_561, %dma_start3A_562] : memref<50x8x128x8x128xf32, #tpu.memory_space<hbm>> -> memref<1x8x1x8x128xf32, #tpu.memory_space<hbm>>
        %dma_start3A_564 = tpu.memref_squeeze %dma_start3A_563 : memref<1x8x1x8x128xf32, #tpu.memory_space<hbm>> -> memref<8x8x128xf32, #tpu.memory_space<hbm>>
        %dma_start3A_565 = arith.constant 0 : i32
        %dma_start3A_566 = arith.constant 0 : i32
        %dma_start3A_567 = arith.constant 0 : i32
        %dma_start3A_568 = tpu.memref_slice %arg10[%dma_start3A_565, %dma_start3A_566, %dma_start3A_567] : memref<8x8x129xf32, #tpu.memory_space<vmem>> -> memref<8x8x128xf32, #tpu.memory_space<vmem>>
        tpu.enqueue_dma source(%dma_start3A_568 : memref<8x8x128xf32, #tpu.memory_space<vmem>>) target(%dma_start3A_564 : memref<8x8x128xf32, #tpu.memory_space<hbm>>) target_semaphore(%arg16 : memref<!tpu.dma_semaphore, #tpu.memory_space<semaphore_mem>>)
        %add3A_569 = arith.constant 4 : i32
        %add3A_570 = arith.addi %add3A_518, %add3A_569 : i32
        %dma_start3A_571 = arith.constant 0 : i32
        %dma_start3A_572 = tpu.memref_slice %arg5[%add3A_570, %dma_start3A_571] : memref<50x128xi32, #tpu.memory_space<vmem>> -> memref<1x128xi32, #tpu.memory_space<vmem>>
        %dma_start3A_573 = tpu.memref_squeeze %dma_start3A_572 : memref<1x128xi32, #tpu.memory_space<vmem>> -> memref<128xi32, #tpu.memory_space<vmem>>
        %dma_start3A_574 = arith.constant 0 : i32
        %dma_start3A_575 = arith.constant 0 : i32
        %dma_start3A_576 = tpu.memref_slice %arg3[%dma_start3A_574, %dma_start3A_575] : memref<100000x64xf32, #tpu.memory_space<hbm>> -> memref<100000x64xf32, #tpu.memory_space<hbm>>
        tpu.enqueue_indirect_dma source(%dma_start3A_576 : memref<100000x64xf32, #tpu.memory_space<hbm>>) target(%arg8 : memref<128x64xf32, #tpu.memory_space<vmem>>) offsets(%dma_start3A_573 : memref<128xi32, #tpu.memory_space<vmem>>) semaphore(%arg14 : memref<!tpu.dma_semaphore, #tpu.memory_space<semaphore_mem>>)
        %add3A_577 = arith.constant 1 : i32
        %add3A_578 = arith.addi %add3A_516, %add3A_577 : i32
        %dma_wait3A_579 = arith.constant 0 : i32
        %dma_wait3A_580 = arith.constant 0 : i32
        %dma_wait3A_581 = tpu.memref_slice %arg3[%dma_wait3A_579, %dma_wait3A_580] : memref<100000x64xf32, #tpu.memory_space<hbm>> -> memref<128x64xf32, #tpu.memory_space<hbm>>
        %dma_wait3A_582 = arith.constant 0 : i32
        %dma_wait3A_583 = arith.constant 0 : i32
        %dma_wait3A_584 = tpu.memref_slice %arg3[%dma_wait3A_582, %dma_wait3A_583] : memref<100000x64xf32, #tpu.memory_space<hbm>> -> memref<128x64xf32, #tpu.memory_space<hbm>>
        tpu.wait_dma2 semaphore(%arg15 : memref<!tpu.dma_semaphore, #tpu.memory_space<semaphore_mem>>) src(%dma_wait3A_584 : memref<128x64xf32, #tpu.memory_space<hbm>>) dst(%arg9 : memref<128x64xf32, #tpu.memory_space<vmem>>)
        %dma_wait3A_585 = arith.constant 0 : i32
        %dma_wait3A_586 = arith.constant 0 : i32
        %dma_wait3A_587 = arith.constant 0 : i32
        %dma_wait3A_588 = arith.constant 0 : i32
        %dma_wait3A_589 = arith.constant 0 : i32
        %dma_wait3A_590 = tpu.memref_slice %arg11[%dma_wait3A_587, %dma_wait3A_588, %dma_wait3A_589] : memref<8x8x129xf32, #tpu.memory_space<vmem>> -> memref<8x8x128xf32, #tpu.memory_space<vmem>>
        %dma_wait3A_591 = arith.constant 0 : i32
        %dma_wait3A_592 = arith.constant 0 : i32
        %dma_wait3A_593 = arith.constant 0 : i32
        %dma_wait3A_594 = tpu.memref_slice %arg4[%dma_wait3A_585, %dma_wait3A_591, %dma_wait3A_586, %dma_wait3A_592, %dma_wait3A_593] : memref<50x8x128x8x128xf32, #tpu.memory_space<hbm>> -> memref<1x8x1x8x128xf32, #tpu.memory_space<hbm>>
        %dma_wait3A_595 = tpu.memref_squeeze %dma_wait3A_594 : memref<1x8x1x8x128xf32, #tpu.memory_space<hbm>> -> memref<8x8x128xf32, #tpu.memory_space<hbm>>
        %dma_wait3A_596 = arith.constant 0 : i32
        %dma_wait3A_597 = arith.constant 0 : i32
        %dma_wait3A_598 = arith.constant 0 : i32
        %dma_wait3A_599 = tpu.memref_slice %arg4[%dma_wait3A_585, %dma_wait3A_596, %dma_wait3A_586, %dma_wait3A_597, %dma_wait3A_598] : memref<50x8x128x8x128xf32, #tpu.memory_space<hbm>> -> memref<1x8x1x8x128xf32, #tpu.memory_space<hbm>>
        %dma_wait3A_600 = tpu.memref_squeeze %dma_wait3A_599 : memref<1x8x1x8x128xf32, #tpu.memory_space<hbm>> -> memref<8x8x128xf32, #tpu.memory_space<hbm>>
        %dma_wait3A_601 = arith.constant 0 : i32
        %dma_wait3A_602 = arith.constant 0 : i32
        %dma_wait3A_603 = arith.constant 0 : i32
        %dma_wait3A_604 = tpu.memref_slice %arg11[%dma_wait3A_601, %dma_wait3A_602, %dma_wait3A_603] : memref<8x8x129xf32, #tpu.memory_space<vmem>> -> memref<8x8x128xf32, #tpu.memory_space<vmem>>
        tpu.wait_dma2 semaphore(%arg17 : memref<!tpu.dma_semaphore, #tpu.memory_space<semaphore_mem>>) src(%dma_wait3A_604 : memref<8x8x128xf32, #tpu.memory_space<vmem>>) dst(%dma_wait3A_600 : memref<8x8x128xf32, #tpu.memory_space<hbm>>)
        %scan3A_605 = arith.constant 0 : i32
        %scan3A_606 = arith.constant 0 : i32
        %scan3A_607 = arith.constant 32 : i32
        %scan3A_608 = arith.addi %scan3A_606, %scan3A_607 : i32
        %scan3A_609 = arith.constant 1 : i32
        scf.for %scan3A_757 = %scan3A_606 to %scan3A_608 step %scan3A_609  : i32 {
          %mul3A_758 = arith.constant 4 : i32
          %mul3A_759 = arith.muli %mul3A_758, %scan3A_757 : i32
          %add3A_760 = arith.constant 0 : i32
          %add3A_761 = arith.addi %mul3A_759, %add3A_760 : i32
          %broadcast_in_dim3A = arith.constant 0 : i32
          %broadcast_in_dim3A_762 = vector.broadcast %broadcast_in_dim3A : i32 to vector<16xi32>
          %add3A_763 = vector.broadcast %add3A_761 : i32 to vector<16xi32>
          %add3A_764 = arith.addi %broadcast_in_dim3A_762, %add3A_763 : vector<16xi32>
          %get3A = arith.index_cast %add3A_761 : i32 to index
          %get3A_765 = arith.constant 0 : index
          %get3A_766 = tpu.vector_load %arg9[%get3A, %get3A_765] {strides = array<i32>} : memref<128x64xf32, #tpu.memory_space<vmem>>, vector<16xf32>,
          %get3A_767 = arith.index_cast %add3A_761 : i32 to index
          %get3A_768 = arith.constant 16 : index
          %get3A_769 = tpu.vector_load %arg9[%get3A_767, %get3A_768] {strides = array<i32>} : memref<128x64xf32, #tpu.memory_space<vmem>>, vector<16xf32>,
          %get3A_770 = arith.index_cast %add3A_761 : i32 to index
          %get3A_771 = arith.constant 32 : index
          %get3A_772 = tpu.vector_load %arg9[%get3A_770, %get3A_771] {strides = array<i32>} : memref<128x64xf32, #tpu.memory_space<vmem>>, vector<16xf32>,
          %get3A_773 = arith.index_cast %add3A_761 : i32 to index
          %get3A_774 = arith.constant 48 : index
          %get3A_775 = tpu.vector_load %arg9[%get3A_773, %get3A_774] {strides = array<i32>} : memref<128x64xf32, #tpu.memory_space<vmem>>, vector<16xf32>,
          %mul3A_776 = arith.constant 4 : i32
          %mul3A_777 = arith.muli %mul3A_776, %scan3A_757 : i32
          %add3A_778 = arith.constant 1 : i32
          %add3A_779 = arith.addi %mul3A_777, %add3A_778 : i32
          %broadcast_in_dim3A_780 = arith.constant 0 : i32
          %broadcast_in_dim3A_781 = vector.broadcast %broadcast_in_dim3A_780 : i32 to vector<16xi32>
          %add3A_782 = vector.broadcast %add3A_779 : i32 to vector<16xi32>
          %add3A_783 = arith.addi %broadcast_in_dim3A_781, %add3A_782 : vector<16xi32>
          %get3A_784 = arith.index_cast %add3A_779 : i32 to index
          %get3A_785 = arith.constant 0 : index
          %get3A_786 = tpu.vector_load %arg9[%get3A_784, %get3A_785] {strides = array<i32>} : memref<128x64xf32, #tpu.memory_space<vmem>>, vector<16xf32>,
          %get3A_787 = arith.index_cast %add3A_779 : i32 to index
          %get3A_788 = arith.constant 16 : index
          %get3A_789 = tpu.vector_load %arg9[%get3A_787, %get3A_788] {strides = array<i32>} : memref<128x64xf32, #tpu.memory_space<vmem>>, vector<16xf32>,
          %get3A_790 = arith.index_cast %add3A_779 : i32 to index
          %get3A_791 = arith.constant 32 : index
          %get3A_792 = tpu.vector_load %arg9[%get3A_790, %get3A_791] {strides = array<i32>} : memref<128x64xf32, #tpu.memory_space<vmem>>, vector<16xf32>,
          %get3A_793 = arith.index_cast %add3A_779 : i32 to index
          %get3A_794 = arith.constant 48 : index
          %get3A_795 = tpu.vector_load %arg9[%get3A_793, %get3A_794] {strides = array<i32>} : memref<128x64xf32, #tpu.memory_space<vmem>>, vector<16xf32>,
          %mul3A_796 = arith.constant 4 : i32
          %mul3A_797 = arith.muli %mul3A_796, %scan3A_757 : i32
          %add3A_798 = arith.constant 2 : i32
          %add3A_799 = arith.addi %mul3A_797, %add3A_798 : i32
          %broadcast_in_dim3A_800 = arith.constant 0 : i32
          %broadcast_in_dim3A_801 = vector.broadcast %broadcast_in_dim3A_800 : i32 to vector<16xi32>
          %add3A_802 = vector.broadcast %add3A_799 : i32 to vector<16xi32>
          %add3A_803 = arith.addi %broadcast_in_dim3A_801, %add3A_802 : vector<16xi32>
          %get3A_804 = arith.index_cast %add3A_799 : i32 to index
          %get3A_805 = arith.constant 0 : index
          %get3A_806 = tpu.vector_load %arg9[%get3A_804, %get3A_805] {strides = array<i32>} : memref<128x64xf32, #tpu.memory_space<vmem>>, vector<16xf32>,
          %get3A_807 = arith.index_cast %add3A_799 : i32 to index
          %get3A_808 = arith.constant 16 : index
          %get3A_809 = tpu.vector_load %arg9[%get3A_807, %get3A_808] {strides = array<i32>} : memref<128x64xf32, #tpu.memory_space<vmem>>, vector<16xf32>,
          %get3A_810 = arith.index_cast %add3A_799 : i32 to index
          %get3A_811 = arith.constant 32 : index
          %get3A_812 = tpu.vector_load %arg9[%get3A_810, %get3A_811] {strides = array<i32>} : memref<128x64xf32, #tpu.memory_space<vmem>>, vector<16xf32>,
          %get3A_813 = arith.index_cast %add3A_799 : i32 to index
          %get3A_814 = arith.constant 48 : index
          %get3A_815 = tpu.vector_load %arg9[%get3A_813, %get3A_814] {strides = array<i32>} : memref<128x64xf32, #tpu.memory_space<vmem>>, vector<16xf32>,
          %mul3A_816 = arith.constant 4 : i32
          %mul3A_817 = arith.muli %mul3A_816, %scan3A_757 : i32
          %add3A_818 = arith.constant 3 : i32
          %add3A_819 = arith.addi %mul3A_817, %add3A_818 : i32
          %broadcast_in_dim3A_820 = arith.constant 0 : i32
          %broadcast_in_dim3A_821 = vector.broadcast %broadcast_in_dim3A_820 : i32 to vector<16xi32>
          %add3A_822 = vector.broadcast %add3A_819 : i32 to vector<16xi32>
          %add3A_823 = arith.addi %broadcast_in_dim3A_821, %add3A_822 : vector<16xi32>
          %get3A_824 = arith.index_cast %add3A_819 : i32 to index
          %get3A_825 = arith.constant 0 : index
          %get3A_826 = tpu.vector_load %arg9[%get3A_824, %get3A_825] {strides = array<i32>} : memref<128x64xf32, #tpu.memory_space<vmem>>, vector<16xf32>,
          %get3A_827 = arith.index_cast %add3A_819 : i32 to index
          %get3A_828 = arith.constant 16 : index
          %get3A_829 = tpu.vector_load %arg9[%get3A_827, %get3A_828] {strides = array<i32>} : memref<128x64xf32, #tpu.memory_space<vmem>>, vector<16xf32>,
          %get3A_830 = arith.index_cast %add3A_819 : i32 to index
          %get3A_831 = arith.constant 32 : index
          %get3A_832 = tpu.vector_load %arg9[%get3A_830, %get3A_831] {strides = array<i32>} : memref<128x64xf32, #tpu.memory_space<vmem>>, vector<16xf32>,
          %get3A_833 = arith.index_cast %add3A_819 : i32 to index
          %get3A_834 = arith.constant 48 : index
          %get3A_835 = tpu.vector_load %arg9[%get3A_833, %get3A_834] {strides = array<i32>} : memref<128x64xf32, #tpu.memory_space<vmem>>, vector<16xf32>,
          tpu.vector_store_idx %arg11[%add3A_46, %select_n3A_15, %add3A_764], %get3A_766 : memref<8x8x129xf32, #tpu.memory_space<vmem>>[vector<16xi32>, vector<16xi32>, vector<16xi32>], vector<16xf32>,
          tpu.vector_store_idx %arg11[%add3A_80, %select_n3A_15, %add3A_764], %get3A_769 : memref<8x8x129xf32, #tpu.memory_space<vmem>>[vector<16xi32>, vector<16xi32>, vector<16xi32>], vector<16xf32>,
          tpu.vector_store_idx %arg11[%add3A_114, %select_n3A_15, %add3A_764], %get3A_772 : memref<8x8x129xf32, #tpu.memory_space<vmem>>[vector<16xi32>, vector<16xi32>, vector<16xi32>], vector<16xf32>,
          tpu.vector_store_idx %arg11[%add3A_148, %select_n3A_15, %add3A_764], %get3A_775 : memref<8x8x129xf32, #tpu.memory_space<vmem>>[vector<16xi32>, vector<16xi32>, vector<16xi32>], vector<16xf32>,
          tpu.vector_store_idx %arg11[%add3A_46, %select_n3A_15, %add3A_783], %get3A_786 : memref<8x8x129xf32, #tpu.memory_space<vmem>>[vector<16xi32>, vector<16xi32>, vector<16xi32>], vector<16xf32>,
          tpu.vector_store_idx %arg11[%add3A_80, %select_n3A_15, %add3A_783], %get3A_789 : memref<8x8x129xf32, #tpu.memory_space<vmem>>[vector<16xi32>, vector<16xi32>, vector<16xi32>], vector<16xf32>,
          tpu.vector_store_idx %arg11[%add3A_114, %select_n3A_15, %add3A_783], %get3A_792 : memref<8x8x129xf32, #tpu.memory_space<vmem>>[vector<16xi32>, vector<16xi32>, vector<16xi32>], vector<16xf32>,
          tpu.vector_store_idx %arg11[%add3A_148, %select_n3A_15, %add3A_783], %get3A_795 : memref<8x8x129xf32, #tpu.memory_space<vmem>>[vector<16xi32>, vector<16xi32>, vector<16xi32>], vector<16xf32>,
          tpu.vector_store_idx %arg11[%add3A_46, %select_n3A_15, %add3A_803], %get3A_806 : memref<8x8x129xf32, #tpu.memory_space<vmem>>[vector<16xi32>, vector<16xi32>, vector<16xi32>], vector<16xf32>,
          tpu.vector_store_idx %arg11[%add3A_80, %select_n3A_15, %add3A_803], %get3A_809 : memref<8x8x129xf32, #tpu.memory_space<vmem>>[vector<16xi32>, vector<16xi32>, vector<16xi32>], vector<16xf32>,
          tpu.vector_store_idx %arg11[%add3A_114, %select_n3A_15, %add3A_803], %get3A_812 : memref<8x8x129xf32, #tpu.memory_space<vmem>>[vector<16xi32>, vector<16xi32>, vector<16xi32>], vector<16xf32>,
          tpu.vector_store_idx %arg11[%add3A_148, %select_n3A_15, %add3A_803], %get3A_815 : memref<8x8x129xf32, #tpu.memory_space<vmem>>[vector<16xi32>, vector<16xi32>, vector<16xi32>], vector<16xf32>,
          tpu.vector_store_idx %arg11[%add3A_46, %select_n3A_15, %add3A_823], %get3A_826 : memref<8x8x129xf32, #tpu.memory_space<vmem>>[vector<16xi32>, vector<16xi32>, vector<16xi32>], vector<16xf32>,
          tpu.vector_store_idx %arg11[%add3A_80, %select_n3A_15, %add3A_823], %get3A_829 : memref<8x8x129xf32, #tpu.memory_space<vmem>>[vector<16xi32>, vector<16xi32>, vector<16xi32>], vector<16xf32>,
          tpu.vector_store_idx %arg11[%add3A_114, %select_n3A_15, %add3A_823], %get3A_832 : memref<8x8x129xf32, #tpu.memory_space<vmem>>[vector<16xi32>, vector<16xi32>, vector<16xi32>], vector<16xf32>,
          tpu.vector_store_idx %arg11[%add3A_148, %select_n3A_15, %add3A_823], %get3A_835 : memref<8x8x129xf32, #tpu.memory_space<vmem>>[vector<16xi32>, vector<16xi32>, vector<16xi32>], vector<16xf32>,
        }
        %scan3A_610 = arith.constant 32 : i32
        %dma_start3A_611 = arith.constant 0 : i32
        %dma_start3A_612 = arith.constant 0 : i32
        %dma_start3A_613 = arith.constant 0 : i32
        %dma_start3A_614 = tpu.memref_slice %arg11[%dma_start3A_611, %dma_start3A_612, %dma_start3A_613] : memref<8x8x129xf32, #tpu.memory_space<vmem>> -> memref<8x8x128xf32, #tpu.memory_space<vmem>>
        %dma_start3A_615 = arith.constant 0 : i32
        %dma_start3A_616 = arith.constant 0 : i32
        %dma_start3A_617 = arith.constant 0 : i32
        %dma_start3A_618 = tpu.memref_slice %arg4[%add3A_578, %dma_start3A_615, %add3A_157, %dma_start3A_616, %dma_start3A_617] : memref<50x8x128x8x128xf32, #tpu.memory_space<hbm>> -> memref<1x8x1x8x128xf32, #tpu.memory_space<hbm>>
        %dma_start3A_619 = tpu.memref_squeeze %dma_start3A_618 : memref<1x8x1x8x128xf32, #tpu.memory_space<hbm>> -> memref<8x8x128xf32, #tpu.memory_space<hbm>>
        %dma_start3A_620 = arith.constant 0 : i32
        %dma_start3A_621 = arith.constant 0 : i32
        %dma_start3A_622 = arith.constant 0 : i32
        %dma_start3A_623 = tpu.memref_slice %arg4[%add3A_578, %dma_start3A_620, %add3A_157, %dma_start3A_621, %dma_start3A_622] : memref<50x8x128x8x128xf32, #tpu.memory_space<hbm>> -> memref<1x8x1x8x128xf32, #tpu.memory_space<hbm>>
        %dma_start3A_624 = tpu.memref_squeeze %dma_start3A_623 : memref<1x8x1x8x128xf32, #tpu.memory_space<hbm>> -> memref<8x8x128xf32, #tpu.memory_space<hbm>>
        %dma_start3A_625 = arith.constant 0 : i32
        %dma_start3A_626 = arith.constant 0 : i32
        %dma_start3A_627 = arith.constant 0 : i32
        %dma_start3A_628 = tpu.memref_slice %arg11[%dma_start3A_625, %dma_start3A_626, %dma_start3A_627] : memref<8x8x129xf32, #tpu.memory_space<vmem>> -> memref<8x8x128xf32, #tpu.memory_space<vmem>>
        tpu.enqueue_dma source(%dma_start3A_628 : memref<8x8x128xf32, #tpu.memory_space<vmem>>) target(%dma_start3A_624 : memref<8x8x128xf32, #tpu.memory_space<hbm>>) target_semaphore(%arg17 : memref<!tpu.dma_semaphore, #tpu.memory_space<semaphore_mem>>)
        %add3A_629 = arith.constant 4 : i32
        %add3A_630 = arith.addi %add3A_578, %add3A_629 : i32
        %dma_start3A_631 = arith.constant 0 : i32
        %dma_start3A_632 = tpu.memref_slice %arg5[%add3A_630, %dma_start3A_631] : memref<50x128xi32, #tpu.memory_space<vmem>> -> memref<1x128xi32, #tpu.memory_space<vmem>>
        %dma_start3A_633 = tpu.memref_squeeze %dma_start3A_632 : memref<1x128xi32, #tpu.memory_space<vmem>> -> memref<128xi32, #tpu.memory_space<vmem>>
        %dma_start3A_634 = arith.constant 0 : i32
        %dma_start3A_635 = arith.constant 0 : i32
        %dma_start3A_636 = tpu.memref_slice %arg3[%dma_start3A_634, %dma_start3A_635] : memref<100000x64xf32, #tpu.memory_space<hbm>> -> memref<100000x64xf32, #tpu.memory_space<hbm>>
        tpu.enqueue_indirect_dma source(%dma_start3A_636 : memref<100000x64xf32, #tpu.memory_space<hbm>>) target(%arg9 : memref<128x64xf32, #tpu.memory_space<vmem>>) offsets(%dma_start3A_633 : memref<128xi32, #tpu.memory_space<vmem>>) semaphore(%arg15 : memref<!tpu.dma_semaphore, #tpu.memory_space<semaphore_mem>>)
        %add3A_637 = arith.constant 2 : i32
        %add3A_638 = arith.addi %add3A_516, %add3A_637 : i32
        %dma_wait3A_639 = arith.constant 0 : i32
        %dma_wait3A_640 = arith.constant 0 : i32
        %dma_wait3A_641 = tpu.memref_slice %arg3[%dma_wait3A_639, %dma_wait3A_640] : memref<100000x64xf32, #tpu.memory_space<hbm>> -> memref<128x64xf32, #tpu.memory_space<hbm>>
        %dma_wait3A_642 = arith.constant 0 : i32
        %dma_wait3A_643 = arith.constant 0 : i32
        %dma_wait3A_644 = tpu.memref_slice %arg3[%dma_wait3A_642, %dma_wait3A_643] : memref<100000x64xf32, #tpu.memory_space<hbm>> -> memref<128x64xf32, #tpu.memory_space<hbm>>
        tpu.wait_dma2 semaphore(%arg12 : memref<!tpu.dma_semaphore, #tpu.memory_space<semaphore_mem>>) src(%dma_wait3A_644 : memref<128x64xf32, #tpu.memory_space<hbm>>) dst(%arg6 : memref<128x64xf32, #tpu.memory_space<vmem>>)
        %dma_wait3A_645 = arith.constant 0 : i32
        %dma_wait3A_646 = arith.constant 0 : i32
        %dma_wait3A_647 = arith.constant 0 : i32
        %dma_wait3A_648 = arith.constant 0 : i32
        %dma_wait3A_649 = arith.constant 0 : i32
        %dma_wait3A_650 = tpu.memref_slice %arg10[%dma_wait3A_647, %dma_wait3A_648, %dma_wait3A_649] : memref<8x8x129xf32, #tpu.memory_space<vmem>> -> memref<8x8x128xf32, #tpu.memory_space<vmem>>
        %dma_wait3A_651 = arith.constant 0 : i32
        %dma_wait3A_652 = arith.constant 0 : i32
        %dma_wait3A_653 = arith.constant 0 : i32
        %dma_wait3A_654 = tpu.memref_slice %arg4[%dma_wait3A_645, %dma_wait3A_651, %dma_wait3A_646, %dma_wait3A_652, %dma_wait3A_653] : memref<50x8x128x8x128xf32, #tpu.memory_space<hbm>> -> memref<1x8x1x8x128xf32, #tpu.memory_space<hbm>>
        %dma_wait3A_655 = tpu.memref_squeeze %dma_wait3A_654 : memref<1x8x1x8x128xf32, #tpu.memory_space<hbm>> -> memref<8x8x128xf32, #tpu.memory_space<hbm>>
        %dma_wait3A_656 = arith.constant 0 : i32
        %dma_wait3A_657 = arith.constant 0 : i32
        %dma_wait3A_658 = arith.constant 0 : i32
        %dma_wait3A_659 = tpu.memref_slice %arg4[%dma_wait3A_645, %dma_wait3A_656, %dma_wait3A_646, %dma_wait3A_657, %dma_wait3A_658] : memref<50x8x128x8x128xf32, #tpu.memory_space<hbm>> -> memref<1x8x1x8x128xf32, #tpu.memory_space<hbm>>
        %dma_wait3A_660 = tpu.memref_squeeze %dma_wait3A_659 : memref<1x8x1x8x128xf32, #tpu.memory_space<hbm>> -> memref<8x8x128xf32, #tpu.memory_space<hbm>>
        %dma_wait3A_661 = arith.constant 0 : i32
        %dma_wait3A_662 = arith.constant 0 : i32
        %dma_wait3A_663 = arith.constant 0 : i32
        %dma_wait3A_664 = tpu.memref_slice %arg10[%dma_wait3A_661, %dma_wait3A_662, %dma_wait3A_663] : memref<8x8x129xf32, #tpu.memory_space<vmem>> -> memref<8x8x128xf32, #tpu.memory_space<vmem>>
        tpu.wait_dma2 semaphore(%arg16 : memref<!tpu.dma_semaphore, #tpu.memory_space<semaphore_mem>>) src(%dma_wait3A_664 : memref<8x8x128xf32, #tpu.memory_space<vmem>>) dst(%dma_wait3A_660 : memref<8x8x128xf32, #tpu.memory_space<hbm>>)
        %scan3A_665 = arith.constant 0 : i32
        %scan3A_666 = arith.constant 0 : i32
        %scan3A_667 = arith.constant 32 : i32
        %scan3A_668 = arith.addi %scan3A_666, %scan3A_667 : i32
        %scan3A_669 = arith.constant 1 : i32
        scf.for %scan3A_757 = %scan3A_666 to %scan3A_668 step %scan3A_669  : i32 {
          %mul3A_758 = arith.constant 4 : i32
          %mul3A_759 = arith.muli %mul3A_758, %scan3A_757 : i32
          %add3A_760 = arith.constant 0 : i32
          %add3A_761 = arith.addi %mul3A_759, %add3A_760 : i32
          %broadcast_in_dim3A = arith.constant 0 : i32
          %broadcast_in_dim3A_762 = vector.broadcast %broadcast_in_dim3A : i32 to vector<16xi32>
          %add3A_763 = vector.broadcast %add3A_761 : i32 to vector<16xi32>
          %add3A_764 = arith.addi %broadcast_in_dim3A_762, %add3A_763 : vector<16xi32>
          %get3A = arith.index_cast %add3A_761 : i32 to index
          %get3A_765 = arith.constant 0 : index
          %get3A_766 = tpu.vector_load %arg6[%get3A, %get3A_765] {strides = array<i32>} : memref<128x64xf32, #tpu.memory_space<vmem>>, vector<16xf32>,
          %get3A_767 = arith.index_cast %add3A_761 : i32 to index
          %get3A_768 = arith.constant 16 : index
          %get3A_769 = tpu.vector_load %arg6[%get3A_767, %get3A_768] {strides = array<i32>} : memref<128x64xf32, #tpu.memory_space<vmem>>, vector<16xf32>,
          %get3A_770 = arith.index_cast %add3A_761 : i32 to index
          %get3A_771 = arith.constant 32 : index
          %get3A_772 = tpu.vector_load %arg6[%get3A_770, %get3A_771] {strides = array<i32>} : memref<128x64xf32, #tpu.memory_space<vmem>>, vector<16xf32>,
          %get3A_773 = arith.index_cast %add3A_761 : i32 to index
          %get3A_774 = arith.constant 48 : index
          %get3A_775 = tpu.vector_load %arg6[%get3A_773, %get3A_774] {strides = array<i32>} : memref<128x64xf32, #tpu.memory_space<vmem>>, vector<16xf32>,
          %mul3A_776 = arith.constant 4 : i32
          %mul3A_777 = arith.muli %mul3A_776, %scan3A_757 : i32
          %add3A_778 = arith.constant 1 : i32
          %add3A_779 = arith.addi %mul3A_777, %add3A_778 : i32
          %broadcast_in_dim3A_780 = arith.constant 0 : i32
          %broadcast_in_dim3A_781 = vector.broadcast %broadcast_in_dim3A_780 : i32 to vector<16xi32>
          %add3A_782 = vector.broadcast %add3A_779 : i32 to vector<16xi32>
          %add3A_783 = arith.addi %broadcast_in_dim3A_781, %add3A_782 : vector<16xi32>
          %get3A_784 = arith.index_cast %add3A_779 : i32 to index
          %get3A_785 = arith.constant 0 : index
          %get3A_786 = tpu.vector_load %arg6[%get3A_784, %get3A_785] {strides = array<i32>} : memref<128x64xf32, #tpu.memory_space<vmem>>, vector<16xf32>,
          %get3A_787 = arith.index_cast %add3A_779 : i32 to index
          %get3A_788 = arith.constant 16 : index
          %get3A_789 = tpu.vector_load %arg6[%get3A_787, %get3A_788] {strides = array<i32>} : memref<128x64xf32, #tpu.memory_space<vmem>>, vector<16xf32>,
          %get3A_790 = arith.index_cast %add3A_779 : i32 to index
          %get3A_791 = arith.constant 32 : index
          %get3A_792 = tpu.vector_load %arg6[%get3A_790, %get3A_791] {strides = array<i32>} : memref<128x64xf32, #tpu.memory_space<vmem>>, vector<16xf32>,
          %get3A_793 = arith.index_cast %add3A_779 : i32 to index
          %get3A_794 = arith.constant 48 : index
          %get3A_795 = tpu.vector_load %arg6[%get3A_793, %get3A_794] {strides = array<i32>} : memref<128x64xf32, #tpu.memory_space<vmem>>, vector<16xf32>,
          %mul3A_796 = arith.constant 4 : i32
          %mul3A_797 = arith.muli %mul3A_796, %scan3A_757 : i32
          %add3A_798 = arith.constant 2 : i32
          %add3A_799 = arith.addi %mul3A_797, %add3A_798 : i32
          %broadcast_in_dim3A_800 = arith.constant 0 : i32
          %broadcast_in_dim3A_801 = vector.broadcast %broadcast_in_dim3A_800 : i32 to vector<16xi32>
          %add3A_802 = vector.broadcast %add3A_799 : i32 to vector<16xi32>
          %add3A_803 = arith.addi %broadcast_in_dim3A_801, %add3A_802 : vector<16xi32>
          %get3A_804 = arith.index_cast %add3A_799 : i32 to index
          %get3A_805 = arith.constant 0 : index
          %get3A_806 = tpu.vector_load %arg6[%get3A_804, %get3A_805] {strides = array<i32>} : memref<128x64xf32, #tpu.memory_space<vmem>>, vector<16xf32>,
          %get3A_807 = arith.index_cast %add3A_799 : i32 to index
          %get3A_808 = arith.constant 16 : index
          %get3A_809 = tpu.vector_load %arg6[%get3A_807, %get3A_808] {strides = array<i32>} : memref<128x64xf32, #tpu.memory_space<vmem>>, vector<16xf32>,
          %get3A_810 = arith.index_cast %add3A_799 : i32 to index
          %get3A_811 = arith.constant 32 : index
          %get3A_812 = tpu.vector_load %arg6[%get3A_810, %get3A_811] {strides = array<i32>} : memref<128x64xf32, #tpu.memory_space<vmem>>, vector<16xf32>,
          %get3A_813 = arith.index_cast %add3A_799 : i32 to index
          %get3A_814 = arith.constant 48 : index
          %get3A_815 = tpu.vector_load %arg6[%get3A_813, %get3A_814] {strides = array<i32>} : memref<128x64xf32, #tpu.memory_space<vmem>>, vector<16xf32>,
          %mul3A_816 = arith.constant 4 : i32
          %mul3A_817 = arith.muli %mul3A_816, %scan3A_757 : i32
          %add3A_818 = arith.constant 3 : i32
          %add3A_819 = arith.addi %mul3A_817, %add3A_818 : i32
          %broadcast_in_dim3A_820 = arith.constant 0 : i32
          %broadcast_in_dim3A_821 = vector.broadcast %broadcast_in_dim3A_820 : i32 to vector<16xi32>
          %add3A_822 = vector.broadcast %add3A_819 : i32 to vector<16xi32>
          %add3A_823 = arith.addi %broadcast_in_dim3A_821, %add3A_822 : vector<16xi32>
          %get3A_824 = arith.index_cast %add3A_819 : i32 to index
          %get3A_825 = arith.constant 0 : index
          %get3A_826 = tpu.vector_load %arg6[%get3A_824, %get3A_825] {strides = array<i32>} : memref<128x64xf32, #tpu.memory_space<vmem>>, vector<16xf32>,
          %get3A_827 = arith.index_cast %add3A_819 : i32 to index
          %get3A_828 = arith.constant 16 : index
          %get3A_829 = tpu.vector_load %arg6[%get3A_827, %get3A_828] {strides = array<i32>} : memref<128x64xf32, #tpu.memory_space<vmem>>, vector<16xf32>,
          %get3A_830 = arith.index_cast %add3A_819 : i32 to index
          %get3A_831 = arith.constant 32 : index
          %get3A_832 = tpu.vector_load %arg6[%get3A_830, %get3A_831] {strides = array<i32>} : memref<128x64xf32, #tpu.memory_space<vmem>>, vector<16xf32>,
          %get3A_833 = arith.index_cast %add3A_819 : i32 to index
          %get3A_834 = arith.constant 48 : index
          %get3A_835 = tpu.vector_load %arg6[%get3A_833, %get3A_834] {strides = array<i32>} : memref<128x64xf32, #tpu.memory_space<vmem>>, vector<16xf32>,
          tpu.vector_store_idx %arg10[%add3A_46, %select_n3A_15, %add3A_764], %get3A_766 : memref<8x8x129xf32, #tpu.memory_space<vmem>>[vector<16xi32>, vector<16xi32>, vector<16xi32>], vector<16xf32>,
          tpu.vector_store_idx %arg10[%add3A_80, %select_n3A_15, %add3A_764], %get3A_769 : memref<8x8x129xf32, #tpu.memory_space<vmem>>[vector<16xi32>, vector<16xi32>, vector<16xi32>], vector<16xf32>,
          tpu.vector_store_idx %arg10[%add3A_114, %select_n3A_15, %add3A_764], %get3A_772 : memref<8x8x129xf32, #tpu.memory_space<vmem>>[vector<16xi32>, vector<16xi32>, vector<16xi32>], vector<16xf32>,
          tpu.vector_store_idx %arg10[%add3A_148, %select_n3A_15, %add3A_764], %get3A_775 : memref<8x8x129xf32, #tpu.memory_space<vmem>>[vector<16xi32>, vector<16xi32>, vector<16xi32>], vector<16xf32>,
          tpu.vector_store_idx %arg10[%add3A_46, %select_n3A_15, %add3A_783], %get3A_786 : memref<8x8x129xf32, #tpu.memory_space<vmem>>[vector<16xi32>, vector<16xi32>, vector<16xi32>], vector<16xf32>,
          tpu.vector_store_idx %arg10[%add3A_80, %select_n3A_15, %add3A_783], %get3A_789 : memref<8x8x129xf32, #tpu.memory_space<vmem>>[vector<16xi32>, vector<16xi32>, vector<16xi32>], vector<16xf32>,
          tpu.vector_store_idx %arg10[%add3A_114, %select_n3A_15, %add3A_783], %get3A_792 : memref<8x8x129xf32, #tpu.memory_space<vmem>>[vector<16xi32>, vector<16xi32>, vector<16xi32>], vector<16xf32>,
          tpu.vector_store_idx %arg10[%add3A_148, %select_n3A_15, %add3A_783], %get3A_795 : memref<8x8x129xf32, #tpu.memory_space<vmem>>[vector<16xi32>, vector<16xi32>, vector<16xi32>], vector<16xf32>,
          tpu.vector_store_idx %arg10[%add3A_46, %select_n3A_15, %add3A_803], %get3A_806 : memref<8x8x129xf32, #tpu.memory_space<vmem>>[vector<16xi32>, vector<16xi32>, vector<16xi32>], vector<16xf32>,
          tpu.vector_store_idx %arg10[%add3A_80, %select_n3A_15, %add3A_803], %get3A_809 : memref<8x8x129xf32, #tpu.memory_space<vmem>>[vector<16xi32>, vector<16xi32>, vector<16xi32>], vector<16xf32>,
          tpu.vector_store_idx %arg10[%add3A_114, %select_n3A_15, %add3A_803], %get3A_812 : memref<8x8x129xf32, #tpu.memory_space<vmem>>[vector<16xi32>, vector<16xi32>, vector<16xi32>], vector<16xf32>,
          tpu.vector_store_idx %arg10[%add3A_148, %select_n3A_15, %add3A_803], %get3A_815 : memref<8x8x129xf32, #tpu.memory_space<vmem>>[vector<16xi32>, vector<16xi32>, vector<16xi32>], vector<16xf32>,
          tpu.vector_store_idx %arg10[%add3A_46, %select_n3A_15, %add3A_823], %get3A_826 : memref<8x8x129xf32, #tpu.memory_space<vmem>>[vector<16xi32>, vector<16xi32>, vector<16xi32>], vector<16xf32>,
          tpu.vector_store_idx %arg10[%add3A_80, %select_n3A_15, %add3A_823], %get3A_829 : memref<8x8x129xf32, #tpu.memory_space<vmem>>[vector<16xi32>, vector<16xi32>, vector<16xi32>], vector<16xf32>,
          tpu.vector_store_idx %arg10[%add3A_114, %select_n3A_15, %add3A_823], %get3A_832 : memref<8x8x129xf32, #tpu.memory_space<vmem>>[vector<16xi32>, vector<16xi32>, vector<16xi32>], vector<16xf32>,
          tpu.vector_store_idx %arg10[%add3A_148, %select_n3A_15, %add3A_823], %get3A_835 : memref<8x8x129xf32, #tpu.memory_space<vmem>>[vector<16xi32>, vector<16xi32>, vector<16xi32>], vector<16xf32>,
        }
        %scan3A_670 = arith.constant 32 : i32
        %dma_start3A_671 = arith.constant 0 : i32
        %dma_start3A_672 = arith.constant 0 : i32
        %dma_start3A_673 = arith.constant 0 : i32
        %dma_start3A_674 = tpu.memref_slice %arg10[%dma_start3A_671, %dma_start3A_672, %dma_start3A_673] : memref<8x8x129xf32, #tpu.memory_space<vmem>> -> memref<8x8x128xf32, #tpu.memory_space<vmem>>
        %dma_start3A_675 = arith.constant 0 : i32
        %dma_start3A_676 = arith.constant 0 : i32
        %dma_start3A_677 = arith.constant 0 : i32
        %dma_start3A_678 = tpu.memref_slice %arg4[%add3A_638, %dma_start3A_675, %add3A_157, %dma_start3A_676, %dma_start3A_677] : memref<50x8x128x8x128xf32, #tpu.memory_space<hbm>> -> memref<1x8x1x8x128xf32, #tpu.memory_space<hbm>>
        %dma_start3A_679 = tpu.memref_squeeze %dma_start3A_678 : memref<1x8x1x8x128xf32, #tpu.memory_space<hbm>> -> memref<8x8x128xf32, #tpu.memory_space<hbm>>
        %dma_start3A_680 = arith.constant 0 : i32
        %dma_start3A_681 = arith.constant 0 : i32
        %dma_start3A_682 = arith.constant 0 : i32
        %dma_start3A_683 = tpu.memref_slice %arg4[%add3A_638, %dma_start3A_680, %add3A_157, %dma_start3A_681, %dma_start3A_682] : memref<50x8x128x8x128xf32, #tpu.memory_space<hbm>> -> memref<1x8x1x8x128xf32, #tpu.memory_space<hbm>>
        %dma_start3A_684 = tpu.memref_squeeze %dma_start3A_683 : memref<1x8x1x8x128xf32, #tpu.memory_space<hbm>> -> memref<8x8x128xf32, #tpu.memory_space<hbm>>
        %dma_start3A_685 = arith.constant 0 : i32
        %dma_start3A_686 = arith.constant 0 : i32
        %dma_start3A_687 = arith.constant 0 : i32
        %dma_start3A_688 = tpu.memref_slice %arg10[%dma_start3A_685, %dma_start3A_686, %dma_start3A_687] : memref<8x8x129xf32, #tpu.memory_space<vmem>> -> memref<8x8x128xf32, #tpu.memory_space<vmem>>
        tpu.enqueue_dma source(%dma_start3A_688 : memref<8x8x128xf32, #tpu.memory_space<vmem>>) target(%dma_start3A_684 : memref<8x8x128xf32, #tpu.memory_space<hbm>>) target_semaphore(%arg16 : memref<!tpu.dma_semaphore, #tpu.memory_space<semaphore_mem>>)
        %add3A_689 = arith.constant 4 : i32
        %add3A_690 = arith.addi %add3A_638, %add3A_689 : i32
        %dma_start3A_691 = arith.constant 0 : i32
        %dma_start3A_692 = tpu.memref_slice %arg5[%add3A_690, %dma_start3A_691] : memref<50x128xi32, #tpu.memory_space<vmem>> -> memref<1x128xi32, #tpu.memory_space<vmem>>
        %dma_start3A_693 = tpu.memref_squeeze %dma_start3A_692 : memref<1x128xi32, #tpu.memory_space<vmem>> -> memref<128xi32, #tpu.memory_space<vmem>>
        %dma_start3A_694 = arith.constant 0 : i32
        %dma_start3A_695 = arith.constant 0 : i32
        %dma_start3A_696 = tpu.memref_slice %arg3[%dma_start3A_694, %dma_start3A_695] : memref<100000x64xf32, #tpu.memory_space<hbm>> -> memref<100000x64xf32, #tpu.memory_space<hbm>>
        tpu.enqueue_indirect_dma source(%dma_start3A_696 : memref<100000x64xf32, #tpu.memory_space<hbm>>) target(%arg6 : memref<128x64xf32, #tpu.memory_space<vmem>>) offsets(%dma_start3A_693 : memref<128xi32, #tpu.memory_space<vmem>>) semaphore(%arg12 : memref<!tpu.dma_semaphore, #tpu.memory_space<semaphore_mem>>)
        %add3A_697 = arith.constant 3 : i32
        %add3A_698 = arith.addi %add3A_516, %add3A_697 : i32
        %dma_wait3A_699 = arith.constant 0 : i32
        %dma_wait3A_700 = arith.constant 0 : i32
        %dma_wait3A_701 = tpu.memref_slice %arg3[%dma_wait3A_699, %dma_wait3A_700] : memref<100000x64xf32, #tpu.memory_space<hbm>> -> memref<128x64xf32, #tpu.memory_space<hbm>>
        %dma_wait3A_702 = arith.constant 0 : i32
        %dma_wait3A_703 = arith.constant 0 : i32
        %dma_wait3A_704 = tpu.memref_slice %arg3[%dma_wait3A_702, %dma_wait3A_703] : memref<100000x64xf32, #tpu.memory_space<hbm>> -> memref<128x64xf32, #tpu.memory_space<hbm>>
        tpu.wait_dma2 semaphore(%arg13 : memref<!tpu.dma_semaphore, #tpu.memory_space<semaphore_mem>>) src(%dma_wait3A_704 : memref<128x64xf32, #tpu.memory_space<hbm>>) dst(%arg7 : memref<128x64xf32, #tpu.memory_space<vmem>>)
        %dma_wait3A_705 = arith.constant 0 : i32
        %dma_wait3A_706 = arith.constant 0 : i32
        %dma_wait3A_707 = arith.constant 0 : i32
        %dma_wait3A_708 = arith.constant 0 : i32
        %dma_wait3A_709 = arith.constant 0 : i32
        %dma_wait3A_710 = tpu.memref_slice %arg11[%dma_wait3A_707, %dma_wait3A_708, %dma_wait3A_709] : memref<8x8x129xf32, #tpu.memory_space<vmem>> -> memref<8x8x128xf32, #tpu.memory_space<vmem>>
        %dma_wait3A_711 = arith.constant 0 : i32
        %dma_wait3A_712 = arith.constant 0 : i32
        %dma_wait3A_713 = arith.constant 0 : i32
        %dma_wait3A_714 = tpu.memref_slice %arg4[%dma_wait3A_705, %dma_wait3A_711, %dma_wait3A_706, %dma_wait3A_712, %dma_wait3A_713] : memref<50x8x128x8x128xf32, #tpu.memory_space<hbm>> -> memref<1x8x1x8x128xf32, #tpu.memory_space<hbm>>
        %dma_wait3A_715 = tpu.memref_squeeze %dma_wait3A_714 : memref<1x8x1x8x128xf32, #tpu.memory_space<hbm>> -> memref<8x8x128xf32, #tpu.memory_space<hbm>>
        %dma_wait3A_716 = arith.constant 0 : i32
        %dma_wait3A_717 = arith.constant 0 : i32
        %dma_wait3A_718 = arith.constant 0 : i32
        %dma_wait3A_719 = tpu.memref_slice %arg4[%dma_wait3A_705, %dma_wait3A_716, %dma_wait3A_706, %dma_wait3A_717, %dma_wait3A_718] : memref<50x8x128x8x128xf32, #tpu.memory_space<hbm>> -> memref<1x8x1x8x128xf32, #tpu.memory_space<hbm>>
        %dma_wait3A_720 = tpu.memref_squeeze %dma_wait3A_719 : memref<1x8x1x8x128xf32, #tpu.memory_space<hbm>> -> memref<8x8x128xf32, #tpu.memory_space<hbm>>
        %dma_wait3A_721 = arith.constant 0 : i32
        %dma_wait3A_722 = arith.constant 0 : i32
        %dma_wait3A_723 = arith.constant 0 : i32
        %dma_wait3A_724 = tpu.memref_slice %arg11[%dma_wait3A_721, %dma_wait3A_722, %dma_wait3A_723] : memref<8x8x129xf32, #tpu.memory_space<vmem>> -> memref<8x8x128xf32, #tpu.memory_space<vmem>>
        tpu.wait_dma2 semaphore(%arg17 : memref<!tpu.dma_semaphore, #tpu.memory_space<semaphore_mem>>) src(%dma_wait3A_724 : memref<8x8x128xf32, #tpu.memory_space<vmem>>) dst(%dma_wait3A_720 : memref<8x8x128xf32, #tpu.memory_space<hbm>>)
        %scan3A_725 = arith.constant 0 : i32
        %scan3A_726 = arith.constant 0 : i32
        %scan3A_727 = arith.constant 32 : i32
        %scan3A_728 = arith.addi %scan3A_726, %scan3A_727 : i32
        %scan3A_729 = arith.constant 1 : i32
        scf.for %scan3A_757 = %scan3A_726 to %scan3A_728 step %scan3A_729  : i32 {
          %mul3A_758 = arith.constant 4 : i32
          %mul3A_759 = arith.muli %mul3A_758, %scan3A_757 : i32
          %add3A_760 = arith.constant 0 : i32
          %add3A_761 = arith.addi %mul3A_759, %add3A_760 : i32
          %broadcast_in_dim3A = arith.constant 0 : i32
          %broadcast_in_dim3A_762 = vector.broadcast %broadcast_in_dim3A : i32 to vector<16xi32>
          %add3A_763 = vector.broadcast %add3A_761 : i32 to vector<16xi32>
          %add3A_764 = arith.addi %broadcast_in_dim3A_762, %add3A_763 : vector<16xi32>
          %get3A = arith.index_cast %add3A_761 : i32 to index
          %get3A_765 = arith.constant 0 : index
          %get3A_766 = tpu.vector_load %arg7[%get3A, %get3A_765] {strides = array<i32>} : memref<128x64xf32, #tpu.memory_space<vmem>>, vector<16xf32>,
          %get3A_767 = arith.index_cast %add3A_761 : i32 to index
          %get3A_768 = arith.constant 16 : index
          %get3A_769 = tpu.vector_load %arg7[%get3A_767, %get3A_768] {strides = array<i32>} : memref<128x64xf32, #tpu.memory_space<vmem>>, vector<16xf32>,
          %get3A_770 = arith.index_cast %add3A_761 : i32 to index
          %get3A_771 = arith.constant 32 : index
          %get3A_772 = tpu.vector_load %arg7[%get3A_770, %get3A_771] {strides = array<i32>} : memref<128x64xf32, #tpu.memory_space<vmem>>, vector<16xf32>,
          %get3A_773 = arith.index_cast %add3A_761 : i32 to index
          %get3A_774 = arith.constant 48 : index
          %get3A_775 = tpu.vector_load %arg7[%get3A_773, %get3A_774] {strides = array<i32>} : memref<128x64xf32, #tpu.memory_space<vmem>>, vector<16xf32>,
          %mul3A_776 = arith.constant 4 : i32
          %mul3A_777 = arith.muli %mul3A_776, %scan3A_757 : i32
          %add3A_778 = arith.constant 1 : i32
          %add3A_779 = arith.addi %mul3A_777, %add3A_778 : i32
          %broadcast_in_dim3A_780 = arith.constant 0 : i32
          %broadcast_in_dim3A_781 = vector.broadcast %broadcast_in_dim3A_780 : i32 to vector<16xi32>
          %add3A_782 = vector.broadcast %add3A_779 : i32 to vector<16xi32>
          %add3A_783 = arith.addi %broadcast_in_dim3A_781, %add3A_782 : vector<16xi32>
          %get3A_784 = arith.index_cast %add3A_779 : i32 to index
          %get3A_785 = arith.constant 0 : index
          %get3A_786 = tpu.vector_load %arg7[%get3A_784, %get3A_785] {strides = array<i32>} : memref<128x64xf32, #tpu.memory_space<vmem>>, vector<16xf32>,
          %get3A_787 = arith.index_cast %add3A_779 : i32 to index
          %get3A_788 = arith.constant 16 : index
          %get3A_789 = tpu.vector_load %arg7[%get3A_787, %get3A_788] {strides = array<i32>} : memref<128x64xf32, #tpu.memory_space<vmem>>, vector<16xf32>,
          %get3A_790 = arith.index_cast %add3A_779 : i32 to index
          %get3A_791 = arith.constant 32 : index
          %get3A_792 = tpu.vector_load %arg7[%get3A_790, %get3A_791] {strides = array<i32>} : memref<128x64xf32, #tpu.memory_space<vmem>>, vector<16xf32>,
          %get3A_793 = arith.index_cast %add3A_779 : i32 to index
          %get3A_794 = arith.constant 48 : index
          %get3A_795 = tpu.vector_load %arg7[%get3A_793, %get3A_794] {strides = array<i32>} : memref<128x64xf32, #tpu.memory_space<vmem>>, vector<16xf32>,
          %mul3A_796 = arith.constant 4 : i32
          %mul3A_797 = arith.muli %mul3A_796, %scan3A_757 : i32
          %add3A_798 = arith.constant 2 : i32
          %add3A_799 = arith.addi %mul3A_797, %add3A_798 : i32
          %broadcast_in_dim3A_800 = arith.constant 0 : i32
          %broadcast_in_dim3A_801 = vector.broadcast %broadcast_in_dim3A_800 : i32 to vector<16xi32>
          %add3A_802 = vector.broadcast %add3A_799 : i32 to vector<16xi32>
          %add3A_803 = arith.addi %broadcast_in_dim3A_801, %add3A_802 : vector<16xi32>
          %get3A_804 = arith.index_cast %add3A_799 : i32 to index
          %get3A_805 = arith.constant 0 : index
          %get3A_806 = tpu.vector_load %arg7[%get3A_804, %get3A_805] {strides = array<i32>} : memref<128x64xf32, #tpu.memory_space<vmem>>, vector<16xf32>,
          %get3A_807 = arith.index_cast %add3A_799 : i32 to index
          %get3A_808 = arith.constant 16 : index
          %get3A_809 = tpu.vector_load %arg7[%get3A_807, %get3A_808] {strides = array<i32>} : memref<128x64xf32, #tpu.memory_space<vmem>>, vector<16xf32>,
          %get3A_810 = arith.index_cast %add3A_799 : i32 to index
          %get3A_811 = arith.constant 32 : index
          %get3A_812 = tpu.vector_load %arg7[%get3A_810, %get3A_811] {strides = array<i32>} : memref<128x64xf32, #tpu.memory_space<vmem>>, vector<16xf32>,
          %get3A_813 = arith.index_cast %add3A_799 : i32 to index
          %get3A_814 = arith.constant 48 : index
          %get3A_815 = tpu.vector_load %arg7[%get3A_813, %get3A_814] {strides = array<i32>} : memref<128x64xf32, #tpu.memory_space<vmem>>, vector<16xf32>,
          %mul3A_816 = arith.constant 4 : i32
          %mul3A_817 = arith.muli %mul3A_816, %scan3A_757 : i32
          %add3A_818 = arith.constant 3 : i32
          %add3A_819 = arith.addi %mul3A_817, %add3A_818 : i32
          %broadcast_in_dim3A_820 = arith.constant 0 : i32
          %broadcast_in_dim3A_821 = vector.broadcast %broadcast_in_dim3A_820 : i32 to vector<16xi32>
          %add3A_822 = vector.broadcast %add3A_819 : i32 to vector<16xi32>
          %add3A_823 = arith.addi %broadcast_in_dim3A_821, %add3A_822 : vector<16xi32>
          %get3A_824 = arith.index_cast %add3A_819 : i32 to index
          %get3A_825 = arith.constant 0 : index
          %get3A_826 = tpu.vector_load %arg7[%get3A_824, %get3A_825] {strides = array<i32>} : memref<128x64xf32, #tpu.memory_space<vmem>>, vector<16xf32>,
          %get3A_827 = arith.index_cast %add3A_819 : i32 to index
          %get3A_828 = arith.constant 16 : index
          %get3A_829 = tpu.vector_load %arg7[%get3A_827, %get3A_828] {strides = array<i32>} : memref<128x64xf32, #tpu.memory_space<vmem>>, vector<16xf32>,
          %get3A_830 = arith.index_cast %add3A_819 : i32 to index
          %get3A_831 = arith.constant 32 : index
          %get3A_832 = tpu.vector_load %arg7[%get3A_830, %get3A_831] {strides = array<i32>} : memref<128x64xf32, #tpu.memory_space<vmem>>, vector<16xf32>,
          %get3A_833 = arith.index_cast %add3A_819 : i32 to index
          %get3A_834 = arith.constant 48 : index
          %get3A_835 = tpu.vector_load %arg7[%get3A_833, %get3A_834] {strides = array<i32>} : memref<128x64xf32, #tpu.memory_space<vmem>>, vector<16xf32>,
          tpu.vector_store_idx %arg11[%add3A_46, %select_n3A_15, %add3A_764], %get3A_766 : memref<8x8x129xf32, #tpu.memory_space<vmem>>[vector<16xi32>, vector<16xi32>, vector<16xi32>], vector<16xf32>,
          tpu.vector_store_idx %arg11[%add3A_80, %select_n3A_15, %add3A_764], %get3A_769 : memref<8x8x129xf32, #tpu.memory_space<vmem>>[vector<16xi32>, vector<16xi32>, vector<16xi32>], vector<16xf32>,
          tpu.vector_store_idx %arg11[%add3A_114, %select_n3A_15, %add3A_764], %get3A_772 : memref<8x8x129xf32, #tpu.memory_space<vmem>>[vector<16xi32>, vector<16xi32>, vector<16xi32>], vector<16xf32>,
          tpu.vector_store_idx %arg11[%add3A_148, %select_n3A_15, %add3A_764], %get3A_775 : memref<8x8x129xf32, #tpu.memory_space<vmem>>[vector<16xi32>, vector<16xi32>, vector<16xi32>], vector<16xf32>,
          tpu.vector_store_idx %arg11[%add3A_46, %select_n3A_15, %add3A_783], %get3A_786 : memref<8x8x129xf32, #tpu.memory_space<vmem>>[vector<16xi32>, vector<16xi32>, vector<16xi32>], vector<16xf32>,
          tpu.vector_store_idx %arg11[%add3A_80, %select_n3A_15, %add3A_783], %get3A_789 : memref<8x8x129xf32, #tpu.memory_space<vmem>>[vector<16xi32>, vector<16xi32>, vector<16xi32>], vector<16xf32>,
          tpu.vector_store_idx %arg11[%add3A_114, %select_n3A_15, %add3A_783], %get3A_792 : memref<8x8x129xf32, #tpu.memory_space<vmem>>[vector<16xi32>, vector<16xi32>, vector<16xi32>], vector<16xf32>,
          tpu.vector_store_idx %arg11[%add3A_148, %select_n3A_15, %add3A_783], %get3A_795 : memref<8x8x129xf32, #tpu.memory_space<vmem>>[vector<16xi32>, vector<16xi32>, vector<16xi32>], vector<16xf32>,
          tpu.vector_store_idx %arg11[%add3A_46, %select_n3A_15, %add3A_803], %get3A_806 : memref<8x8x129xf32, #tpu.memory_space<vmem>>[vector<16xi32>, vector<16xi32>, vector<16xi32>], vector<16xf32>,
          tpu.vector_store_idx %arg11[%add3A_80, %select_n3A_15, %add3A_803], %get3A_809 : memref<8x8x129xf32, #tpu.memory_space<vmem>>[vector<16xi32>, vector<16xi32>, vector<16xi32>], vector<16xf32>,
          tpu.vector_store_idx %arg11[%add3A_114, %select_n3A_15, %add3A_803], %get3A_812 : memref<8x8x129xf32, #tpu.memory_space<vmem>>[vector<16xi32>, vector<16xi32>, vector<16xi32>], vector<16xf32>,
          tpu.vector_store_idx %arg11[%add3A_148, %select_n3A_15, %add3A_803], %get3A_815 : memref<8x8x129xf32, #tpu.memory_space<vmem>>[vector<16xi32>, vector<16xi32>, vector<16xi32>], vector<16xf32>,
          tpu.vector_store_idx %arg11[%add3A_46, %select_n3A_15, %add3A_823], %get3A_826 : memref<8x8x129xf32, #tpu.memory_space<vmem>>[vector<16xi32>, vector<16xi32>, vector<16xi32>], vector<16xf32>,
          tpu.vector_store_idx %arg11[%add3A_80, %select_n3A_15, %add3A_823], %get3A_829 : memref<8x8x129xf32, #tpu.memory_space<vmem>>[vector<16xi32>, vector<16xi32>, vector<16xi32>], vector<16xf32>,
          tpu.vector_store_idx %arg11[%add3A_114, %select_n3A_15, %add3A_823], %get3A_832 : memref<8x8x129xf32, #tpu.memory_space<vmem>>[vector<16xi32>, vector<16xi32>, vector<16xi32>], vector<16xf32>,
          tpu.vector_store_idx %arg11[%add3A_148, %select_n3A_15, %add3A_823], %get3A_835 : memref<8x8x129xf32, #tpu.memory_space<vmem>>[vector<16xi32>, vector<16xi32>, vector<16xi32>], vector<16xf32>,
        }
        %scan3A_730 = arith.constant 32 : i32
        %dma_start3A_731 = arith.constant 0 : i32
        %dma_start3A_732 = arith.constant 0 : i32
        %dma_start3A_733 = arith.constant 0 : i32
        %dma_start3A_734 = tpu.memref_slice %arg11[%dma_start3A_731, %dma_start3A_732, %dma_start3A_733] : memref<8x8x129xf32, #tpu.memory_space<vmem>> -> memref<8x8x128xf32, #tpu.memory_space<vmem>>
        %dma_start3A_735 = arith.constant 0 : i32
        %dma_start3A_736 = arith.constant 0 : i32
        %dma_start3A_737 = arith.constant 0 : i32
        %dma_start3A_738 = tpu.memref_slice %arg4[%add3A_698, %dma_start3A_735, %add3A_157, %dma_start3A_736, %dma_start3A_737] : memref<50x8x128x8x128xf32, #tpu.memory_space<hbm>> -> memref<1x8x1x8x128xf32, #tpu.memory_space<hbm>>
        %dma_start3A_739 = tpu.memref_squeeze %dma_start3A_738 : memref<1x8x1x8x128xf32, #tpu.memory_space<hbm>> -> memref<8x8x128xf32, #tpu.memory_space<hbm>>
        %dma_start3A_740 = arith.constant 0 : i32
        %dma_start3A_741 = arith.constant 0 : i32
        %dma_start3A_742 = arith.constant 0 : i32
        %dma_start3A_743 = tpu.memref_slice %arg4[%add3A_698, %dma_start3A_740, %add3A_157, %dma_start3A_741, %dma_start3A_742] : memref<50x8x128x8x128xf32, #tpu.memory_space<hbm>> -> memref<1x8x1x8x128xf32, #tpu.memory_space<hbm>>
        %dma_start3A_744 = tpu.memref_squeeze %dma_start3A_743 : memref<1x8x1x8x128xf32, #tpu.memory_space<hbm>> -> memref<8x8x128xf32, #tpu.memory_space<hbm>>
        %dma_start3A_745 = arith.constant 0 : i32
        %dma_start3A_746 = arith.constant 0 : i32
        %dma_start3A_747 = arith.constant 0 : i32
        %dma_start3A_748 = tpu.memref_slice %arg11[%dma_start3A_745, %dma_start3A_746, %dma_start3A_747] : memref<8x8x129xf32, #tpu.memory_space<vmem>> -> memref<8x8x128xf32, #tpu.memory_space<vmem>>
        tpu.enqueue_dma source(%dma_start3A_748 : memref<8x8x128xf32, #tpu.memory_space<vmem>>) target(%dma_start3A_744 : memref<8x8x128xf32, #tpu.memory_space<hbm>>) target_semaphore(%arg17 : memref<!tpu.dma_semaphore, #tpu.memory_space<semaphore_mem>>)
        %add3A_749 = arith.constant 4 : i32
        %add3A_750 = arith.addi %add3A_698, %add3A_749 : i32
        %dma_start3A_751 = arith.constant 0 : i32
        %dma_start3A_752 = tpu.memref_slice %arg5[%add3A_750, %dma_start3A_751] : memref<50x128xi32, #tpu.memory_space<vmem>> -> memref<1x128xi32, #tpu.memory_space<vmem>>
        %dma_start3A_753 = tpu.memref_squeeze %dma_start3A_752 : memref<1x128xi32, #tpu.memory_space<vmem>> -> memref<128xi32, #tpu.memory_space<vmem>>
        %dma_start3A_754 = arith.constant 0 : i32
        %dma_start3A_755 = arith.constant 0 : i32
        %dma_start3A_756 = tpu.memref_slice %arg3[%dma_start3A_754, %dma_start3A_755] : memref<100000x64xf32, #tpu.memory_space<hbm>> -> memref<100000x64xf32, #tpu.memory_space<hbm>>
        tpu.enqueue_indirect_dma source(%dma_start3A_756 : memref<100000x64xf32, #tpu.memory_space<hbm>>) target(%arg7 : memref<128x64xf32, #tpu.memory_space<vmem>>) offsets(%dma_start3A_753 : memref<128xi32, #tpu.memory_space<vmem>>) semaphore(%arg13 : memref<!tpu.dma_semaphore, #tpu.memory_space<semaphore_mem>>)
      }
      %scan3A_267 = arith.constant 11 : i32
      %dma_wait3A_268 = arith.constant 0 : i32
      %dma_wait3A_269 = arith.constant 0 : i32
      %dma_wait3A_270 = tpu.memref_slice %arg3[%dma_wait3A_268, %dma_wait3A_269] : memref<100000x64xf32, #tpu.memory_space<hbm>> -> memref<128x64xf32, #tpu.memory_space<hbm>>
      %dma_wait3A_271 = arith.constant 0 : i32
      %dma_wait3A_272 = arith.constant 0 : i32
      %dma_wait3A_273 = tpu.memref_slice %arg3[%dma_wait3A_271, %dma_wait3A_272] : memref<100000x64xf32, #tpu.memory_space<hbm>> -> memref<128x64xf32, #tpu.memory_space<hbm>>
      tpu.wait_dma2 semaphore(%arg14 : memref<!tpu.dma_semaphore, #tpu.memory_space<semaphore_mem>>) src(%dma_wait3A_273 : memref<128x64xf32, #tpu.memory_space<hbm>>) dst(%arg8 : memref<128x64xf32, #tpu.memory_space<vmem>>)
      %dma_wait3A_274 = arith.constant 0 : i32
      %dma_wait3A_275 = arith.constant 0 : i32
      %dma_wait3A_276 = arith.constant 0 : i32
      %dma_wait3A_277 = arith.constant 0 : i32
      %dma_wait3A_278 = arith.constant 0 : i32
      %dma_wait3A_279 = tpu.memref_slice %arg10[%dma_wait3A_276, %dma_wait3A_277, %dma_wait3A_278] : memref<8x8x129xf32, #tpu.memory_space<vmem>> -> memref<8x8x128xf32, #tpu.memory_space<vmem>>
      %dma_wait3A_280 = arith.constant 0 : i32
      %dma_wait3A_281 = arith.constant 0 : i32
      %dma_wait3A_282 = arith.constant 0 : i32
      %dma_wait3A_283 = tpu.memref_slice %arg4[%dma_wait3A_274, %dma_wait3A_280, %dma_wait3A_275, %dma_wait3A_281, %dma_wait3A_282] : memref<50x8x128x8x128xf32, #tpu.memory_space<hbm>> -> memref<1x8x1x8x128xf32, #tpu.memory_space<hbm>>
      %dma_wait3A_284 = tpu.memref_squeeze %dma_wait3A_283 : memref<1x8x1x8x128xf32, #tpu.memory_space<hbm>> -> memref<8x8x128xf32, #tpu.memory_space<hbm>>
      %dma_wait3A_285 = arith.constant 0 : i32
      %dma_wait3A_286 = arith.constant 0 : i32
      %dma_wait3A_287 = arith.constant 0 : i32
      %dma_wait3A_288 = tpu.memref_slice %arg4[%dma_wait3A_274, %dma_wait3A_285, %dma_wait3A_275, %dma_wait3A_286, %dma_wait3A_287] : memref<50x8x128x8x128xf32, #tpu.memory_space<hbm>> -> memref<1x8x1x8x128xf32, #tpu.memory_space<hbm>>
      %dma_wait3A_289 = tpu.memref_squeeze %dma_wait3A_288 : memref<1x8x1x8x128xf32, #tpu.memory_space<hbm>> -> memref<8x8x128xf32, #tpu.memory_space<hbm>>
      %dma_wait3A_290 = arith.constant 0 : i32
      %dma_wait3A_291 = arith.constant 0 : i32
      %dma_wait3A_292 = arith.constant 0 : i32
      %dma_wait3A_293 = tpu.memref_slice %arg10[%dma_wait3A_290, %dma_wait3A_291, %dma_wait3A_292] : memref<8x8x129xf32, #tpu.memory_space<vmem>> -> memref<8x8x128xf32, #tpu.memory_space<vmem>>
      tpu.wait_dma2 semaphore(%arg16 : memref<!tpu.dma_semaphore, #tpu.memory_space<semaphore_mem>>) src(%dma_wait3A_293 : memref<8x8x128xf32, #tpu.memory_space<vmem>>) dst(%dma_wait3A_289 : memref<8x8x128xf32, #tpu.memory_space<hbm>>)
      %scan3A_294 = arith.constant 0 : i32
      %scan3A_295 = arith.constant 0 : i32
      %scan3A_296 = arith.constant 32 : i32
      %scan3A_297 = arith.addi %scan3A_295, %scan3A_296 : i32
      %scan3A_298 = arith.constant 1 : i32
      scf.for %scan3A_512 = %scan3A_295 to %scan3A_297 step %scan3A_298  : i32 {
        %mul3A_513 = arith.constant 4 : i32
        %mul3A_514 = arith.muli %mul3A_513, %scan3A_512 : i32
        %add3A_515 = arith.constant 0 : i32
        %add3A_516 = arith.addi %mul3A_514, %add3A_515 : i32
        %broadcast_in_dim3A = arith.constant 0 : i32
        %broadcast_in_dim3A_517 = vector.broadcast %broadcast_in_dim3A : i32 to vector<16xi32>
        %add3A_518 = vector.broadcast %add3A_516 : i32 to vector<16xi32>
        %add3A_519 = arith.addi %broadcast_in_dim3A_517, %add3A_518 : vector<16xi32>
        %get3A = arith.index_cast %add3A_516 : i32 to index
        %get3A_520 = arith.constant 0 : index
        %get3A_521 = tpu.vector_load %arg8[%get3A, %get3A_520] {strides = array<i32>} : memref<128x64xf32, #tpu.memory_space<vmem>>, vector<16xf32>,
        %get3A_522 = arith.index_cast %add3A_516 : i32 to index
        %get3A_523 = arith.constant 16 : index
        %get3A_524 = tpu.vector_load %arg8[%get3A_522, %get3A_523] {strides = array<i32>} : memref<128x64xf32, #tpu.memory_space<vmem>>, vector<16xf32>,
        %get3A_525 = arith.index_cast %add3A_516 : i32 to index
        %get3A_526 = arith.constant 32 : index
        %get3A_527 = tpu.vector_load %arg8[%get3A_525, %get3A_526] {strides = array<i32>} : memref<128x64xf32, #tpu.memory_space<vmem>>, vector<16xf32>,
        %get3A_528 = arith.index_cast %add3A_516 : i32 to index
        %get3A_529 = arith.constant 48 : index
        %get3A_530 = tpu.vector_load %arg8[%get3A_528, %get3A_529] {strides = array<i32>} : memref<128x64xf32, #tpu.memory_space<vmem>>, vector<16xf32>,
        %mul3A_531 = arith.constant 4 : i32
        %mul3A_532 = arith.muli %mul3A_531, %scan3A_512 : i32
        %add3A_533 = arith.constant 1 : i32
        %add3A_534 = arith.addi %mul3A_532, %add3A_533 : i32
        %broadcast_in_dim3A_535 = arith.constant 0 : i32
        %broadcast_in_dim3A_536 = vector.broadcast %broadcast_in_dim3A_535 : i32 to vector<16xi32>
        %add3A_537 = vector.broadcast %add3A_534 : i32 to vector<16xi32>
        %add3A_538 = arith.addi %broadcast_in_dim3A_536, %add3A_537 : vector<16xi32>
        %get3A_539 = arith.index_cast %add3A_534 : i32 to index
        %get3A_540 = arith.constant 0 : index
        %get3A_541 = tpu.vector_load %arg8[%get3A_539, %get3A_540] {strides = array<i32>} : memref<128x64xf32, #tpu.memory_space<vmem>>, vector<16xf32>,
        %get3A_542 = arith.index_cast %add3A_534 : i32 to index
        %get3A_543 = arith.constant 16 : index
        %get3A_544 = tpu.vector_load %arg8[%get3A_542, %get3A_543] {strides = array<i32>} : memref<128x64xf32, #tpu.memory_space<vmem>>, vector<16xf32>,
        %get3A_545 = arith.index_cast %add3A_534 : i32 to index
        %get3A_546 = arith.constant 32 : index
        %get3A_547 = tpu.vector_load %arg8[%get3A_545, %get3A_546] {strides = array<i32>} : memref<128x64xf32, #tpu.memory_space<vmem>>, vector<16xf32>,
        %get3A_548 = arith.index_cast %add3A_534 : i32 to index
        %get3A_549 = arith.constant 48 : index
        %get3A_550 = tpu.vector_load %arg8[%get3A_548, %get3A_549] {strides = array<i32>} : memref<128x64xf32, #tpu.memory_space<vmem>>, vector<16xf32>,
        %mul3A_551 = arith.constant 4 : i32
        %mul3A_552 = arith.muli %mul3A_551, %scan3A_512 : i32
        %add3A_553 = arith.constant 2 : i32
        %add3A_554 = arith.addi %mul3A_552, %add3A_553 : i32
        %broadcast_in_dim3A_555 = arith.constant 0 : i32
        %broadcast_in_dim3A_556 = vector.broadcast %broadcast_in_dim3A_555 : i32 to vector<16xi32>
        %add3A_557 = vector.broadcast %add3A_554 : i32 to vector<16xi32>
        %add3A_558 = arith.addi %broadcast_in_dim3A_556, %add3A_557 : vector<16xi32>
        %get3A_559 = arith.index_cast %add3A_554 : i32 to index
        %get3A_560 = arith.constant 0 : index
        %get3A_561 = tpu.vector_load %arg8[%get3A_559, %get3A_560] {strides = array<i32>} : memref<128x64xf32, #tpu.memory_space<vmem>>, vector<16xf32>,
        %get3A_562 = arith.index_cast %add3A_554 : i32 to index
        %get3A_563 = arith.constant 16 : index
        %get3A_564 = tpu.vector_load %arg8[%get3A_562, %get3A_563] {strides = array<i32>} : memref<128x64xf32, #tpu.memory_space<vmem>>, vector<16xf32>,
        %get3A_565 = arith.index_cast %add3A_554 : i32 to index
        %get3A_566 = arith.constant 32 : index
        %get3A_567 = tpu.vector_load %arg8[%get3A_565, %get3A_566] {strides = array<i32>} : memref<128x64xf32, #tpu.memory_space<vmem>>, vector<16xf32>,
        %get3A_568 = arith.index_cast %add3A_554 : i32 to index
        %get3A_569 = arith.constant 48 : index
        %get3A_570 = tpu.vector_load %arg8[%get3A_568, %get3A_569] {strides = array<i32>} : memref<128x64xf32, #tpu.memory_space<vmem>>, vector<16xf32>,
        %mul3A_571 = arith.constant 4 : i32
        %mul3A_572 = arith.muli %mul3A_571, %scan3A_512 : i32
        %add3A_573 = arith.constant 3 : i32
        %add3A_574 = arith.addi %mul3A_572, %add3A_573 : i32
        %broadcast_in_dim3A_575 = arith.constant 0 : i32
        %broadcast_in_dim3A_576 = vector.broadcast %broadcast_in_dim3A_575 : i32 to vector<16xi32>
        %add3A_577 = vector.broadcast %add3A_574 : i32 to vector<16xi32>
        %add3A_578 = arith.addi %broadcast_in_dim3A_576, %add3A_577 : vector<16xi32>
        %get3A_579 = arith.index_cast %add3A_574 : i32 to index
        %get3A_580 = arith.constant 0 : index
        %get3A_581 = tpu.vector_load %arg8[%get3A_579, %get3A_580] {strides = array<i32>} : memref<128x64xf32, #tpu.memory_space<vmem>>, vector<16xf32>,
        %get3A_582 = arith.index_cast %add3A_574 : i32 to index
        %get3A_583 = arith.constant 16 : index
        %get3A_584 = tpu.vector_load %arg8[%get3A_582, %get3A_583] {strides = array<i32>} : memref<128x64xf32, #tpu.memory_space<vmem>>, vector<16xf32>,
        %get3A_585 = arith.index_cast %add3A_574 : i32 to index
        %get3A_586 = arith.constant 32 : index
        %get3A_587 = tpu.vector_load %arg8[%get3A_585, %get3A_586] {strides = array<i32>} : memref<128x64xf32, #tpu.memory_space<vmem>>, vector<16xf32>,
        %get3A_588 = arith.index_cast %add3A_574 : i32 to index
        %get3A_589 = arith.constant 48 : index
        %get3A_590 = tpu.vector_load %arg8[%get3A_588, %get3A_589] {strides = array<i32>} : memref<128x64xf32, #tpu.memory_space<vmem>>, vector<16xf32>,
        tpu.vector_store_idx %arg10[%add3A_46, %select_n3A_15, %add3A_519], %get3A_521 : memref<8x8x129xf32, #tpu.memory_space<vmem>>[vector<16xi32>, vector<16xi32>, vector<16xi32>], vector<16xf32>,
        tpu.vector_store_idx %arg10[%add3A_80, %select_n3A_15, %add3A_519], %get3A_524 : memref<8x8x129xf32, #tpu.memory_space<vmem>>[vector<16xi32>, vector<16xi32>, vector<16xi32>], vector<16xf32>,
        tpu.vector_store_idx %arg10[%add3A_114, %select_n3A_15, %add3A_519], %get3A_527 : memref<8x8x129xf32, #tpu.memory_space<vmem>>[vector<16xi32>, vector<16xi32>, vector<16xi32>], vector<16xf32>,
        tpu.vector_store_idx %arg10[%add3A_148, %select_n3A_15, %add3A_519], %get3A_530 : memref<8x8x129xf32, #tpu.memory_space<vmem>>[vector<16xi32>, vector<16xi32>, vector<16xi32>], vector<16xf32>,
        tpu.vector_store_idx %arg10[%add3A_46, %select_n3A_15, %add3A_538], %get3A_541 : memref<8x8x129xf32, #tpu.memory_space<vmem>>[vector<16xi32>, vector<16xi32>, vector<16xi32>], vector<16xf32>,
        tpu.vector_store_idx %arg10[%add3A_80, %select_n3A_15, %add3A_538], %get3A_544 : memref<8x8x129xf32, #tpu.memory_space<vmem>>[vector<16xi32>, vector<16xi32>, vector<16xi32>], vector<16xf32>,
        tpu.vector_store_idx %arg10[%add3A_114, %select_n3A_15, %add3A_538], %get3A_547 : memref<8x8x129xf32, #tpu.memory_space<vmem>>[vector<16xi32>, vector<16xi32>, vector<16xi32>], vector<16xf32>,
        tpu.vector_store_idx %arg10[%add3A_148, %select_n3A_15, %add3A_538], %get3A_550 : memref<8x8x129xf32, #tpu.memory_space<vmem>>[vector<16xi32>, vector<16xi32>, vector<16xi32>], vector<16xf32>,
        tpu.vector_store_idx %arg10[%add3A_46, %select_n3A_15, %add3A_558], %get3A_561 : memref<8x8x129xf32, #tpu.memory_space<vmem>>[vector<16xi32>, vector<16xi32>, vector<16xi32>], vector<16xf32>,
        tpu.vector_store_idx %arg10[%add3A_80, %select_n3A_15, %add3A_558], %get3A_564 : memref<8x8x129xf32, #tpu.memory_space<vmem>>[vector<16xi32>, vector<16xi32>, vector<16xi32>], vector<16xf32>,
        tpu.vector_store_idx %arg10[%add3A_114, %select_n3A_15, %add3A_558], %get3A_567 : memref<8x8x129xf32, #tpu.memory_space<vmem>>[vector<16xi32>, vector<16xi32>, vector<16xi32>], vector<16xf32>,
        tpu.vector_store_idx %arg10[%add3A_148, %select_n3A_15, %add3A_558], %get3A_570 : memref<8x8x129xf32, #tpu.memory_space<vmem>>[vector<16xi32>, vector<16xi32>, vector<16xi32>], vector<16xf32>,
        tpu.vector_store_idx %arg10[%add3A_46, %select_n3A_15, %add3A_578], %get3A_581 : memref<8x8x129xf32, #tpu.memory_space<vmem>>[vector<16xi32>, vector<16xi32>, vector<16xi32>], vector<16xf32>,
        tpu.vector_store_idx %arg10[%add3A_80, %select_n3A_15, %add3A_578], %get3A_584 : memref<8x8x129xf32, #tpu.memory_space<vmem>>[vector<16xi32>, vector<16xi32>, vector<16xi32>], vector<16xf32>,
        tpu.vector_store_idx %arg10[%add3A_114, %select_n3A_15, %add3A_578], %get3A_587 : memref<8x8x129xf32, #tpu.memory_space<vmem>>[vector<16xi32>, vector<16xi32>, vector<16xi32>], vector<16xf32>,
        tpu.vector_store_idx %arg10[%add3A_148, %select_n3A_15, %add3A_578], %get3A_590 : memref<8x8x129xf32, #tpu.memory_space<vmem>>[vector<16xi32>, vector<16xi32>, vector<16xi32>], vector<16xf32>,
      }
      %scan3A_299 = arith.constant 32 : i32
      %dma_start3A_300 = arith.constant 46 : i32
      %dma_start3A_301 = arith.constant 0 : i32
      %dma_start3A_302 = arith.constant 0 : i32
      %dma_start3A_303 = arith.constant 0 : i32
      %dma_start3A_304 = tpu.memref_slice %arg10[%dma_start3A_301, %dma_start3A_302, %dma_start3A_303] : memref<8x8x129xf32, #tpu.memory_space<vmem>> -> memref<8x8x128xf32, #tpu.memory_space<vmem>>
      %dma_start3A_305 = arith.constant 0 : i32
      %dma_start3A_306 = arith.constant 0 : i32
      %dma_start3A_307 = arith.constant 0 : i32
      %dma_start3A_308 = tpu.memref_slice %arg4[%dma_start3A_300, %dma_start3A_305, %add3A_157, %dma_start3A_306, %dma_start3A_307] : memref<50x8x128x8x128xf32, #tpu.memory_space<hbm>> -> memref<1x8x1x8x128xf32, #tpu.memory_space<hbm>>
      %dma_start3A_309 = tpu.memref_squeeze %dma_start3A_308 : memref<1x8x1x8x128xf32, #tpu.memory_space<hbm>> -> memref<8x8x128xf32, #tpu.memory_space<hbm>>
      %dma_start3A_310 = arith.constant 0 : i32
      %dma_start3A_311 = arith.constant 0 : i32
      %dma_start3A_312 = arith.constant 0 : i32
      %dma_start3A_313 = tpu.memref_slice %arg4[%dma_start3A_300, %dma_start3A_310, %add3A_157, %dma_start3A_311, %dma_start3A_312] : memref<50x8x128x8x128xf32, #tpu.memory_space<hbm>> -> memref<1x8x1x8x128xf32, #tpu.memory_space<hbm>>
      %dma_start3A_314 = tpu.memref_squeeze %dma_start3A_313 : memref<1x8x1x8x128xf32, #tpu.memory_space<hbm>> -> memref<8x8x128xf32, #tpu.memory_space<hbm>>
      %dma_start3A_315 = arith.constant 0 : i32
      %dma_start3A_316 = arith.constant 0 : i32
      %dma_start3A_317 = arith.constant 0 : i32
      %dma_start3A_318 = tpu.memref_slice %arg10[%dma_start3A_315, %dma_start3A_316, %dma_start3A_317] : memref<8x8x129xf32, #tpu.memory_space<vmem>> -> memref<8x8x128xf32, #tpu.memory_space<vmem>>
      tpu.enqueue_dma source(%dma_start3A_318 : memref<8x8x128xf32, #tpu.memory_space<vmem>>) target(%dma_start3A_314 : memref<8x8x128xf32, #tpu.memory_space<hbm>>) target_semaphore(%arg16 : memref<!tpu.dma_semaphore, #tpu.memory_space<semaphore_mem>>)
      %dma_wait3A_319 = arith.constant 0 : i32
      %dma_wait3A_320 = arith.constant 0 : i32
      %dma_wait3A_321 = tpu.memref_slice %arg3[%dma_wait3A_319, %dma_wait3A_320] : memref<100000x64xf32, #tpu.memory_space<hbm>> -> memref<128x64xf32, #tpu.memory_space<hbm>>
      %dma_wait3A_322 = arith.constant 0 : i32
      %dma_wait3A_323 = arith.constant 0 : i32
      %dma_wait3A_324 = tpu.memref_slice %arg3[%dma_wait3A_322, %dma_wait3A_323] : memref<100000x64xf32, #tpu.memory_space<hbm>> -> memref<128x64xf32, #tpu.memory_space<hbm>>
      tpu.wait_dma2 semaphore(%arg15 : memref<!tpu.dma_semaphore, #tpu.memory_space<semaphore_mem>>) src(%dma_wait3A_324 : memref<128x64xf32, #tpu.memory_space<hbm>>) dst(%arg9 : memref<128x64xf32, #tpu.memory_space<vmem>>)
      %dma_wait3A_325 = arith.constant 0 : i32
      %dma_wait3A_326 = arith.constant 0 : i32
      %dma_wait3A_327 = arith.constant 0 : i32
      %dma_wait3A_328 = arith.constant 0 : i32
      %dma_wait3A_329 = arith.constant 0 : i32
      %dma_wait3A_330 = tpu.memref_slice %arg11[%dma_wait3A_327, %dma_wait3A_328, %dma_wait3A_329] : memref<8x8x129xf32, #tpu.memory_space<vmem>> -> memref<8x8x128xf32, #tpu.memory_space<vmem>>
      %dma_wait3A_331 = arith.constant 0 : i32
      %dma_wait3A_332 = arith.constant 0 : i32
      %dma_wait3A_333 = arith.constant 0 : i32
      %dma_wait3A_334 = tpu.memref_slice %arg4[%dma_wait3A_325, %dma_wait3A_331, %dma_wait3A_326, %dma_wait3A_332, %dma_wait3A_333] : memref<50x8x128x8x128xf32, #tpu.memory_space<hbm>> -> memref<1x8x1x8x128xf32, #tpu.memory_space<hbm>>
      %dma_wait3A_335 = tpu.memref_squeeze %dma_wait3A_334 : memref<1x8x1x8x128xf32, #tpu.memory_space<hbm>> -> memref<8x8x128xf32, #tpu.memory_space<hbm>>
      %dma_wait3A_336 = arith.constant 0 : i32
      %dma_wait3A_337 = arith.constant 0 : i32
      %dma_wait3A_338 = arith.constant 0 : i32
      %dma_wait3A_339 = tpu.memref_slice %arg4[%dma_wait3A_325, %dma_wait3A_336, %dma_wait3A_326, %dma_wait3A_337, %dma_wait3A_338] : memref<50x8x128x8x128xf32, #tpu.memory_space<hbm>> -> memref<1x8x1x8x128xf32, #tpu.memory_space<hbm>>
      %dma_wait3A_340 = tpu.memref_squeeze %dma_wait3A_339 : memref<1x8x1x8x128xf32, #tpu.memory_space<hbm>> -> memref<8x8x128xf32, #tpu.memory_space<hbm>>
      %dma_wait3A_341 = arith.constant 0 : i32
      %dma_wait3A_342 = arith.constant 0 : i32
      %dma_wait3A_343 = arith.constant 0 : i32
      %dma_wait3A_344 = tpu.memref_slice %arg11[%dma_wait3A_341, %dma_wait3A_342, %dma_wait3A_343] : memref<8x8x129xf32, #tpu.memory_space<vmem>> -> memref<8x8x128xf32, #tpu.memory_space<vmem>>
      tpu.wait_dma2 semaphore(%arg17 : memref<!tpu.dma_semaphore, #tpu.memory_space<semaphore_mem>>) src(%dma_wait3A_344 : memref<8x8x128xf32, #tpu.memory_space<vmem>>) dst(%dma_wait3A_340 : memref<8x8x128xf32, #tpu.memory_space<hbm>>)
      %scan3A_345 = arith.constant 0 : i32
      %scan3A_346 = arith.constant 0 : i32
      %scan3A_347 = arith.constant 32 : i32
      %scan3A_348 = arith.addi %scan3A_346, %scan3A_347 : i32
      %scan3A_349 = arith.constant 1 : i32
      scf.for %scan3A_512 = %scan3A_346 to %scan3A_348 step %scan3A_349  : i32 {
        %mul3A_513 = arith.constant 4 : i32
        %mul3A_514 = arith.muli %mul3A_513, %scan3A_512 : i32
        %add3A_515 = arith.constant 0 : i32
        %add3A_516 = arith.addi %mul3A_514, %add3A_515 : i32
        %broadcast_in_dim3A = arith.constant 0 : i32
        %broadcast_in_dim3A_517 = vector.broadcast %broadcast_in_dim3A : i32 to vector<16xi32>
        %add3A_518 = vector.broadcast %add3A_516 : i32 to vector<16xi32>
        %add3A_519 = arith.addi %broadcast_in_dim3A_517, %add3A_518 : vector<16xi32>
        %get3A = arith.index_cast %add3A_516 : i32 to index
        %get3A_520 = arith.constant 0 : index
        %get3A_521 = tpu.vector_load %arg9[%get3A, %get3A_520] {strides = array<i32>} : memref<128x64xf32, #tpu.memory_space<vmem>>, vector<16xf32>,
        %get3A_522 = arith.index_cast %add3A_516 : i32 to index
        %get3A_523 = arith.constant 16 : index
        %get3A_524 = tpu.vector_load %arg9[%get3A_522, %get3A_523] {strides = array<i32>} : memref<128x64xf32, #tpu.memory_space<vmem>>, vector<16xf32>,
        %get3A_525 = arith.index_cast %add3A_516 : i32 to index
        %get3A_526 = arith.constant 32 : index
        %get3A_527 = tpu.vector_load %arg9[%get3A_525, %get3A_526] {strides = array<i32>} : memref<128x64xf32, #tpu.memory_space<vmem>>, vector<16xf32>,
        %get3A_528 = arith.index_cast %add3A_516 : i32 to index
        %get3A_529 = arith.constant 48 : index
        %get3A_530 = tpu.vector_load %arg9[%get3A_528, %get3A_529] {strides = array<i32>} : memref<128x64xf32, #tpu.memory_space<vmem>>, vector<16xf32>,
        %mul3A_531 = arith.constant 4 : i32
        %mul3A_532 = arith.muli %mul3A_531, %scan3A_512 : i32
        %add3A_533 = arith.constant 1 : i32
        %add3A_534 = arith.addi %mul3A_532, %add3A_533 : i32
        %broadcast_in_dim3A_535 = arith.constant 0 : i32
        %broadcast_in_dim3A_536 = vector.broadcast %broadcast_in_dim3A_535 : i32 to vector<16xi32>
        %add3A_537 = vector.broadcast %add3A_534 : i32 to vector<16xi32>
        %add3A_538 = arith.addi %broadcast_in_dim3A_536, %add3A_537 : vector<16xi32>
        %get3A_539 = arith.index_cast %add3A_534 : i32 to index
        %get3A_540 = arith.constant 0 : index
        %get3A_541 = tpu.vector_load %arg9[%get3A_539, %get3A_540] {strides = array<i32>} : memref<128x64xf32, #tpu.memory_space<vmem>>, vector<16xf32>,
        %get3A_542 = arith.index_cast %add3A_534 : i32 to index
        %get3A_543 = arith.constant 16 : index
        %get3A_544 = tpu.vector_load %arg9[%get3A_542, %get3A_543] {strides = array<i32>} : memref<128x64xf32, #tpu.memory_space<vmem>>, vector<16xf32>,
        %get3A_545 = arith.index_cast %add3A_534 : i32 to index
        %get3A_546 = arith.constant 32 : index
        %get3A_547 = tpu.vector_load %arg9[%get3A_545, %get3A_546] {strides = array<i32>} : memref<128x64xf32, #tpu.memory_space<vmem>>, vector<16xf32>,
        %get3A_548 = arith.index_cast %add3A_534 : i32 to index
        %get3A_549 = arith.constant 48 : index
        %get3A_550 = tpu.vector_load %arg9[%get3A_548, %get3A_549] {strides = array<i32>} : memref<128x64xf32, #tpu.memory_space<vmem>>, vector<16xf32>,
        %mul3A_551 = arith.constant 4 : i32
        %mul3A_552 = arith.muli %mul3A_551, %scan3A_512 : i32
        %add3A_553 = arith.constant 2 : i32
        %add3A_554 = arith.addi %mul3A_552, %add3A_553 : i32
        %broadcast_in_dim3A_555 = arith.constant 0 : i32
        %broadcast_in_dim3A_556 = vector.broadcast %broadcast_in_dim3A_555 : i32 to vector<16xi32>
        %add3A_557 = vector.broadcast %add3A_554 : i32 to vector<16xi32>
        %add3A_558 = arith.addi %broadcast_in_dim3A_556, %add3A_557 : vector<16xi32>
        %get3A_559 = arith.index_cast %add3A_554 : i32 to index
        %get3A_560 = arith.constant 0 : index
        %get3A_561 = tpu.vector_load %arg9[%get3A_559, %get3A_560] {strides = array<i32>} : memref<128x64xf32, #tpu.memory_space<vmem>>, vector<16xf32>,
        %get3A_562 = arith.index_cast %add3A_554 : i32 to index
        %get3A_563 = arith.constant 16 : index
        %get3A_564 = tpu.vector_load %arg9[%get3A_562, %get3A_563] {strides = array<i32>} : memref<128x64xf32, #tpu.memory_space<vmem>>, vector<16xf32>,
        %get3A_565 = arith.index_cast %add3A_554 : i32 to index
        %get3A_566 = arith.constant 32 : index
        %get3A_567 = tpu.vector_load %arg9[%get3A_565, %get3A_566] {strides = array<i32>} : memref<128x64xf32, #tpu.memory_space<vmem>>, vector<16xf32>,
        %get3A_568 = arith.index_cast %add3A_554 : i32 to index
        %get3A_569 = arith.constant 48 : index
        %get3A_570 = tpu.vector_load %arg9[%get3A_568, %get3A_569] {strides = array<i32>} : memref<128x64xf32, #tpu.memory_space<vmem>>, vector<16xf32>,
        %mul3A_571 = arith.constant 4 : i32
        %mul3A_572 = arith.muli %mul3A_571, %scan3A_512 : i32
        %add3A_573 = arith.constant 3 : i32
        %add3A_574 = arith.addi %mul3A_572, %add3A_573 : i32
        %broadcast_in_dim3A_575 = arith.constant 0 : i32
        %broadcast_in_dim3A_576 = vector.broadcast %broadcast_in_dim3A_575 : i32 to vector<16xi32>
        %add3A_577 = vector.broadcast %add3A_574 : i32 to vector<16xi32>
        %add3A_578 = arith.addi %broadcast_in_dim3A_576, %add3A_577 : vector<16xi32>
        %get3A_579 = arith.index_cast %add3A_574 : i32 to index
        %get3A_580 = arith.constant 0 : index
        %get3A_581 = tpu.vector_load %arg9[%get3A_579, %get3A_580] {strides = array<i32>} : memref<128x64xf32, #tpu.memory_space<vmem>>, vector<16xf32>,
        %get3A_582 = arith.index_cast %add3A_574 : i32 to index
        %get3A_583 = arith.constant 16 : index
        %get3A_584 = tpu.vector_load %arg9[%get3A_582, %get3A_583] {strides = array<i32>} : memref<128x64xf32, #tpu.memory_space<vmem>>, vector<16xf32>,
        %get3A_585 = arith.index_cast %add3A_574 : i32 to index
        %get3A_586 = arith.constant 32 : index
        %get3A_587 = tpu.vector_load %arg9[%get3A_585, %get3A_586] {strides = array<i32>} : memref<128x64xf32, #tpu.memory_space<vmem>>, vector<16xf32>,
        %get3A_588 = arith.index_cast %add3A_574 : i32 to index
        %get3A_589 = arith.constant 48 : index
        %get3A_590 = tpu.vector_load %arg9[%get3A_588, %get3A_589] {strides = array<i32>} : memref<128x64xf32, #tpu.memory_space<vmem>>, vector<16xf32>,
        tpu.vector_store_idx %arg11[%add3A_46, %select_n3A_15, %add3A_519], %get3A_521 : memref<8x8x129xf32, #tpu.memory_space<vmem>>[vector<16xi32>, vector<16xi32>, vector<16xi32>], vector<16xf32>,
        tpu.vector_store_idx %arg11[%add3A_80, %select_n3A_15, %add3A_519], %get3A_524 : memref<8x8x129xf32, #tpu.memory_space<vmem>>[vector<16xi32>, vector<16xi32>, vector<16xi32>], vector<16xf32>,
        tpu.vector_store_idx %arg11[%add3A_114, %select_n3A_15, %add3A_519], %get3A_527 : memref<8x8x129xf32, #tpu.memory_space<vmem>>[vector<16xi32>, vector<16xi32>, vector<16xi32>], vector<16xf32>,
        tpu.vector_store_idx %arg11[%add3A_148, %select_n3A_15, %add3A_519], %get3A_530 : memref<8x8x129xf32, #tpu.memory_space<vmem>>[vector<16xi32>, vector<16xi32>, vector<16xi32>], vector<16xf32>,
        tpu.vector_store_idx %arg11[%add3A_46, %select_n3A_15, %add3A_538], %get3A_541 : memref<8x8x129xf32, #tpu.memory_space<vmem>>[vector<16xi32>, vector<16xi32>, vector<16xi32>], vector<16xf32>,
        tpu.vector_store_idx %arg11[%add3A_80, %select_n3A_15, %add3A_538], %get3A_544 : memref<8x8x129xf32, #tpu.memory_space<vmem>>[vector<16xi32>, vector<16xi32>, vector<16xi32>], vector<16xf32>,
        tpu.vector_store_idx %arg11[%add3A_114, %select_n3A_15, %add3A_538], %get3A_547 : memref<8x8x129xf32, #tpu.memory_space<vmem>>[vector<16xi32>, vector<16xi32>, vector<16xi32>], vector<16xf32>,
        tpu.vector_store_idx %arg11[%add3A_148, %select_n3A_15, %add3A_538], %get3A_550 : memref<8x8x129xf32, #tpu.memory_space<vmem>>[vector<16xi32>, vector<16xi32>, vector<16xi32>], vector<16xf32>,
        tpu.vector_store_idx %arg11[%add3A_46, %select_n3A_15, %add3A_558], %get3A_561 : memref<8x8x129xf32, #tpu.memory_space<vmem>>[vector<16xi32>, vector<16xi32>, vector<16xi32>], vector<16xf32>,
        tpu.vector_store_idx %arg11[%add3A_80, %select_n3A_15, %add3A_558], %get3A_564 : memref<8x8x129xf32, #tpu.memory_space<vmem>>[vector<16xi32>, vector<16xi32>, vector<16xi32>], vector<16xf32>,
        tpu.vector_store_idx %arg11[%add3A_114, %select_n3A_15, %add3A_558], %get3A_567 : memref<8x8x129xf32, #tpu.memory_space<vmem>>[vector<16xi32>, vector<16xi32>, vector<16xi32>], vector<16xf32>,
        tpu.vector_store_idx %arg11[%add3A_148, %select_n3A_15, %add3A_558], %get3A_570 : memref<8x8x129xf32, #tpu.memory_space<vmem>>[vector<16xi32>, vector<16xi32>, vector<16xi32>], vector<16xf32>,
        tpu.vector_store_idx %arg11[%add3A_46, %select_n3A_15, %add3A_578], %get3A_581 : memref<8x8x129xf32, #tpu.memory_space<vmem>>[vector<16xi32>, vector<16xi32>, vector<16xi32>], vector<16xf32>,
        tpu.vector_store_idx %arg11[%add3A_80, %select_n3A_15, %add3A_578], %get3A_584 : memref<8x8x129xf32, #tpu.memory_space<vmem>>[vector<16xi32>, vector<16xi32>, vector<16xi32>], vector<16xf32>,
        tpu.vector_store_idx %arg11[%add3A_114, %select_n3A_15, %add3A_578], %get3A_587 : memref<8x8x129xf32, #tpu.memory_space<vmem>>[vector<16xi32>, vector<16xi32>, vector<16xi32>], vector<16xf32>,
        tpu.vector_store_idx %arg11[%add3A_148, %select_n3A_15, %add3A_578], %get3A_590 : memref<8x8x129xf32, #tpu.memory_space<vmem>>[vector<16xi32>, vector<16xi32>, vector<16xi32>], vector<16xf32>,
      }
      %scan3A_350 = arith.constant 32 : i32
      %dma_start3A_351 = arith.constant 47 : i32
      %dma_start3A_352 = arith.constant 0 : i32
      %dma_start3A_353 = arith.constant 0 : i32
      %dma_start3A_354 = arith.constant 0 : i32
      %dma_start3A_355 = tpu.memref_slice %arg11[%dma_start3A_352, %dma_start3A_353, %dma_start3A_354] : memref<8x8x129xf32, #tpu.memory_space<vmem>> -> memref<8x8x128xf32, #tpu.memory_space<vmem>>
      %dma_start3A_356 = arith.constant 0 : i32
      %dma_start3A_357 = arith.constant 0 : i32
      %dma_start3A_358 = arith.constant 0 : i32
      %dma_start3A_359 = tpu.memref_slice %arg4[%dma_start3A_351, %dma_start3A_356, %add3A_157, %dma_start3A_357, %dma_start3A_358] : memref<50x8x128x8x128xf32, #tpu.memory_space<hbm>> -> memref<1x8x1x8x128xf32, #tpu.memory_space<hbm>>
      %dma_start3A_360 = tpu.memref_squeeze %dma_start3A_359 : memref<1x8x1x8x128xf32, #tpu.memory_space<hbm>> -> memref<8x8x128xf32, #tpu.memory_space<hbm>>
      %dma_start3A_361 = arith.constant 0 : i32
      %dma_start3A_362 = arith.constant 0 : i32
      %dma_start3A_363 = arith.constant 0 : i32
      %dma_start3A_364 = tpu.memref_slice %arg4[%dma_start3A_351, %dma_start3A_361, %add3A_157, %dma_start3A_362, %dma_start3A_363] : memref<50x8x128x8x128xf32, #tpu.memory_space<hbm>> -> memref<1x8x1x8x128xf32, #tpu.memory_space<hbm>>
      %dma_start3A_365 = tpu.memref_squeeze %dma_start3A_364 : memref<1x8x1x8x128xf32, #tpu.memory_space<hbm>> -> memref<8x8x128xf32, #tpu.memory_space<hbm>>
      %dma_start3A_366 = arith.constant 0 : i32
      %dma_start3A_367 = arith.constant 0 : i32
      %dma_start3A_368 = arith.constant 0 : i32
      %dma_start3A_369 = tpu.memref_slice %arg11[%dma_start3A_366, %dma_start3A_367, %dma_start3A_368] : memref<8x8x129xf32, #tpu.memory_space<vmem>> -> memref<8x8x128xf32, #tpu.memory_space<vmem>>
      tpu.enqueue_dma source(%dma_start3A_369 : memref<8x8x128xf32, #tpu.memory_space<vmem>>) target(%dma_start3A_365 : memref<8x8x128xf32, #tpu.memory_space<hbm>>) target_semaphore(%arg17 : memref<!tpu.dma_semaphore, #tpu.memory_space<semaphore_mem>>)
      %dma_wait3A_370 = arith.constant 0 : i32
      %dma_wait3A_371 = arith.constant 0 : i32
      %dma_wait3A_372 = tpu.memref_slice %arg3[%dma_wait3A_370, %dma_wait3A_371] : memref<100000x64xf32, #tpu.memory_space<hbm>> -> memref<128x64xf32, #tpu.memory_space<hbm>>
      %dma_wait3A_373 = arith.constant 0 : i32
      %dma_wait3A_374 = arith.constant 0 : i32
      %dma_wait3A_375 = tpu.memref_slice %arg3[%dma_wait3A_373, %dma_wait3A_374] : memref<100000x64xf32, #tpu.memory_space<hbm>> -> memref<128x64xf32, #tpu.memory_space<hbm>>
      tpu.wait_dma2 semaphore(%arg12 : memref<!tpu.dma_semaphore, #tpu.memory_space<semaphore_mem>>) src(%dma_wait3A_375 : memref<128x64xf32, #tpu.memory_space<hbm>>) dst(%arg6 : memref<128x64xf32, #tpu.memory_space<vmem>>)
      %dma_wait3A_376 = arith.constant 0 : i32
      %dma_wait3A_377 = arith.constant 0 : i32
      %dma_wait3A_378 = arith.constant 0 : i32
      %dma_wait3A_379 = arith.constant 0 : i32
      %dma_wait3A_380 = arith.constant 0 : i32
      %dma_wait3A_381 = tpu.memref_slice %arg10[%dma_wait3A_378, %dma_wait3A_379, %dma_wait3A_380] : memref<8x8x129xf32, #tpu.memory_space<vmem>> -> memref<8x8x128xf32, #tpu.memory_space<vmem>>
      %dma_wait3A_382 = arith.constant 0 : i32
      %dma_wait3A_383 = arith.constant 0 : i32
      %dma_wait3A_384 = arith.constant 0 : i32
      %dma_wait3A_385 = tpu.memref_slice %arg4[%dma_wait3A_376, %dma_wait3A_382, %dma_wait3A_377, %dma_wait3A_383, %dma_wait3A_384] : memref<50x8x128x8x128xf32, #tpu.memory_space<hbm>> -> memref<1x8x1x8x128xf32, #tpu.memory_space<hbm>>
      %dma_wait3A_386 = tpu.memref_squeeze %dma_wait3A_385 : memref<1x8x1x8x128xf32, #tpu.memory_space<hbm>> -> memref<8x8x128xf32, #tpu.memory_space<hbm>>
      %dma_wait3A_387 = arith.constant 0 : i32
      %dma_wait3A_388 = arith.constant 0 : i32
      %dma_wait3A_389 = arith.constant 0 : i32
      %dma_wait3A_390 = tpu.memref_slice %arg4[%dma_wait3A_376, %dma_wait3A_387, %dma_wait3A_377, %dma_wait3A_388, %dma_wait3A_389] : memref<50x8x128x8x128xf32, #tpu.memory_space<hbm>> -> memref<1x8x1x8x128xf32, #tpu.memory_space<hbm>>
      %dma_wait3A_391 = tpu.memref_squeeze %dma_wait3A_390 : memref<1x8x1x8x128xf32, #tpu.memory_space<hbm>> -> memref<8x8x128xf32, #tpu.memory_space<hbm>>
      %dma_wait3A_392 = arith.constant 0 : i32
      %dma_wait3A_393 = arith.constant 0 : i32
      %dma_wait3A_394 = arith.constant 0 : i32
      %dma_wait3A_395 = tpu.memref_slice %arg10[%dma_wait3A_392, %dma_wait3A_393, %dma_wait3A_394] : memref<8x8x129xf32, #tpu.memory_space<vmem>> -> memref<8x8x128xf32, #tpu.memory_space<vmem>>
      tpu.wait_dma2 semaphore(%arg16 : memref<!tpu.dma_semaphore, #tpu.memory_space<semaphore_mem>>) src(%dma_wait3A_395 : memref<8x8x128xf32, #tpu.memory_space<vmem>>) dst(%dma_wait3A_391 : memref<8x8x128xf32, #tpu.memory_space<hbm>>)
      %scan3A_396 = arith.constant 0 : i32
      %scan3A_397 = arith.constant 0 : i32
      %scan3A_398 = arith.constant 32 : i32
      %scan3A_399 = arith.addi %scan3A_397, %scan3A_398 : i32
      %scan3A_400 = arith.constant 1 : i32
      scf.for %scan3A_512 = %scan3A_397 to %scan3A_399 step %scan3A_400  : i32 {
        %mul3A_513 = arith.constant 4 : i32
        %mul3A_514 = arith.muli %mul3A_513, %scan3A_512 : i32
        %add3A_515 = arith.constant 0 : i32
        %add3A_516 = arith.addi %mul3A_514, %add3A_515 : i32
        %broadcast_in_dim3A = arith.constant 0 : i32
        %broadcast_in_dim3A_517 = vector.broadcast %broadcast_in_dim3A : i32 to vector<16xi32>
        %add3A_518 = vector.broadcast %add3A_516 : i32 to vector<16xi32>
        %add3A_519 = arith.addi %broadcast_in_dim3A_517, %add3A_518 : vector<16xi32>
        %get3A = arith.index_cast %add3A_516 : i32 to index
        %get3A_520 = arith.constant 0 : index
        %get3A_521 = tpu.vector_load %arg6[%get3A, %get3A_520] {strides = array<i32>} : memref<128x64xf32, #tpu.memory_space<vmem>>, vector<16xf32>,
        %get3A_522 = arith.index_cast %add3A_516 : i32 to index
        %get3A_523 = arith.constant 16 : index
        %get3A_524 = tpu.vector_load %arg6[%get3A_522, %get3A_523] {strides = array<i32>} : memref<128x64xf32, #tpu.memory_space<vmem>>, vector<16xf32>,
        %get3A_525 = arith.index_cast %add3A_516 : i32 to index
        %get3A_526 = arith.constant 32 : index
        %get3A_527 = tpu.vector_load %arg6[%get3A_525, %get3A_526] {strides = array<i32>} : memref<128x64xf32, #tpu.memory_space<vmem>>, vector<16xf32>,
        %get3A_528 = arith.index_cast %add3A_516 : i32 to index
        %get3A_529 = arith.constant 48 : index
        %get3A_530 = tpu.vector_load %arg6[%get3A_528, %get3A_529] {strides = array<i32>} : memref<128x64xf32, #tpu.memory_space<vmem>>, vector<16xf32>,
        %mul3A_531 = arith.constant 4 : i32
        %mul3A_532 = arith.muli %mul3A_531, %scan3A_512 : i32
        %add3A_533 = arith.constant 1 : i32
        %add3A_534 = arith.addi %mul3A_532, %add3A_533 : i32
        %broadcast_in_dim3A_535 = arith.constant 0 : i32
        %broadcast_in_dim3A_536 = vector.broadcast %broadcast_in_dim3A_535 : i32 to vector<16xi32>
        %add3A_537 = vector.broadcast %add3A_534 : i32 to vector<16xi32>
        %add3A_538 = arith.addi %broadcast_in_dim3A_536, %add3A_537 : vector<16xi32>
        %get3A_539 = arith.index_cast %add3A_534 : i32 to index
        %get3A_540 = arith.constant 0 : index
        %get3A_541 = tpu.vector_load %arg6[%get3A_539, %get3A_540] {strides = array<i32>} : memref<128x64xf32, #tpu.memory_space<vmem>>, vector<16xf32>,
        %get3A_542 = arith.index_cast %add3A_534 : i32 to index
        %get3A_543 = arith.constant 16 : index
        %get3A_544 = tpu.vector_load %arg6[%get3A_542, %get3A_543] {strides = array<i32>} : memref<128x64xf32, #tpu.memory_space<vmem>>, vector<16xf32>,
        %get3A_545 = arith.index_cast %add3A_534 : i32 to index
        %get3A_546 = arith.constant 32 : index
        %get3A_547 = tpu.vector_load %arg6[%get3A_545, %get3A_546] {strides = array<i32>} : memref<128x64xf32, #tpu.memory_space<vmem>>, vector<16xf32>,
        %get3A_548 = arith.index_cast %add3A_534 : i32 to index
        %get3A_549 = arith.constant 48 : index
        %get3A_550 = tpu.vector_load %arg6[%get3A_548, %get3A_549] {strides = array<i32>} : memref<128x64xf32, #tpu.memory_space<vmem>>, vector<16xf32>,
        %mul3A_551 = arith.constant 4 : i32
        %mul3A_552 = arith.muli %mul3A_551, %scan3A_512 : i32
        %add3A_553 = arith.constant 2 : i32
        %add3A_554 = arith.addi %mul3A_552, %add3A_553 : i32
        %broadcast_in_dim3A_555 = arith.constant 0 : i32
        %broadcast_in_dim3A_556 = vector.broadcast %broadcast_in_dim3A_555 : i32 to vector<16xi32>
        %add3A_557 = vector.broadcast %add3A_554 : i32 to vector<16xi32>
        %add3A_558 = arith.addi %broadcast_in_dim3A_556, %add3A_557 : vector<16xi32>
        %get3A_559 = arith.index_cast %add3A_554 : i32 to index
        %get3A_560 = arith.constant 0 : index
        %get3A_561 = tpu.vector_load %arg6[%get3A_559, %get3A_560] {strides = array<i32>} : memref<128x64xf32, #tpu.memory_space<vmem>>, vector<16xf32>,
        %get3A_562 = arith.index_cast %add3A_554 : i32 to index
        %get3A_563 = arith.constant 16 : index
        %get3A_564 = tpu.vector_load %arg6[%get3A_562, %get3A_563] {strides = array<i32>} : memref<128x64xf32, #tpu.memory_space<vmem>>, vector<16xf32>,
        %get3A_565 = arith.index_cast %add3A_554 : i32 to index
        %get3A_566 = arith.constant 32 : index
        %get3A_567 = tpu.vector_load %arg6[%get3A_565, %get3A_566] {strides = array<i32>} : memref<128x64xf32, #tpu.memory_space<vmem>>, vector<16xf32>,
        %get3A_568 = arith.index_cast %add3A_554 : i32 to index
        %get3A_569 = arith.constant 48 : index
        %get3A_570 = tpu.vector_load %arg6[%get3A_568, %get3A_569] {strides = array<i32>} : memref<128x64xf32, #tpu.memory_space<vmem>>, vector<16xf32>,
        %mul3A_571 = arith.constant 4 : i32
        %mul3A_572 = arith.muli %mul3A_571, %scan3A_512 : i32
        %add3A_573 = arith.constant 3 : i32
        %add3A_574 = arith.addi %mul3A_572, %add3A_573 : i32
        %broadcast_in_dim3A_575 = arith.constant 0 : i32
        %broadcast_in_dim3A_576 = vector.broadcast %broadcast_in_dim3A_575 : i32 to vector<16xi32>
        %add3A_577 = vector.broadcast %add3A_574 : i32 to vector<16xi32>
        %add3A_578 = arith.addi %broadcast_in_dim3A_576, %add3A_577 : vector<16xi32>
        %get3A_579 = arith.index_cast %add3A_574 : i32 to index
        %get3A_580 = arith.constant 0 : index
        %get3A_581 = tpu.vector_load %arg6[%get3A_579, %get3A_580] {strides = array<i32>} : memref<128x64xf32, #tpu.memory_space<vmem>>, vector<16xf32>,
        %get3A_582 = arith.index_cast %add3A_574 : i32 to index
        %get3A_583 = arith.constant 16 : index
        %get3A_584 = tpu.vector_load %arg6[%get3A_582, %get3A_583] {strides = array<i32>} : memref<128x64xf32, #tpu.memory_space<vmem>>, vector<16xf32>,
        %get3A_585 = arith.index_cast %add3A_574 : i32 to index
        %get3A_586 = arith.constant 32 : index
        %get3A_587 = tpu.vector_load %arg6[%get3A_585, %get3A_586] {strides = array<i32>} : memref<128x64xf32, #tpu.memory_space<vmem>>, vector<16xf32>,
        %get3A_588 = arith.index_cast %add3A_574 : i32 to index
        %get3A_589 = arith.constant 48 : index
        %get3A_590 = tpu.vector_load %arg6[%get3A_588, %get3A_589] {strides = array<i32>} : memref<128x64xf32, #tpu.memory_space<vmem>>, vector<16xf32>,
        tpu.vector_store_idx %arg10[%add3A_46, %select_n3A_15, %add3A_519], %get3A_521 : memref<8x8x129xf32, #tpu.memory_space<vmem>>[vector<16xi32>, vector<16xi32>, vector<16xi32>], vector<16xf32>,
        tpu.vector_store_idx %arg10[%add3A_80, %select_n3A_15, %add3A_519], %get3A_524 : memref<8x8x129xf32, #tpu.memory_space<vmem>>[vector<16xi32>, vector<16xi32>, vector<16xi32>], vector<16xf32>,
        tpu.vector_store_idx %arg10[%add3A_114, %select_n3A_15, %add3A_519], %get3A_527 : memref<8x8x129xf32, #tpu.memory_space<vmem>>[vector<16xi32>, vector<16xi32>, vector<16xi32>], vector<16xf32>,
        tpu.vector_store_idx %arg10[%add3A_148, %select_n3A_15, %add3A_519], %get3A_530 : memref<8x8x129xf32, #tpu.memory_space<vmem>>[vector<16xi32>, vector<16xi32>, vector<16xi32>], vector<16xf32>,
        tpu.vector_store_idx %arg10[%add3A_46, %select_n3A_15, %add3A_538], %get3A_541 : memref<8x8x129xf32, #tpu.memory_space<vmem>>[vector<16xi32>, vector<16xi32>, vector<16xi32>], vector<16xf32>,
        tpu.vector_store_idx %arg10[%add3A_80, %select_n3A_15, %add3A_538], %get3A_544 : memref<8x8x129xf32, #tpu.memory_space<vmem>>[vector<16xi32>, vector<16xi32>, vector<16xi32>], vector<16xf32>,
        tpu.vector_store_idx %arg10[%add3A_114, %select_n3A_15, %add3A_538], %get3A_547 : memref<8x8x129xf32, #tpu.memory_space<vmem>>[vector<16xi32>, vector<16xi32>, vector<16xi32>], vector<16xf32>,
        tpu.vector_store_idx %arg10[%add3A_148, %select_n3A_15, %add3A_538], %get3A_550 : memref<8x8x129xf32, #tpu.memory_space<vmem>>[vector<16xi32>, vector<16xi32>, vector<16xi32>], vector<16xf32>,
        tpu.vector_store_idx %arg10[%add3A_46, %select_n3A_15, %add3A_558], %get3A_561 : memref<8x8x129xf32, #tpu.memory_space<vmem>>[vector<16xi32>, vector<16xi32>, vector<16xi32>], vector<16xf32>,
        tpu.vector_store_idx %arg10[%add3A_80, %select_n3A_15, %add3A_558], %get3A_564 : memref<8x8x129xf32, #tpu.memory_space<vmem>>[vector<16xi32>, vector<16xi32>, vector<16xi32>], vector<16xf32>,
        tpu.vector_store_idx %arg10[%add3A_114, %select_n3A_15, %add3A_558], %get3A_567 : memref<8x8x129xf32, #tpu.memory_space<vmem>>[vector<16xi32>, vector<16xi32>, vector<16xi32>], vector<16xf32>,
        tpu.vector_store_idx %arg10[%add3A_148, %select_n3A_15, %add3A_558], %get3A_570 : memref<8x8x129xf32, #tpu.memory_space<vmem>>[vector<16xi32>, vector<16xi32>, vector<16xi32>], vector<16xf32>,
        tpu.vector_store_idx %arg10[%add3A_46, %select_n3A_15, %add3A_578], %get3A_581 : memref<8x8x129xf32, #tpu.memory_space<vmem>>[vector<16xi32>, vector<16xi32>, vector<16xi32>], vector<16xf32>,
        tpu.vector_store_idx %arg10[%add3A_80, %select_n3A_15, %add3A_578], %get3A_584 : memref<8x8x129xf32, #tpu.memory_space<vmem>>[vector<16xi32>, vector<16xi32>, vector<16xi32>], vector<16xf32>,
        tpu.vector_store_idx %arg10[%add3A_114, %select_n3A_15, %add3A_578], %get3A_587 : memref<8x8x129xf32, #tpu.memory_space<vmem>>[vector<16xi32>, vector<16xi32>, vector<16xi32>], vector<16xf32>,
        tpu.vector_store_idx %arg10[%add3A_148, %select_n3A_15, %add3A_578], %get3A_590 : memref<8x8x129xf32, #tpu.memory_space<vmem>>[vector<16xi32>, vector<16xi32>, vector<16xi32>], vector<16xf32>,
      }
      %scan3A_401 = arith.constant 32 : i32
      %dma_start3A_402 = arith.constant 48 : i32
      %dma_start3A_403 = arith.constant 0 : i32
      %dma_start3A_404 = arith.constant 0 : i32
      %dma_start3A_405 = arith.constant 0 : i32
      %dma_start3A_406 = tpu.memref_slice %arg10[%dma_start3A_403, %dma_start3A_404, %dma_start3A_405] : memref<8x8x129xf32, #tpu.memory_space<vmem>> -> memref<8x8x128xf32, #tpu.memory_space<vmem>>
      %dma_start3A_407 = arith.constant 0 : i32
      %dma_start3A_408 = arith.constant 0 : i32
      %dma_start3A_409 = arith.constant 0 : i32
      %dma_start3A_410 = tpu.memref_slice %arg4[%dma_start3A_402, %dma_start3A_407, %add3A_157, %dma_start3A_408, %dma_start3A_409] : memref<50x8x128x8x128xf32, #tpu.memory_space<hbm>> -> memref<1x8x1x8x128xf32, #tpu.memory_space<hbm>>
      %dma_start3A_411 = tpu.memref_squeeze %dma_start3A_410 : memref<1x8x1x8x128xf32, #tpu.memory_space<hbm>> -> memref<8x8x128xf32, #tpu.memory_space<hbm>>
      %dma_start3A_412 = arith.constant 0 : i32
      %dma_start3A_413 = arith.constant 0 : i32
      %dma_start3A_414 = arith.constant 0 : i32
      %dma_start3A_415 = tpu.memref_slice %arg4[%dma_start3A_402, %dma_start3A_412, %add3A_157, %dma_start3A_413, %dma_start3A_414] : memref<50x8x128x8x128xf32, #tpu.memory_space<hbm>> -> memref<1x8x1x8x128xf32, #tpu.memory_space<hbm>>
      %dma_start3A_416 = tpu.memref_squeeze %dma_start3A_415 : memref<1x8x1x8x128xf32, #tpu.memory_space<hbm>> -> memref<8x8x128xf32, #tpu.memory_space<hbm>>
      %dma_start3A_417 = arith.constant 0 : i32
      %dma_start3A_418 = arith.constant 0 : i32
      %dma_start3A_419 = arith.constant 0 : i32
      %dma_start3A_420 = tpu.memref_slice %arg10[%dma_start3A_417, %dma_start3A_418, %dma_start3A_419] : memref<8x8x129xf32, #tpu.memory_space<vmem>> -> memref<8x8x128xf32, #tpu.memory_space<vmem>>
      tpu.enqueue_dma source(%dma_start3A_420 : memref<8x8x128xf32, #tpu.memory_space<vmem>>) target(%dma_start3A_416 : memref<8x8x128xf32, #tpu.memory_space<hbm>>) target_semaphore(%arg16 : memref<!tpu.dma_semaphore, #tpu.memory_space<semaphore_mem>>)
      %dma_wait3A_421 = arith.constant 0 : i32
      %dma_wait3A_422 = arith.constant 0 : i32
      %dma_wait3A_423 = tpu.memref_slice %arg3[%dma_wait3A_421, %dma_wait3A_422] : memref<100000x64xf32, #tpu.memory_space<hbm>> -> memref<128x64xf32, #tpu.memory_space<hbm>>
      %dma_wait3A_424 = arith.constant 0 : i32
      %dma_wait3A_425 = arith.constant 0 : i32
      %dma_wait3A_426 = tpu.memref_slice %arg3[%dma_wait3A_424, %dma_wait3A_425] : memref<100000x64xf32, #tpu.memory_space<hbm>> -> memref<128x64xf32, #tpu.memory_space<hbm>>
      tpu.wait_dma2 semaphore(%arg13 : memref<!tpu.dma_semaphore, #tpu.memory_space<semaphore_mem>>) src(%dma_wait3A_426 : memref<128x64xf32, #tpu.memory_space<hbm>>) dst(%arg7 : memref<128x64xf32, #tpu.memory_space<vmem>>)
      %dma_wait3A_427 = arith.constant 0 : i32
      %dma_wait3A_428 = arith.constant 0 : i32
      %dma_wait3A_429 = arith.constant 0 : i32
      %dma_wait3A_430 = arith.constant 0 : i32
      %dma_wait3A_431 = arith.constant 0 : i32
      %dma_wait3A_432 = tpu.memref_slice %arg11[%dma_wait3A_429, %dma_wait3A_430, %dma_wait3A_431] : memref<8x8x129xf32, #tpu.memory_space<vmem>> -> memref<8x8x128xf32, #tpu.memory_space<vmem>>
      %dma_wait3A_433 = arith.constant 0 : i32
      %dma_wait3A_434 = arith.constant 0 : i32
      %dma_wait3A_435 = arith.constant 0 : i32
      %dma_wait3A_436 = tpu.memref_slice %arg4[%dma_wait3A_427, %dma_wait3A_433, %dma_wait3A_428, %dma_wait3A_434, %dma_wait3A_435] : memref<50x8x128x8x128xf32, #tpu.memory_space<hbm>> -> memref<1x8x1x8x128xf32, #tpu.memory_space<hbm>>
      %dma_wait3A_437 = tpu.memref_squeeze %dma_wait3A_436 : memref<1x8x1x8x128xf32, #tpu.memory_space<hbm>> -> memref<8x8x128xf32, #tpu.memory_space<hbm>>
      %dma_wait3A_438 = arith.constant 0 : i32
      %dma_wait3A_439 = arith.constant 0 : i32
      %dma_wait3A_440 = arith.constant 0 : i32
      %dma_wait3A_441 = tpu.memref_slice %arg4[%dma_wait3A_427, %dma_wait3A_438, %dma_wait3A_428, %dma_wait3A_439, %dma_wait3A_440] : memref<50x8x128x8x128xf32, #tpu.memory_space<hbm>> -> memref<1x8x1x8x128xf32, #tpu.memory_space<hbm>>
      %dma_wait3A_442 = tpu.memref_squeeze %dma_wait3A_441 : memref<1x8x1x8x128xf32, #tpu.memory_space<hbm>> -> memref<8x8x128xf32, #tpu.memory_space<hbm>>
      %dma_wait3A_443 = arith.constant 0 : i32
      %dma_wait3A_444 = arith.constant 0 : i32
      %dma_wait3A_445 = arith.constant 0 : i32
      %dma_wait3A_446 = tpu.memref_slice %arg11[%dma_wait3A_443, %dma_wait3A_444, %dma_wait3A_445] : memref<8x8x129xf32, #tpu.memory_space<vmem>> -> memref<8x8x128xf32, #tpu.memory_space<vmem>>
      tpu.wait_dma2 semaphore(%arg17 : memref<!tpu.dma_semaphore, #tpu.memory_space<semaphore_mem>>) src(%dma_wait3A_446 : memref<8x8x128xf32, #tpu.memory_space<vmem>>) dst(%dma_wait3A_442 : memref<8x8x128xf32, #tpu.memory_space<hbm>>)
      %scan3A_447 = arith.constant 0 : i32
      %scan3A_448 = arith.constant 0 : i32
      %scan3A_449 = arith.constant 32 : i32
      %scan3A_450 = arith.addi %scan3A_448, %scan3A_449 : i32
      %scan3A_451 = arith.constant 1 : i32
      scf.for %scan3A_512 = %scan3A_448 to %scan3A_450 step %scan3A_451  : i32 {
        %mul3A_513 = arith.constant 4 : i32
        %mul3A_514 = arith.muli %mul3A_513, %scan3A_512 : i32
        %add3A_515 = arith.constant 0 : i32
        %add3A_516 = arith.addi %mul3A_514, %add3A_515 : i32
        %broadcast_in_dim3A = arith.constant 0 : i32
        %broadcast_in_dim3A_517 = vector.broadcast %broadcast_in_dim3A : i32 to vector<16xi32>
        %add3A_518 = vector.broadcast %add3A_516 : i32 to vector<16xi32>
        %add3A_519 = arith.addi %broadcast_in_dim3A_517, %add3A_518 : vector<16xi32>
        %get3A = arith.index_cast %add3A_516 : i32 to index
        %get3A_520 = arith.constant 0 : index
        %get3A_521 = tpu.vector_load %arg7[%get3A, %get3A_520] {strides = array<i32>} : memref<128x64xf32, #tpu.memory_space<vmem>>, vector<16xf32>,
        %get3A_522 = arith.index_cast %add3A_516 : i32 to index
        %get3A_523 = arith.constant 16 : index
        %get3A_524 = tpu.vector_load %arg7[%get3A_522, %get3A_523] {strides = array<i32>} : memref<128x64xf32, #tpu.memory_space<vmem>>, vector<16xf32>,
        %get3A_525 = arith.index_cast %add3A_516 : i32 to index
        %get3A_526 = arith.constant 32 : index
        %get3A_527 = tpu.vector_load %arg7[%get3A_525, %get3A_526] {strides = array<i32>} : memref<128x64xf32, #tpu.memory_space<vmem>>, vector<16xf32>,
        %get3A_528 = arith.index_cast %add3A_516 : i32 to index
        %get3A_529 = arith.constant 48 : index
        %get3A_530 = tpu.vector_load %arg7[%get3A_528, %get3A_529] {strides = array<i32>} : memref<128x64xf32, #tpu.memory_space<vmem>>, vector<16xf32>,
        %mul3A_531 = arith.constant 4 : i32
        %mul3A_532 = arith.muli %mul3A_531, %scan3A_512 : i32
        %add3A_533 = arith.constant 1 : i32
        %add3A_534 = arith.addi %mul3A_532, %add3A_533 : i32
        %broadcast_in_dim3A_535 = arith.constant 0 : i32
        %broadcast_in_dim3A_536 = vector.broadcast %broadcast_in_dim3A_535 : i32 to vector<16xi32>
        %add3A_537 = vector.broadcast %add3A_534 : i32 to vector<16xi32>
        %add3A_538 = arith.addi %broadcast_in_dim3A_536, %add3A_537 : vector<16xi32>
        %get3A_539 = arith.index_cast %add3A_534 : i32 to index
        %get3A_540 = arith.constant 0 : index
        %get3A_541 = tpu.vector_load %arg7[%get3A_539, %get3A_540] {strides = array<i32>} : memref<128x64xf32, #tpu.memory_space<vmem>>, vector<16xf32>,
        %get3A_542 = arith.index_cast %add3A_534 : i32 to index
        %get3A_543 = arith.constant 16 : index
        %get3A_544 = tpu.vector_load %arg7[%get3A_542, %get3A_543] {strides = array<i32>} : memref<128x64xf32, #tpu.memory_space<vmem>>, vector<16xf32>,
        %get3A_545 = arith.index_cast %add3A_534 : i32 to index
        %get3A_546 = arith.constant 32 : index
        %get3A_547 = tpu.vector_load %arg7[%get3A_545, %get3A_546] {strides = array<i32>} : memref<128x64xf32, #tpu.memory_space<vmem>>, vector<16xf32>,
        %get3A_548 = arith.index_cast %add3A_534 : i32 to index
        %get3A_549 = arith.constant 48 : index
        %get3A_550 = tpu.vector_load %arg7[%get3A_548, %get3A_549] {strides = array<i32>} : memref<128x64xf32, #tpu.memory_space<vmem>>, vector<16xf32>,
        %mul3A_551 = arith.constant 4 : i32
        %mul3A_552 = arith.muli %mul3A_551, %scan3A_512 : i32
        %add3A_553 = arith.constant 2 : i32
        %add3A_554 = arith.addi %mul3A_552, %add3A_553 : i32
        %broadcast_in_dim3A_555 = arith.constant 0 : i32
        %broadcast_in_dim3A_556 = vector.broadcast %broadcast_in_dim3A_555 : i32 to vector<16xi32>
        %add3A_557 = vector.broadcast %add3A_554 : i32 to vector<16xi32>
        %add3A_558 = arith.addi %broadcast_in_dim3A_556, %add3A_557 : vector<16xi32>
        %get3A_559 = arith.index_cast %add3A_554 : i32 to index
        %get3A_560 = arith.constant 0 : index
        %get3A_561 = tpu.vector_load %arg7[%get3A_559, %get3A_560] {strides = array<i32>} : memref<128x64xf32, #tpu.memory_space<vmem>>, vector<16xf32>,
        %get3A_562 = arith.index_cast %add3A_554 : i32 to index
        %get3A_563 = arith.constant 16 : index
        %get3A_564 = tpu.vector_load %arg7[%get3A_562, %get3A_563] {strides = array<i32>} : memref<128x64xf32, #tpu.memory_space<vmem>>, vector<16xf32>,
        %get3A_565 = arith.index_cast %add3A_554 : i32 to index
        %get3A_566 = arith.constant 32 : index
        %get3A_567 = tpu.vector_load %arg7[%get3A_565, %get3A_566] {strides = array<i32>} : memref<128x64xf32, #tpu.memory_space<vmem>>, vector<16xf32>,
        %get3A_568 = arith.index_cast %add3A_554 : i32 to index
        %get3A_569 = arith.constant 48 : index
        %get3A_570 = tpu.vector_load %arg7[%get3A_568, %get3A_569] {strides = array<i32>} : memref<128x64xf32, #tpu.memory_space<vmem>>, vector<16xf32>,
        %mul3A_571 = arith.constant 4 : i32
        %mul3A_572 = arith.muli %mul3A_571, %scan3A_512 : i32
        %add3A_573 = arith.constant 3 : i32
        %add3A_574 = arith.addi %mul3A_572, %add3A_573 : i32
        %broadcast_in_dim3A_575 = arith.constant 0 : i32
        %broadcast_in_dim3A_576 = vector.broadcast %broadcast_in_dim3A_575 : i32 to vector<16xi32>
        %add3A_577 = vector.broadcast %add3A_574 : i32 to vector<16xi32>
        %add3A_578 = arith.addi %broadcast_in_dim3A_576, %add3A_577 : vector<16xi32>
        %get3A_579 = arith.index_cast %add3A_574 : i32 to index
        %get3A_580 = arith.constant 0 : index
        %get3A_581 = tpu.vector_load %arg7[%get3A_579, %get3A_580] {strides = array<i32>} : memref<128x64xf32, #tpu.memory_space<vmem>>, vector<16xf32>,
        %get3A_582 = arith.index_cast %add3A_574 : i32 to index
        %get3A_583 = arith.constant 16 : index
        %get3A_584 = tpu.vector_load %arg7[%get3A_582, %get3A_583] {strides = array<i32>} : memref<128x64xf32, #tpu.memory_space<vmem>>, vector<16xf32>,
        %get3A_585 = arith.index_cast %add3A_574 : i32 to index
        %get3A_586 = arith.constant 32 : index
        %get3A_587 = tpu.vector_load %arg7[%get3A_585, %get3A_586] {strides = array<i32>} : memref<128x64xf32, #tpu.memory_space<vmem>>, vector<16xf32>,
        %get3A_588 = arith.index_cast %add3A_574 : i32 to index
        %get3A_589 = arith.constant 48 : index
        %get3A_590 = tpu.vector_load %arg7[%get3A_588, %get3A_589] {strides = array<i32>} : memref<128x64xf32, #tpu.memory_space<vmem>>, vector<16xf32>,
        tpu.vector_store_idx %arg11[%add3A_46, %select_n3A_15, %add3A_519], %get3A_521 : memref<8x8x129xf32, #tpu.memory_space<vmem>>[vector<16xi32>, vector<16xi32>, vector<16xi32>], vector<16xf32>,
        tpu.vector_store_idx %arg11[%add3A_80, %select_n3A_15, %add3A_519], %get3A_524 : memref<8x8x129xf32, #tpu.memory_space<vmem>>[vector<16xi32>, vector<16xi32>, vector<16xi32>], vector<16xf32>,
        tpu.vector_store_idx %arg11[%add3A_114, %select_n3A_15, %add3A_519], %get3A_527 : memref<8x8x129xf32, #tpu.memory_space<vmem>>[vector<16xi32>, vector<16xi32>, vector<16xi32>], vector<16xf32>,
        tpu.vector_store_idx %arg11[%add3A_148, %select_n3A_15, %add3A_519], %get3A_530 : memref<8x8x129xf32, #tpu.memory_space<vmem>>[vector<16xi32>, vector<16xi32>, vector<16xi32>], vector<16xf32>,
        tpu.vector_store_idx %arg11[%add3A_46, %select_n3A_15, %add3A_538], %get3A_541 : memref<8x8x129xf32, #tpu.memory_space<vmem>>[vector<16xi32>, vector<16xi32>, vector<16xi32>], vector<16xf32>,
        tpu.vector_store_idx %arg11[%add3A_80, %select_n3A_15, %add3A_538], %get3A_544 : memref<8x8x129xf32, #tpu.memory_space<vmem>>[vector<16xi32>, vector<16xi32>, vector<16xi32>], vector<16xf32>,
        tpu.vector_store_idx %arg11[%add3A_114, %select_n3A_15, %add3A_538], %get3A_547 : memref<8x8x129xf32, #tpu.memory_space<vmem>>[vector<16xi32>, vector<16xi32>, vector<16xi32>], vector<16xf32>,
        tpu.vector_store_idx %arg11[%add3A_148, %select_n3A_15, %add3A_538], %get3A_550 : memref<8x8x129xf32, #tpu.memory_space<vmem>>[vector<16xi32>, vector<16xi32>, vector<16xi32>], vector<16xf32>,
        tpu.vector_store_idx %arg11[%add3A_46, %select_n3A_15, %add3A_558], %get3A_561 : memref<8x8x129xf32, #tpu.memory_space<vmem>>[vector<16xi32>, vector<16xi32>, vector<16xi32>], vector<16xf32>,
        tpu.vector_store_idx %arg11[%add3A_80, %select_n3A_15, %add3A_558], %get3A_564 : memref<8x8x129xf32, #tpu.memory_space<vmem>>[vector<16xi32>, vector<16xi32>, vector<16xi32>], vector<16xf32>,
        tpu.vector_store_idx %arg11[%add3A_114, %select_n3A_15, %add3A_558], %get3A_567 : memref<8x8x129xf32, #tpu.memory_space<vmem>>[vector<16xi32>, vector<16xi32>, vector<16xi32>], vector<16xf32>,
        tpu.vector_store_idx %arg11[%add3A_148, %select_n3A_15, %add3A_558], %get3A_570 : memref<8x8x129xf32, #tpu.memory_space<vmem>>[vector<16xi32>, vector<16xi32>, vector<16xi32>], vector<16xf32>,
        tpu.vector_store_idx %arg11[%add3A_46, %select_n3A_15, %add3A_578], %get3A_581 : memref<8x8x129xf32, #tpu.memory_space<vmem>>[vector<16xi32>, vector<16xi32>, vector<16xi32>], vector<16xf32>,
        tpu.vector_store_idx %arg11[%add3A_80, %select_n3A_15, %add3A_578], %get3A_584 : memref<8x8x129xf32, #tpu.memory_space<vmem>>[vector<16xi32>, vector<16xi32>, vector<16xi32>], vector<16xf32>,
        tpu.vector_store_idx %arg11[%add3A_114, %select_n3A_15, %add3A_578], %get3A_587 : memref<8x8x129xf32, #tpu.memory_space<vmem>>[vector<16xi32>, vector<16xi32>, vector<16xi32>], vector<16xf32>,
        tpu.vector_store_idx %arg11[%add3A_148, %select_n3A_15, %add3A_578], %get3A_590 : memref<8x8x129xf32, #tpu.memory_space<vmem>>[vector<16xi32>, vector<16xi32>, vector<16xi32>], vector<16xf32>,
      }
      %scan3A_452 = arith.constant 32 : i32
      %dma_start3A_453 = arith.constant 49 : i32
      %dma_start3A_454 = arith.constant 0 : i32
      %dma_start3A_455 = arith.constant 0 : i32
      %dma_start3A_456 = arith.constant 0 : i32
      %dma_start3A_457 = tpu.memref_slice %arg11[%dma_start3A_454, %dma_start3A_455, %dma_start3A_456] : memref<8x8x129xf32, #tpu.memory_space<vmem>> -> memref<8x8x128xf32, #tpu.memory_space<vmem>>
      %dma_start3A_458 = arith.constant 0 : i32
      %dma_start3A_459 = arith.constant 0 : i32
      %dma_start3A_460 = arith.constant 0 : i32
      %dma_start3A_461 = tpu.memref_slice %arg4[%dma_start3A_453, %dma_start3A_458, %add3A_157, %dma_start3A_459, %dma_start3A_460] : memref<50x8x128x8x128xf32, #tpu.memory_space<hbm>> -> memref<1x8x1x8x128xf32, #tpu.memory_space<hbm>>
      %dma_start3A_462 = tpu.memref_squeeze %dma_start3A_461 : memref<1x8x1x8x128xf32, #tpu.memory_space<hbm>> -> memref<8x8x128xf32, #tpu.memory_space<hbm>>
      %dma_start3A_463 = arith.constant 0 : i32
      %dma_start3A_464 = arith.constant 0 : i32
      %dma_start3A_465 = arith.constant 0 : i32
      %dma_start3A_466 = tpu.memref_slice %arg4[%dma_start3A_453, %dma_start3A_463, %add3A_157, %dma_start3A_464, %dma_start3A_465] : memref<50x8x128x8x128xf32, #tpu.memory_space<hbm>> -> memref<1x8x1x8x128xf32, #tpu.memory_space<hbm>>
      %dma_start3A_467 = tpu.memref_squeeze %dma_start3A_466 : memref<1x8x1x8x128xf32, #tpu.memory_space<hbm>> -> memref<8x8x128xf32, #tpu.memory_space<hbm>>
      %dma_start3A_468 = arith.constant 0 : i32
      %dma_start3A_469 = arith.constant 0 : i32
      %dma_start3A_470 = arith.constant 0 : i32
      %dma_start3A_471 = tpu.memref_slice %arg11[%dma_start3A_468, %dma_start3A_469, %dma_start3A_470] : memref<8x8x129xf32, #tpu.memory_space<vmem>> -> memref<8x8x128xf32, #tpu.memory_space<vmem>>
      tpu.enqueue_dma source(%dma_start3A_471 : memref<8x8x128xf32, #tpu.memory_space<vmem>>) target(%dma_start3A_467 : memref<8x8x128xf32, #tpu.memory_space<hbm>>) target_semaphore(%arg17 : memref<!tpu.dma_semaphore, #tpu.memory_space<semaphore_mem>>)
      %dma_wait3A_472 = arith.constant 0 : i32
      %dma_wait3A_473 = arith.constant 0 : i32
      %dma_wait3A_474 = arith.constant 0 : i32
      %dma_wait3A_475 = arith.constant 0 : i32
      %dma_wait3A_476 = arith.constant 0 : i32
      %dma_wait3A_477 = tpu.memref_slice %arg10[%dma_wait3A_474, %dma_wait3A_475, %dma_wait3A_476] : memref<8x8x129xf32, #tpu.memory_space<vmem>> -> memref<8x8x128xf32, #tpu.memory_space<vmem>>
      %dma_wait3A_478 = arith.constant 0 : i32
      %dma_wait3A_479 = arith.constant 0 : i32
      %dma_wait3A_480 = arith.constant 0 : i32
      %dma_wait3A_481 = tpu.memref_slice %arg4[%dma_wait3A_472, %dma_wait3A_478, %dma_wait3A_473, %dma_wait3A_479, %dma_wait3A_480] : memref<50x8x128x8x128xf32, #tpu.memory_space<hbm>> -> memref<1x8x1x8x128xf32, #tpu.memory_space<hbm>>
      %dma_wait3A_482 = tpu.memref_squeeze %dma_wait3A_481 : memref<1x8x1x8x128xf32, #tpu.memory_space<hbm>> -> memref<8x8x128xf32, #tpu.memory_space<hbm>>
      %dma_wait3A_483 = arith.constant 0 : i32
      %dma_wait3A_484 = arith.constant 0 : i32
      %dma_wait3A_485 = arith.constant 0 : i32
      %dma_wait3A_486 = tpu.memref_slice %arg4[%dma_wait3A_472, %dma_wait3A_483, %dma_wait3A_473, %dma_wait3A_484, %dma_wait3A_485] : memref<50x8x128x8x128xf32, #tpu.memory_space<hbm>> -> memref<1x8x1x8x128xf32, #tpu.memory_space<hbm>>
      %dma_wait3A_487 = tpu.memref_squeeze %dma_wait3A_486 : memref<1x8x1x8x128xf32, #tpu.memory_space<hbm>> -> memref<8x8x128xf32, #tpu.memory_space<hbm>>
      %dma_wait3A_488 = arith.constant 0 : i32
      %dma_wait3A_489 = arith.constant 0 : i32
      %dma_wait3A_490 = arith.constant 0 : i32
      %dma_wait3A_491 = tpu.memref_slice %arg10[%dma_wait3A_488, %dma_wait3A_489, %dma_wait3A_490] : memref<8x8x129xf32, #tpu.memory_space<vmem>> -> memref<8x8x128xf32, #tpu.memory_space<vmem>>
      tpu.wait_dma2 semaphore(%arg16 : memref<!tpu.dma_semaphore, #tpu.memory_space<semaphore_mem>>) src(%dma_wait3A_491 : memref<8x8x128xf32, #tpu.memory_space<vmem>>) dst(%dma_wait3A_487 : memref<8x8x128xf32, #tpu.memory_space<hbm>>)
      %dma_wait3A_492 = arith.constant 0 : i32
      %dma_wait3A_493 = arith.constant 0 : i32
      %dma_wait3A_494 = arith.constant 0 : i32
      %dma_wait3A_495 = arith.constant 0 : i32
      %dma_wait3A_496 = arith.constant 0 : i32
      %dma_wait3A_497 = tpu.memref_slice %arg11[%dma_wait3A_494, %dma_wait3A_495, %dma_wait3A_496] : memref<8x8x129xf32, #tpu.memory_space<vmem>> -> memref<8x8x128xf32, #tpu.memory_space<vmem>>
      %dma_wait3A_498 = arith.constant 0 : i32
      %dma_wait3A_499 = arith.constant 0 : i32
      %dma_wait3A_500 = arith.constant 0 : i32
      %dma_wait3A_501 = tpu.memref_slice %arg4[%dma_wait3A_492, %dma_wait3A_498, %dma_wait3A_493, %dma_wait3A_499, %dma_wait3A_500] : memref<50x8x128x8x128xf32, #tpu.memory_space<hbm>> -> memref<1x8x1x8x128xf32, #tpu.memory_space<hbm>>
      %dma_wait3A_502 = tpu.memref_squeeze %dma_wait3A_501 : memref<1x8x1x8x128xf32, #tpu.memory_space<hbm>> -> memref<8x8x128xf32, #tpu.memory_space<hbm>>
      %dma_wait3A_503 = arith.constant 0 : i32
      %dma_wait3A_504 = arith.constant 0 : i32
      %dma_wait3A_505 = arith.constant 0 : i32
      %dma_wait3A_506 = tpu.memref_slice %arg4[%dma_wait3A_492, %dma_wait3A_503, %dma_wait3A_493, %dma_wait3A_504, %dma_wait3A_505] : memref<50x8x128x8x128xf32, #tpu.memory_space<hbm>> -> memref<1x8x1x8x128xf32, #tpu.memory_space<hbm>>
      %dma_wait3A_507 = tpu.memref_squeeze %dma_wait3A_506 : memref<1x8x1x8x128xf32, #tpu.memory_space<hbm>> -> memref<8x8x128xf32, #tpu.memory_space<hbm>>
      %dma_wait3A_508 = arith.constant 0 : i32
      %dma_wait3A_509 = arith.constant 0 : i32
      %dma_wait3A_510 = arith.constant 0 : i32
      %dma_wait3A_511 = tpu.memref_slice %arg11[%dma_wait3A_508, %dma_wait3A_509, %dma_wait3A_510] : memref<8x8x129xf32, #tpu.memory_space<vmem>> -> memref<8x8x128xf32, #tpu.memory_space<vmem>>
      tpu.wait_dma2 semaphore(%arg17 : memref<!tpu.dma_semaphore, #tpu.memory_space<semaphore_mem>>) src(%dma_wait3A_511 : memref<8x8x128xf32, #tpu.memory_space<vmem>>) dst(%dma_wait3A_507 : memref<8x8x128xf32, #tpu.memory_space<hbm>>)
    }
    %scan3A_153 = arith.constant 4 : i32
    return
  }
}

</mosaic_0001>

<sc_bundles>
// kernel: _gather.3.cloned.1.call-start
scs
__scs_entry_jumppad:
0x0: {  	(pc) =	sbr.rel $0x88, $3  }
0x1: {  	(tag) =	ssettag $0x0;
	lr =	simm.s32 $0x1  }
0x2: {  	[smem:$0x3F9F] =	sst lr;
	_ =	strace $0xD0000000  }
0x3: {  	_ = 	snop  }
0x4: {  	_ = 	snop  }
0x5: {  	_ = 	snop  }
0x6: {  	_ = 	snop  }
0x7: {  	_ = 	snop  }
__scs_overlays_trampoline_lowered:
0x8: {  	[smem:$0x3FAE] =	sst s0  }
0x9: {  	[smem:$0x3FAF] =	sst s1  }
0xa: {  	[smem:$0x3FB0] =	sst s2  }
0xb: {  	[smem:$0x3FB1] =	sst s3  }
0xc: {  	[smem:$0x3FB2] =	sst s4  }
0xd: {  	[smem:$0x3FB3] =	sst s5  }
0xe: {  	[smem:$0x3FB4] =	sst s6  }
0xf: {  	[smem:$0x3FB5] =	sst s7  }
0x10: {  	[smem:$0x3FB6] =	sst s8  }
0x11: {  	[smem:$0x3FB7] =	sst s9;
	s0 =	simm.s32 @!p0 $0x0  }
0x12: {  	s1 =	sld [smem:$0x3F9D];
	s0 =	simm.s32 @p0 $0x1  }
0x13: {  	[smem:$0x3FB8] =	sst s0;
	s0 =	simm.s32 @!p1 $0x0  }
0x14: {  	s2 =	sld [smem:$0x3F9C];
	s0 =	simm.s32 @p1 $0x1  }
0x15: {  	[smem:$0x3FB9] =	sst s0;
	s0 =	simm.s32 @!p2 $0x0  }
0x16: {  	s3 =	sld [smem:$0x3FDB];
	s0 =	simm.s32 @p2 $0x1  }
0x17: {  	s4 =	simm.s32 $0x1BF5;
	[smem:$0x3FBB] =	sst s0  }
0x18: {  	s0 =	sld [smem:$0x3F9E];
	_ =	swait.ge [sflag:s4], $0x0  }
0x19: {  	s7 =	sld [smem:$0x3F9F]  }
0x1a: {  	s8 =	sadd.s32 $0xFFFFE003, lr  }
0x1b: {  	s9 =	sadd.s32 $0xFFFFFEF7, lr;
	s5 =	simm.s32 $0xFFFFFFFF;
	p2 =	slt.u32 s8, $0xFFFFF086  }
0x1c: {  	p1 =	slt.u32 s9, $0xF7A;
	s5 =	simm.s32 @!p2 $0x0  }
0x1d: {  	s5 =	simm.s32 @p1 $0x1;
	p0 =	seq.s32 s7, s2  }
0x1e: {  	s7 =	smul.u32 @!p0 $0xF7A, s2;
	p2 =	seq.s32 @!p0 s5, $0x0  }
0x1f: {  	s9 =	smul.u32 $0xF7A, s1;
	s8 =	simm.s32 @!p0 $0x1BF5;
	p2 =	por !p2, p0  }
0x20: {  	[sflag:s8] =	ssyncset.s32 @!p0 $0xFFFFF086;
	s6 =	sadd.s32 @!p0 s3, s7;
	s7 =	simm.s32 @!p0 $0x108  }
0x21: {  	s3 =	sadd.s32 s3, s9;
	s6 =	sadd.s32 @!p0 $0x88, s6;
	s7 =	simm.s32 @p2 $0x1082  }
0x22: {  	[simem:s7], [sflag:s8] =	dma.local @!p0 [hbm:s6], $0xF7A  }
0x23: {  	s9 =	sor.u32 $0xD0000000, s2;
	s6 =	simm.s32 $0x108;
	_ =	swait.ge @!p0 [sflag:s8], $0x0  }
0x24: {  	s3 =	sadd.s32 $0x88, s3;
	s6 =	simm.s32 @!p1 $0x1082;
	[sflag:s4] =	ssyncset.s32 $0xFFFFF086  }
0x25: {  	[simem:s6], [sflag:s4] =	dma.local [hbm:s3], $0xF7A  }
0x26: {  	[smem:$0x3F9F] =	sst s1;
	(tag) =	ssettag s2;
	_ =	strace s9  }
0x27: {  	s1 =	sld [smem:$0x3FAF]  }
0x28: {  	s2 =	sld [smem:$0x3FB0]  }
0x29: {  	s4 =	sld [smem:$0x3FB2]  }
0x2a: {  	p0 =	seq.s32 s5, $0x0;
	s5 =	sld [smem:$0x3FB3]  }
0x2b: {  	s6 =	sld [smem:$0x3FB4]  }
0x2c: {  	s7 =	sld [smem:$0x3FB5]  }
0x2d: {  	s3 =	simm.s32 $0x108;
	s8 =	sld [smem:$0x3FB6]  }
0x2e: {  	s3 =	simm.s32 @!p0 $0x1082;
	s9 =	sld [smem:$0x3FB7]  }
0x2f: {  	lr =	sadd.s32 s0, s3;
	s0 =	sld [smem:$0x3FAE]  }
0x30: {  	s3 =	sld [smem:$0x3FB1]  }
0x31: {  	[smem:$0x3FBA] =	sst s10  }
0x32: {  	s10 =	sld [smem:$0x3FB8];
	_ =	sdelay $0x3  }
0x33: {  	p0 =	seq.s32 s10, $0x1;
	s10 =	sld [smem:$0x3FBA];
	_ =	sdelay $0x3  }
0x34: {  	[smem:$0x3FBA] =	sst s10  }
0x35: {  	s10 =	sld [smem:$0x3FB9];
	_ =	sdelay $0x3  }
0x36: {  	p1 =	seq.s32 s10, $0x1;
	s10 =	sld [smem:$0x3FBA];
	_ =	sdelay $0x3  }
0x37: {  	[smem:$0x3FBA] =	sst s10  }
0x38: {  	s10 =	sld [smem:$0x3FBB]  }
0x39: {  	_ = 	snop;
	(pc) =	sbr.ind lr, $3  }
0x3a: {  	_ = 	snop  }
0x3b: {  	_ = 	snop  }
0x3c: {  	p2 =	seq.s32 s10, $0x1;
	s10 =	sld [smem:$0x3FBA]  }
0x3d: {  	_ =	shalt  }
0x3e: {  	_ =	shalt  }
0x3f: {  	_ =	shalt  }
0x40: {  	_ =	shalt  }
0x41: {  	_ =	shalt  }
0x42: {  	_ =	shalt  }
0x43: {  	_ =	shalt  }
0x44: {  	_ =	shalt  }
0x45: {  	_ =	shalt  }
0x46: {  	_ =	shalt  }
0x47: {  	_ =	shalt  }
0x48: {  	_ =	shalt  }
0x49: {  	_ =	shalt  }
0x4a: {  	_ =	shalt  }
0x4b: {  	_ =	shalt  }
0x4c: {  	_ =	shalt  }
0x4d: {  	_ =	shalt  }
0x4e: {  	_ =	shalt  }
0x4f: {  	_ =	shalt  }
0x50: {  	_ =	shalt  }
0x51: {  	_ =	shalt  }
0x52: {  	_ =	shalt  }
0x53: {  	_ =	shalt  }
0x54: {  	_ =	shalt  }
0x55: {  	_ =	shalt  }
0x56: {  	_ =	shalt  }
0x57: {  	_ =	shalt  }
0x58: {  	_ =	shalt  }
0x59: {  	_ =	shalt  }
0x5a: {  	_ =	shalt  }
0x5b: {  	_ =	shalt  }
0x5c: {  	_ =	shalt  }
0x5d: {  	_ =	shalt  }
0x5e: {  	_ =	shalt  }
0x5f: {  	_ =	shalt  }
0x60: {  	_ =	shalt  }
0x61: {  	_ =	shalt  }
0x62: {  	_ =	shalt  }
0x63: {  	_ =	shalt  }
0x64: {  	_ =	shalt  }
0x65: {  	_ =	shalt  }
0x66: {  	_ =	shalt  }
0x67: {  	_ =	shalt  }
0x68: {  	_ =	shalt  }
0x69: {  	_ =	shalt  }
0x6a: {  	_ =	shalt  }
0x6b: {  	_ =	shalt  }
0x6c: {  	_ =	shalt  }
0x6d: {  	_ =	shalt  }
0x6e: {  	_ =	shalt  }
0x6f: {  	_ =	shalt  }
0x70: {  	_ =	shalt  }
0x71: {  	_ =	shalt  }
0x72: {  	_ =	shalt  }
0x73: {  	_ =	shalt  }
0x74: {  	_ =	shalt  }
0x75: {  	_ =	shalt  }
0x76: {  	_ =	shalt  }
0x77: {  	_ =	shalt  }
0x78: {  	_ =	shalt  }
0x79: {  	_ =	shalt  }
0x7a: {  	_ =	shalt  }
0x7b: {  	_ =	shalt  }
0x7c: {  	_ =	shalt  }
0x7d: {  	_ =	shalt  }
0x7e: {  	_ =	shalt  }
0x7f: {  	_ =	shalt  }
0x80: {  	_ =	shalt  }
0x81: {  	_ =	shalt  }
0x82: {  	_ =	shalt  }
0x83: {  	_ =	shalt  }
0x84: {  	_ =	shalt  }
0x85: {  	_ =	shalt  }
0x86: {  	_ =	shalt  }
0x87: {  	_ =	shalt  }
.Lfunc_end0:
.L_simem_size_0:
called_computation_lowered:
.L_overlay_start_0:
0x88: {  	s2 =	sld [smem:$0x3FD9]  }
0x89: {  	s3 =	sld [smem:$0x3FFE];
	_ =	sdelay $0x1  }
0x8a: {  	s1 =	srdreg.scid  }
0x8b: {  	s0 =	sand.u32 $0x1, s1  }
0x8c: {  	s17 =	sshll.u32 s0, $0xA;
	s2 =	sadd.s32 s3, s2  }
0x8d: {  	s2 =	sadd.s32 s2, s17  }
0x8e: {  	[smem:$0x3FC6] =	sst s2  }
0x8f: {  	_ = 	snop  }
0x90: {  	s2 =	sld [smem:$0x3FD0];
	(tm) =	ssettm $0x1  }
0x91: {  	s18 =	sld [smem:$0x3FFB];
	_ =	sdelay $0x3  }
0x92: {  	_ =	strace s18  }
0x93: {  	s3 =	sld [smem:$0x3FFC];
	_ =	sdelay $0x3  }
0x94: {  	_ =	strace s3  }
0x95: {  	s3 =	sld [smem:$0x3FFD];
	_ =	sdelay $0x3  }
0x96: {  	_ =	strace s3  }
0x97: {  	_ =	strace $0x8FFFFFFF  }
0x98: {  	s19 =	sld [smem:$0x3FDB];
	_ =	sdelay $0x1  }
0x99: {  	s4 =	simm.s32 $_scs_section_size  }
0x9a: {  	s5 =	simm.s32 $_size__tile_overlayer_lowered;
	s6 =	simm.s32 $_tile_overlayer_lowered  }
0x9b: {  	s22 =	simm.s32 $0x1BFF;
	s21 =	sshll.u32 s6, $0x1;
	s3 =	sadd.s32 s4, s19  }
0x9c: {  	s7 =	simm.s32 $0x0;
	s20 =	sshll.u32 s5, $0x1;
	s5 =	sadd.s32 s21, s3  }
0x9d: {  	[timem:s7], [sflag:s22] =	dma.local [hbm:s5], s20  }
0x9e: {  	_ =	swait.ge [sflag:s22], s20  }
0x9f: {  	s4 =	ssub.s32 $0x0, s20;
	[sflag:s22] =	ssyncset.done $0x0  }
0xa0: {  	[sflag:s22] =	ssyncadd.s32 s4;
	_ =	sdelay $0x1  }
0xa1: {  	s23 =	simm.s32 $0x1B8B  }
0xa2: {  	_ =	swait.ge [sflag:s23], $0x1  }
0xa3: {  	[sflag:s23] =	ssyncset.done $0x0  }
0xa4: {  	s25 =	simm.s32 $0x1B8E;
	s24 =	sld [smem:$0x3FFE];
	[sflag:s23] =	ssyncadd.s32 $0xFFFFFFFF  }
0xa5: {  	s26 =	simm.s32 $execute0_lowered;
	[smem:$0x3FD2] =	sst s25  }
0xa6: {  	s5 =	sshll.u32 s26, $0x1;
	_ =	strace $0x80000046;
	[dreg:$0x1] =	wrdreg $0xFFFFFFFF  }
0xa7: {  	s28 =	simm.s32 $_size_execute0_lowered;
	s3 =	sadd.s32 s3, s5;
	[dreg:$0x0] =	wrdreg $0x0  }
0xa8: {  	s5 =	sshll.u32 s28, $0x1;
	[dreg:$0x2] =	wrdreg s3  }
0xa9: {  	[dreg:$0x3] =	wrdreg s5  }
0xaa: {  	[dreg:$0x4] =	wrdreg $0xC0  }
0xab: {  	_ =	task [dreg:s7], $0x5FFFF  }
0xac: {  	[dreg:$0x1] =	wrdreg $0xFFFFFFFF  }
0xad: {  	[dreg:$0x0] =	wrdreg $0x60  }
0xae: {  	[dreg:$0x2] =	wrdreg s24  }
0xaf: {  	[dreg:$0x3] =	wrdreg s2  }
0xb0: {  	[dreg:$0x4] =	wrdreg $0x9  }
0xb1: {  	_ =	task.clear_ibuf [dreg:s7], $0x5FFFF;
	_ =	strace $0x90000046  }
0xb2: {  	s29 =	simm.s32 $0x9;
	_ =	strace $0x80000048  }
0xb3: {  	_ =	swait.ge [sflag:s29], $0x1  }
0xb4: {  	[sflag:s29] =	ssyncadd.s32 $0xFFFFFFFF  }
0xb5: {  	_ =	strace $0x90000048  }
0xb6: {  	_ =	sfence  }
0xb7: {  	s30 =	sld [smem:$0x0];
	_ =	sdelay $0x2  }
0xb8: {  	s31 =	sshll.u32 s1, $0xD;
	s1 =	sshrl.u32 s1, $0x2  }
0xb9: {  	s3 =	sand.u32 $0x4000, s31;
	s1 =	sadd.s32 s1, s30  }
0xba: {  	s0 =	sor.u32 s3, s0;
	s1 =	sshll.u32 s1, $0x11  }
0xbb: {  	s0 =	sor.u32 s1, s0  }
0xbc: {  	s0 =	sadd.s32 $0x8F2B, s0  }
0xbd: {  	[sflag:s0] =	ssyncadd.remote.s32 $0x1  }
0xbe: {  	_ =	sfence.sel $0xFFFF  }
0xbf: {  	[dreg:$0x0] =	wrdreg $0xFFFFFFFF;
	(pc) =	sbr.abs _section_cstart, $3  }
0xc0: {  	[dreg:$0x1] =	wrdreg $0xFFFFFFFF  }
0xc1: {  	_ =	task.clear_ibuf [dreg:s7], $0x2FFFF;
	_ =	strace $0x9FFFFFFF  }
0xc2: {  	(tm) =	ssettm $0x7FFFFFFF  }
0xc3: {  	_ =	shalt  }
tec
execute0_lowered:
.L_overlay_start_1:
0x0: {  	(tag) =	ssettag $0x1  }
0x1: {  	s0 =	rddreg [dreg:$0x0]  }
0x2: {  	s1 =	rddreg [dreg:$0x1];
	s2 =	simm.s32 $0x0  }
0x3: {  	s3 =	srdreg.scid;
	s6 =	stileid.u32;
	s13 =	simm.s32 $0x80  }
0x4: {  	s16 =	simm.s32 $0x1900;
	s17 =	simm.s32 $0x3900;
	s19 =	simm.s32 $0x5900  }
0x5: {  	s29 =	simm.s32 $0x3;
	s30 =	simm.s32 $0x5;
	s31 =	simm.s32 $0x4  }
0x6: {  	[smem:$0x7FF] =	sst s2;
	s3 =	sand.u32 $0x1, s3;
	s4 =	sadd.s32 $0x400, s0  }
0x7: {  	s23 =	sadd.s32 $0x20000, s1;
	_ =	strace $0x80000047;
	[dreg:$0x3] =	wrdreg s4  }
0x8: {  	s5 =	sadd.s32 $0x19400, s0;
	s24 =	sadd.s32 $0x5C0000, s1;
	[dreg:$0x5] =	wrdreg s23  }
0x9: {  	s22 =	sshll.u32 s6, $0x3;
	s25 =	sadd.s32 $0x5E0000, s1;
	[dreg:$0x6] =	wrdreg s24  }
0xa: {  	s26 =	sadd.s32 $0x600000, s1;
	s28 =	sadd.s32 $0x620000, s1;
	[dreg:$0x7] =	wrdreg s25  }
0xb: {  	s20 =	ssub.s32 $0x2, s3;
	s3 =	sshll.u32 s3, $0x2;
	[dreg:$0x8] =	wrdreg s26  }
0xc: {  	[dreg:$0x9] =	wrdreg s28;
	s23 =	simm.s32 $0x9900;
	s25 =	simm.s32 $0x2  }
0xd: {  	v0 =	vlaneseq.u32;
	s26 =	simm.s32 $0xBB00;
	s4 =	simm.s32 $0x0;
	s21 =	sshrl.u32 s20, $0x1  }
0xe: {  	v0 =	vmul.u32 $0x88, v0;
	s24 =	simm.s32 $0x0;
	s3 =	sor.u32 s3, s22;
	s0 =	ssub.s32 s20, s21  }
0xf: {  	s22 =	simm.s32 $0x1;
	[dreg:$0x4] =	wrdreg s3;
	s0 =	smax.u32 s0, $0x1  }
0x10: {  	v1 =	vadd.s32 $0x880, v0;
	v2 =	vadd.s32 $0x1100, v0;
	v3 =	vadd.s32 $0x1980, v0;
	s21 =	simm.s32 $0x7900;
	[dreg:$0xa] =	wrdreg s0;
	s0 =	simm.s32 $0x6  }
.LBB2_1:
0x11: {  	[dreg:$0xb] =	wrdreg s4;
	s12 =	simm.s32 $0x0  }
.LBB2_2:
0x12: {  	s3 =	rddreg [dreg:$0x4]  }
0x13: {  	s4 =	sadd.s32 s3, s12  }
0x14: {  	s6 =	rddreg [dreg:$0x3];
	s10 =	simm.s32 $0x0;
	s3 =	sshll.u32 s4, $0x4  }
0x15: {  	s7 =	simm.s32 $0x4000;
	s11 =	simm.s32 $0x7;
	s3 =	sadd.s32 s6, s3  }
0x16: {  	[tilespmem:s10], [sflag:$0x7] =	stream.strided.gather [hbm4b:s3+s13], $0x1900, s7, s13, $0x38;
	[tilespmem:$0xDD00] =	vst v63  }
0x17: {  	_ =	swait.ge [sflag:s11], $0x1900  }
0x18: {  	[sflag:s11] =	ssyncset.done $0x0  }
0x19: {  	[sflag:s11] =	ssyncadd.s32 $0xFFFFE700  }
0x1a: {  	[tilespmem:s16], [sflag:$0x1] =	stream.indirect.gather [hbm4b:s5+s13], $0x40, s10, s13, $0xb8;
	[tilespmem:$0xDD00] =	vst v63  }
0x1b: {  	_ = 	snop  }
0x1c: {  	[tilespmem:s17], [sflag:$0x2] =	stream.indirect.gather [hbm4b:s5+s13], $0x40, s13, s13, $0xb8;
	[tilespmem:$0xDD00] =	vst v63  }
0x1d: {  	s14 =	simm.s32 $0x100  }
0x1e: {  	[tilespmem:s19], [sflag:$0x3] =	stream.indirect.gather [hbm4b:s5+s13], $0x40, s14, s13, $0xb8;
	[tilespmem:$0xDD00] =	vst v63  }
0x1f: {  	s15 =	simm.s32 $0x180  }
0x20: {  	[tilespmem:s21], [sflag:$0x4] =	stream.indirect.gather [hbm4b:s5+s13], $0x40, s15, s13, $0xb8;
	[tilespmem:$0xDD00] =	vst v63  }
0x21: {  	_ =	swait.ge [sflag:s22], $0x2000  }
0x22: {  	[sflag:s22] =	ssyncset.done $0x0  }
0x23: {  	s3 =	simm.s32 $0x1980;
	[sflag:s22] =	ssyncadd.s32 $0xFFFFE000  }
0x24: {  	v4 =	vld [tilespmem:s3+$0x70]  }
0x25: {  	v6 =	vld [tilespmem:s3+$0x60]  }
0x26: {  	v5 =	vld [tilespmem:s3+$0x50]  }
0x27: {  	v7 =	vld [tilespmem:s3+$0x40]  }
0x28: {  	v8 =	vld [tilespmem:s3+$0x30]  }
0x29: {  	v9 =	vld [tilespmem:s3+$0x20]  }
0x2a: {  	v10 =	vld [tilespmem:s3+$0x10]  }
0x2b: {  	v11 =	vld [tilespmem:s3+$0x0]  }
0x2c: {  	v13 =	vmov s10;
	v12 =	vld [tilespmem:s3+$0xFFFFFFF0]  }
0x2d: {  	v13 =	vand.u32 $0x7C, v13;
	v14 =	vld [tilespmem:s3+$0xFFFFFFE0]  }
0x2e: {  	v17 =	vadd.s32 v0, v13;
	v16 =	vld [tilespmem:s3+$0xFFFFFF80]  }
0x2f: {  	s18 =	simm.s32 $0x1;
	v19 =	vadd.s32 v1, v13;
	v18 =	vld [tilespmem:s3+$0xFFFFFF90]  }
0x30: {  	v21 =	vmov s18;
	v22 =	vadd.s32 v2, v13;
	v20 =	vld [tilespmem:s3+$0xFFFFFFA0]  }
0x31: {  	v21 =	vand.u32 $0x7D, v21;
	v13 =	vadd.s32 v3, v13;
	v23 =	vld [tilespmem:s3+$0xFFFFFFB0]  }
0x32: {  	v25 =	vadd.s32 v0, v21;
	v24 =	vld [tilespmem:s3+$0xFFFFFFC0]  }
0x33: {  	s20 =	simm.s32 $0x2;
	v51 =	vadd.s32 v1, v21;
	v15 =	vld [tilespmem:s3+$0xFFFFFFD0];
	[tilespmem:v17+s23+$0x0] =	vst.idx.msk $0xffff, v16  }
0x34: {  	v52 =	vmov s20;
	v53 =	vadd.s32 v2, v21;
	[tilespmem:v19+s23+$0x0] =	vst.idx.msk $0xffff, v18  }
0x35: {  	v54 =	vadd.s32 v3, v21;
	v17 =	vand.u32 $0x7E, v52;
	[tilespmem:v22+s23+$0x0] =	vst.idx.msk $0xffff, v20  }
0x36: {  	v55 =	vadd.s32 v0, v17;
	[tilespmem:v13+s23+$0x0] =	vst.idx.msk $0xffff, v23  }
0x37: {  	s28 =	simm.s32 $0x3;
	v56 =	vadd.s32 v1, v17;
	[tilespmem:v25+s23+$0x0] =	vst.idx.msk $0xffff, v24  }
0x38: {  	v57 =	vmov s28;
	v58 =	vadd.s32 v2, v17;
	[tilespmem:v51+s23+$0x0] =	vst.idx.msk $0xffff, v15  }
0x39: {  	v60 =	vand.u32 $0x7F, v57;
	v59 =	vadd.s32 v3, v17;
	[tilespmem:v53+s23+$0x0] =	vst.idx.msk $0xffff, v14  }
0x3a: {  	v61 =	vadd.s32 v0, v60;
	[tilespmem:v54+s23+$0x0] =	vst.idx.msk $0xffff, v12  }
0x3b: {  	v62 =	vadd.s32 v1, v60;
	[tilespmem:v55+s23+$0x0] =	vst.idx.msk $0xffff, v11  }
0x3c: {  	[tilespmem:v56+s23+$0x0] =	vst.idx.msk $0xffff, v10  }
0x3d: {  	[tilespmem:v58+s23+$0x0] =	vst.idx.msk $0xffff, v9  }
0x3e: {  	v63 =	vadd.s32 v2, v60;
	[tilespmem:v59+s23+$0x0] =	vst.idx.msk $0xffff, v8  }
0x3f: {  	[tilespmem:v61+s23+$0x0] =	vst.idx.msk $0xffff, v7  }
0x40: {  	[tilespmem:v62+s23+$0x0] =	vst.idx.msk $0xffff, v5;
	v5 =	vadd.s32 v3, v60;
	_ =	sdelay $0x2  }
0x41: {  	s6 =	simm.s32 $0x4;
	[tilespmem:v63+s23+$0x0] =	vst.idx.msk $0xffff, v6  }
.LBB2_3:
0x42: {  	p0 =	sne.s32 s6, $0x7C  }
0x43: {  	[tilespmem:v5+s23+$0x0] =	vst.idx.msk $0xffff, v4;
	s3 =	sadd.s32 $0x100, s3;
	s7 =	smov.u32 s6;
	s6 =	sadd.s32 $0x4, s6  }
0x44: {  	v4 =	vld [tilespmem:s3+$0x70]  }
0x45: {  	v6 =	vld [tilespmem:s3+$0x60]  }
0x46: {  	v7 =	vld [tilespmem:s3+$0x50]  }
0x47: {  	v8 =	vld [tilespmem:s3+$0x40]  }
0x48: {  	v9 =	vld [tilespmem:s3+$0x30]  }
0x49: {  	v5 =	vld [tilespmem:s3+$0x20]  }
0x4a: {  	v10 =	vld [tilespmem:s3+$0x10]  }
0x4b: {  	v11 =	vld [tilespmem:s3+$0x0]  }
0x4c: {  	v12 =	vld [tilespmem:s3+$0xFFFFFFF0]  }
0x4d: {  	v13 =	vmov s7;
	v14 =	vld [tilespmem:s3+$0xFFFFFFE0]  }
0x4e: {  	v13 =	vand.u32 $0x7C, v13;
	v15 =	vld [tilespmem:s3+$0xFFFFFFD0]  }
0x4f: {  	v17 =	vadd.s32 v0, v13;
	v16 =	vld [tilespmem:s3+$0xFFFFFF80]  }
0x50: {  	s8 =	sadd.s32 $0x1, s7;
	v19 =	vadd.s32 v1, v13;
	v18 =	vld [tilespmem:s3+$0xFFFFFF90]  }
0x51: {  	v21 =	vmov s8;
	v22 =	vadd.s32 v2, v13;
	v20 =	vld [tilespmem:s3+$0xFFFFFFA0]  }
0x52: {  	v13 =	vadd.s32 v3, v13;
	v21 =	vand.u32 $0x7D, v21;
	v23 =	vld [tilespmem:s3+$0xFFFFFFB0]  }
0x53: {  	v25 =	vadd.s32 v0, v21;
	v24 =	vld [tilespmem:s3+$0xFFFFFFC0]  }
0x54: {  	s8 =	sadd.s32 $0x2, s7;
	[tilespmem:v17+s23+$0x0] =	vst.idx.msk $0xffff, v16;
	v16 =	vadd.s32 v1, v21  }
0x55: {  	v17 =	vmov s8;
	[tilespmem:v19+s23+$0x0] =	vst.idx.msk $0xffff, v18;
	v18 =	vadd.s32 v2, v21  }
0x56: {  	v19 =	vadd.s32 v3, v21;
	v17 =	vand.u32 $0x7E, v17;
	[tilespmem:v22+s23+$0x0] =	vst.idx.msk $0xffff, v20  }
0x57: {  	[tilespmem:v13+s23+$0x0] =	vst.idx.msk $0xffff, v23;
	v13 =	vadd.s32 v0, v17  }
0x58: {  	s7 =	sadd.s32 $0x3, s7;
	v20 =	vadd.s32 v1, v17;
	[tilespmem:v25+s23+$0x0] =	vst.idx.msk $0xffff, v24  }
0x59: {  	v21 =	vmov s7;
	[tilespmem:v16+s23+$0x0] =	vst.idx.msk $0xffff, v15;
	v15 =	vadd.s32 v2, v17  }
0x5a: {  	v16 =	vand.u32 $0x7F, v21;
	[tilespmem:v18+s23+$0x0] =	vst.idx.msk $0xffff, v14;
	v14 =	vadd.s32 v3, v17  }
0x5b: {  	[tilespmem:v19+s23+$0x0] =	vst.idx.msk $0xffff, v12;
	v12 =	vadd.s32 v0, v16  }
0x5c: {  	[tilespmem:v13+s23+$0x0] =	vst.idx.msk $0xffff, v11;
	v11 =	vadd.s32 v1, v16  }
0x5d: {  	[tilespmem:v20+s23+$0x0] =	vst.idx.msk $0xffff, v10;
	v10 =	vadd.s32 v2, v16  }
.Ltmp0:
0x5e: {  	[tilespmem:v15+s23+$0x0] =	vst.idx.msk $0xffff, v5;
	v5 =	vadd.s32 v3, v16;
	(pc) =	sbr.rel @p0 .LBB2_3-.Ltmp0, $4  }
0x5f: {  	[tilespmem:v14+s23+$0x0] =	vst.idx.msk $0xffff, v9  }
0x60: {  	[tilespmem:v12+s23+$0x0] =	vst.idx.msk $0xffff, v8  }
0x61: {  	[tilespmem:v11+s23+$0x0] =	vst.idx.msk $0xffff, v7  }
0x62: {  	[tilespmem:v10+s23+$0x0] =	vst.idx.msk $0xffff, v6  }
0x63: {  	_ =	sdelay $0x2  }
0x64: {  	s3 =	sshll.u32 s4, $0x7  }
0x65: {  	[tilespmem:v5+s23+$0x0] =	vst.idx.msk $0xffff, v4;
	s6 =	simm.s32 $0x9900;
	s7 =	sadd.s32 s1, s3  }
0x66: {  	[hbm4b:s7+s2] =	stream.linear.scatter [tilespmem:s6], [sflag:$0x5], $0x80, $0x38;
	[tilespmem:$0xDD00] =	vst v63  }
0x67: {  	s18 =	simm.s32 $0x9988;
	s8 =	sadd.s32 $0x10, s7  }
0x68: {  	[hbm4b:s8+s2] =	stream.linear.scatter [tilespmem:s18], [sflag:$0x5], $0x80, $0x38;
	[tilespmem:$0xDD00] =	vst v63  }
0x69: {  	s20 =	simm.s32 $0x9A10;
	s9 =	simm.s32 $0x9A98;
	s28 =	sadd.s32 $0x20, s7  }
0x6a: {  	[hbm4b:s28+s2] =	stream.linear.scatter [tilespmem:s20], [sflag:$0x5], $0x80, $0x38;
	[tilespmem:$0xDD00] =	vst v63  }
0x6b: {  	s11 =	simm.s32 $0x9B20;
	s15 =	simm.s32 $0x9BA8;
	s10 =	sadd.s32 $0x30, s7  }
0x6c: {  	[hbm4b:s10+s2] =	stream.linear.scatter [tilespmem:s9], [sflag:$0x5], $0x80, $0x38;
	[tilespmem:$0xDD00] =	vst v63  }
0x6d: {  	s14 =	sadd.s32 $0x40, s7;
	s6 =	simm.s32 $0x440;
	s18 =	sadd.s32 $0x50, s7  }
0x6e: {  	[hbm4b:s14+s2] =	stream.linear.scatter [tilespmem:s11], [sflag:$0x5], $0x80, $0x38;
	[tilespmem:$0xDD00] =	vst v63  }
0x6f: {  	s8 =	simm.s32 $0x2200;
	s20 =	simm.s32 $0x9C30;
	s28 =	sadd.s32 $0x60, s7  }
0x70: {  	[hbm4b:s18+s2] =	stream.linear.scatter [tilespmem:s15], [sflag:$0x5], $0x80, $0x38;
	[tilespmem:$0xDD00] =	vst v63  }
0x71: {  	s9 =	simm.s32 $0x9CB8;
	s10 =	sadd.s32 $0x70, s7;
	s7 =	sadd.s32 $0x4000, s7  }
0x72: {  	[hbm4b:s28+s2] =	stream.linear.scatter [tilespmem:s20], [sflag:$0x5], $0x80, $0x38;
	[tilespmem:$0xDD00] =	vst v63  }
.LBB2_5:
0x73: {  	[hbm4b:s10+s2] =	stream.linear.scatter [tilespmem:s9], [sflag:$0x5], $0x80, $0x38;
	[tilespmem:$0xDD00] =	vst v63  }
0x74: {  	s9 =	smov.u32 s6;
	s6 =	smov.u32 s8  }
0x75: {  	s11 =	sadd.s32 $0x1100, s8;
	s6 =	sshra.s32 s6, $0x2;
	s10 =	sadd.s32 $0x9900, s9  }
0x76: {  	[hbm4b:s7+s2] =	stream.linear.scatter [tilespmem:s10], [sflag:$0x5], $0x80, $0x38;
	[tilespmem:$0xDD00] =	vst v63  }
0x77: {  	p0 =	sne.s32 s8, $0x7700;
	s8 =	sadd.s32 $0x9988, s9;
	s10 =	sadd.s32 $0x10, s7  }
0x78: {  	[hbm4b:s10+s2] =	stream.linear.scatter [tilespmem:s8], [sflag:$0x5], $0x80, $0x38;
	[tilespmem:$0xDD00] =	vst v63  }
0x79: {  	s8 =	sadd.s32 $0x9A10, s9;
	s10 =	sadd.s32 $0x20, s7  }
0x7a: {  	[hbm4b:s10+s2] =	stream.linear.scatter [tilespmem:s8], [sflag:$0x5], $0x80, $0x38;
	[tilespmem:$0xDD00] =	vst v63  }
0x7b: {  	s8 =	sadd.s32 $0x9A98, s9;
	s10 =	sadd.s32 $0x30, s7  }
0x7c: {  	[hbm4b:s10+s2] =	stream.linear.scatter [tilespmem:s8], [sflag:$0x5], $0x80, $0x38;
	[tilespmem:$0xDD00] =	vst v63  }
0x7d: {  	s8 =	sadd.s32 $0x9B20, s9;
	s10 =	sadd.s32 $0x40, s7  }
0x7e: {  	[hbm4b:s10+s2] =	stream.linear.scatter [tilespmem:s8], [sflag:$0x5], $0x80, $0x38;
	[tilespmem:$0xDD00] =	vst v63  }
.Ltmp1:
0x7f: {  	s8 =	sadd.s32 $0x9BA8, s9;
	s10 =	sadd.s32 $0x50, s7;
	(pc) =	sbr.rel @p0 .LBB2_5-.Ltmp1, $4  }
0x80: {  	[hbm4b:s10+s2] =	stream.linear.scatter [tilespmem:s8], [sflag:$0x5], $0x80, $0x38;
	[tilespmem:$0xDD00] =	vst v63  }
0x81: {  	s8 =	sadd.s32 $0x9C30, s9;
	s10 =	sadd.s32 $0x60, s7;
	s9 =	sadd.s32 $0x9CB8, s9  }
0x82: {  	[hbm4b:s10+s2] =	stream.linear.scatter [tilespmem:s8], [sflag:$0x5], $0x80, $0x38;
	[tilespmem:$0xDD00] =	vst v63  }
0x83: {  	s10 =	sadd.s32 $0x70, s7;
	s7 =	sadd.s32 $0x4000, s7;
	s8 =	smov.u32 s11  }
0x84: {  	[hbm4b:s10+s2] =	stream.linear.scatter [tilespmem:s9], [sflag:$0x5], $0x80, $0x38;
	[tilespmem:$0xDD00] =	vst v63  }
0x85: {  	s8 =	sadd.s32 $0x9900, s6  }
0x86: {  	[hbm4b:s7+s2] =	stream.linear.scatter [tilespmem:s8], [sflag:$0x5], $0x80, $0x38;
	[tilespmem:$0xDD00] =	vst v63  }
0x87: {  	s15 =	sadd.s32 $0x9988, s6;
	s18 =	sadd.s32 $0x10, s7  }
0x88: {  	[hbm4b:s18+s2] =	stream.linear.scatter [tilespmem:s15], [sflag:$0x5], $0x80, $0x38;
	[tilespmem:$0xDD00] =	vst v63  }
0x89: {  	s20 =	sadd.s32 $0x9A10, s6;
	s28 =	sadd.s32 $0x20, s7  }
0x8a: {  	[hbm4b:s28+s2] =	stream.linear.scatter [tilespmem:s20], [sflag:$0x5], $0x80, $0x38;
	[tilespmem:$0xDD00] =	vst v63  }
0x8b: {  	s9 =	sadd.s32 $0x9A98, s6;
	s10 =	sadd.s32 $0x30, s7  }
0x8c: {  	[hbm4b:s10+s2] =	stream.linear.scatter [tilespmem:s9], [sflag:$0x5], $0x80, $0x38;
	[tilespmem:$0xDD00] =	vst v63  }
0x8d: {  	s11 =	sadd.s32 $0x9B20, s6;
	s14 =	sadd.s32 $0x40, s7  }
0x8e: {  	[hbm4b:s14+s2] =	stream.linear.scatter [tilespmem:s11], [sflag:$0x5], $0x80, $0x38;
	[tilespmem:$0xDD00] =	vst v63  }
0x8f: {  	s15 =	sadd.s32 $0x9BA8, s6;
	s18 =	sadd.s32 $0x50, s7  }
0x90: {  	[hbm4b:s18+s2] =	stream.linear.scatter [tilespmem:s15], [sflag:$0x5], $0x80, $0x38;
	[tilespmem:$0xDD00] =	vst v63  }
0x91: {  	s20 =	sadd.s32 $0x9C30, s6;
	s28 =	sadd.s32 $0x60, s7  }
0x92: {  	[hbm4b:s28+s2] =	stream.linear.scatter [tilespmem:s20], [sflag:$0x5], $0x80, $0x38;
	[tilespmem:$0xDD00] =	vst v63  }
0x93: {  	s10 =	sadd.s32 $0x9CB8, s6;
	s11 =	sadd.s32 $0x70, s7  }
0x94: {  	[hbm4b:s11+s2] =	stream.linear.scatter [tilespmem:s10], [sflag:$0x5], $0x80, $0x38;
	[tilespmem:$0xDD00] =	vst v63  }
0x95: {  	s14 =	simm.s32 $0x200  }
0x96: {  	[tilespmem:s16], [sflag:$0x1] =	stream.indirect.gather [hbm4b:s5+s13], $0x40, s14, s13, $0xb8;
	[tilespmem:$0xDD00] =	vst v63  }
0x97: {  	_ =	swait.ge [sflag:s25], $0x2000  }
0x98: {  	[sflag:s25] =	ssyncset.done $0x0  }
0x99: {  	s6 =	simm.s32 $0x3980;
	[sflag:s25] =	ssyncadd.s32 $0xFFFFE000  }
0x9a: {  	v4 =	vld [tilespmem:s6+$0x70]  }
0x9b: {  	v6 =	vld [tilespmem:s6+$0x60]  }
0x9c: {  	v5 =	vld [tilespmem:s6+$0x50]  }
0x9d: {  	v7 =	vld [tilespmem:s6+$0x40]  }
0x9e: {  	v8 =	vld [tilespmem:s6+$0x30]  }
0x9f: {  	v9 =	vld [tilespmem:s6+$0x20]  }
0xa0: {  	v10 =	vld [tilespmem:s6+$0x10]  }
0xa1: {  	s15 =	simm.s32 $0x0;
	v11 =	vld [tilespmem:s6+$0x0]  }
0xa2: {  	v13 =	vmov s15;
	v12 =	vld [tilespmem:s6+$0xFFFFFFF0]  }
0xa3: {  	v13 =	vand.u32 $0x7C, v13;
	v14 =	vld [tilespmem:s6+$0xFFFFFFE0]  }
0xa4: {  	v17 =	vadd.s32 v0, v13;
	v16 =	vld [tilespmem:s6+$0xFFFFFF80]  }
0xa5: {  	s18 =	simm.s32 $0x1;
	v19 =	vadd.s32 v1, v13;
	v18 =	vld [tilespmem:s6+$0xFFFFFF90]  }
0xa6: {  	v21 =	vmov s18;
	v22 =	vadd.s32 v2, v13;
	v20 =	vld [tilespmem:s6+$0xFFFFFFA0]  }
0xa7: {  	v21 =	vand.u32 $0x7D, v21;
	v13 =	vadd.s32 v3, v13;
	v23 =	vld [tilespmem:s6+$0xFFFFFFB0]  }
0xa8: {  	v25 =	vadd.s32 v0, v21;
	v24 =	vld [tilespmem:s6+$0xFFFFFFC0]  }
0xa9: {  	s20 =	simm.s32 $0x2;
	v51 =	vadd.s32 v1, v21;
	v15 =	vld [tilespmem:s6+$0xFFFFFFD0];
	[tilespmem:v17+s26+$0x0] =	vst.idx.msk $0xffff, v16  }
0xaa: {  	v52 =	vmov s20;
	v53 =	vadd.s32 v2, v21;
	[tilespmem:v19+s26+$0x0] =	vst.idx.msk $0xffff, v18  }
0xab: {  	v54 =	vadd.s32 v3, v21;
	v17 =	vand.u32 $0x7E, v52;
	[tilespmem:v22+s26+$0x0] =	vst.idx.msk $0xffff, v20  }
0xac: {  	v55 =	vadd.s32 v0, v17;
	[tilespmem:v13+s26+$0x0] =	vst.idx.msk $0xffff, v23  }
0xad: {  	s28 =	simm.s32 $0x3;
	v56 =	vadd.s32 v1, v17;
	[tilespmem:v25+s26+$0x0] =	vst.idx.msk $0xffff, v24  }
0xae: {  	v57 =	vmov s28;
	v58 =	vadd.s32 v2, v17;
	[tilespmem:v51+s26+$0x0] =	vst.idx.msk $0xffff, v15  }
0xaf: {  	v60 =	vand.u32 $0x7F, v57;
	v59 =	vadd.s32 v3, v17;
	[tilespmem:v53+s26+$0x0] =	vst.idx.msk $0xffff, v14  }
0xb0: {  	v61 =	vadd.s32 v0, v60;
	[tilespmem:v54+s26+$0x0] =	vst.idx.msk $0xffff, v12  }
0xb1: {  	v62 =	vadd.s32 v1, v60;
	[tilespmem:v55+s26+$0x0] =	vst.idx.msk $0xffff, v11  }
0xb2: {  	[tilespmem:v56+s26+$0x0] =	vst.idx.msk $0xffff, v10  }
0xb3: {  	[tilespmem:v58+s26+$0x0] =	vst.idx.msk $0xffff, v9  }
0xb4: {  	v63 =	vadd.s32 v2, v60;
	[tilespmem:v59+s26+$0x0] =	vst.idx.msk $0xffff, v8  }
0xb5: {  	[tilespmem:v61+s26+$0x0] =	vst.idx.msk $0xffff, v7  }
0xb6: {  	[tilespmem:v62+s26+$0x0] =	vst.idx.msk $0xffff, v5;
	v5 =	vadd.s32 v3, v60;
	_ =	sdelay $0x2  }
0xb7: {  	s7 =	simm.s32 $0x4;
	[tilespmem:v63+s26+$0x0] =	vst.idx.msk $0xffff, v6  }
.LBB2_7:
0xb8: {  	p0 =	sne.s32 s7, $0x7C  }
0xb9: {  	[tilespmem:v5+s26+$0x0] =	vst.idx.msk $0xffff, v4;
	s6 =	sadd.s32 $0x100, s6;
	s8 =	smov.u32 s7;
	s7 =	sadd.s32 $0x4, s7  }
0xba: {  	v4 =	vld [tilespmem:s6+$0x70]  }
0xbb: {  	v6 =	vld [tilespmem:s6+$0x60]  }
0xbc: {  	v7 =	vld [tilespmem:s6+$0x50]  }
0xbd: {  	v8 =	vld [tilespmem:s6+$0x40]  }
0xbe: {  	v9 =	vld [tilespmem:s6+$0x30]  }
0xbf: {  	v5 =	vld [tilespmem:s6+$0x20]  }
0xc0: {  	v10 =	vld [tilespmem:s6+$0x10]  }
0xc1: {  	v11 =	vld [tilespmem:s6+$0x0]  }
0xc2: {  	v12 =	vld [tilespmem:s6+$0xFFFFFFF0]  }
0xc3: {  	v13 =	vmov s8;
	v14 =	vld [tilespmem:s6+$0xFFFFFFE0]  }
0xc4: {  	v13 =	vand.u32 $0x7C, v13;
	v15 =	vld [tilespmem:s6+$0xFFFFFFD0]  }
0xc5: {  	v17 =	vadd.s32 v0, v13;
	v16 =	vld [tilespmem:s6+$0xFFFFFF80]  }
0xc6: {  	s9 =	sadd.s32 $0x1, s8;
	v19 =	vadd.s32 v1, v13;
	v18 =	vld [tilespmem:s6+$0xFFFFFF90]  }
0xc7: {  	v21 =	vmov s9;
	v22 =	vadd.s32 v2, v13;
	v20 =	vld [tilespmem:s6+$0xFFFFFFA0]  }
0xc8: {  	v13 =	vadd.s32 v3, v13;
	v21 =	vand.u32 $0x7D, v21;
	v23 =	vld [tilespmem:s6+$0xFFFFFFB0]  }
0xc9: {  	v25 =	vadd.s32 v0, v21;
	v24 =	vld [tilespmem:s6+$0xFFFFFFC0]  }
0xca: {  	s9 =	sadd.s32 $0x2, s8;
	[tilespmem:v17+s26+$0x0] =	vst.idx.msk $0xffff, v16;
	v16 =	vadd.s32 v1, v21  }
0xcb: {  	v17 =	vmov s9;
	[tilespmem:v19+s26+$0x0] =	vst.idx.msk $0xffff, v18;
	v18 =	vadd.s32 v2, v21  }
0xcc: {  	v19 =	vadd.s32 v3, v21;
	v17 =	vand.u32 $0x7E, v17;
	[tilespmem:v22+s26+$0x0] =	vst.idx.msk $0xffff, v20  }
0xcd: {  	[tilespmem:v13+s26+$0x0] =	vst.idx.msk $0xffff, v23;
	v13 =	vadd.s32 v0, v17  }
0xce: {  	s8 =	sadd.s32 $0x3, s8;
	v20 =	vadd.s32 v1, v17;
	[tilespmem:v25+s26+$0x0] =	vst.idx.msk $0xffff, v24  }
0xcf: {  	v21 =	vmov s8;
	[tilespmem:v16+s26+$0x0] =	vst.idx.msk $0xffff, v15;
	v15 =	vadd.s32 v2, v17  }
0xd0: {  	v16 =	vand.u32 $0x7F, v21;
	[tilespmem:v18+s26+$0x0] =	vst.idx.msk $0xffff, v14;
	v14 =	vadd.s32 v3, v17  }
0xd1: {  	[tilespmem:v19+s26+$0x0] =	vst.idx.msk $0xffff, v12;
	v12 =	vadd.s32 v0, v16  }
0xd2: {  	[tilespmem:v13+s26+$0x0] =	vst.idx.msk $0xffff, v11;
	v11 =	vadd.s32 v1, v16  }
0xd3: {  	[tilespmem:v20+s26+$0x0] =	vst.idx.msk $0xffff, v10;
	v10 =	vadd.s32 v2, v16  }
.Ltmp2:
0xd4: {  	[tilespmem:v15+s26+$0x0] =	vst.idx.msk $0xffff, v5;
	v5 =	vadd.s32 v3, v16;
	(pc) =	sbr.rel @p0 .LBB2_7-.Ltmp2, $4  }
0xd5: {  	[tilespmem:v14+s26+$0x0] =	vst.idx.msk $0xffff, v9  }
0xd6: {  	[tilespmem:v12+s26+$0x0] =	vst.idx.msk $0xffff, v8  }
0xd7: {  	[tilespmem:v11+s26+$0x0] =	vst.idx.msk $0xffff, v7  }
0xd8: {  	[tilespmem:v10+s26+$0x0] =	vst.idx.msk $0xffff, v6  }
0xd9: {  	_ =	sdelay $0x2  }
0xda: {  	s6 =	rddreg [dreg:$0x5]  }
0xdb: {  	[tilespmem:v5+s26+$0x0] =	vst.idx.msk $0xffff, v4;
	s15 =	simm.s32 $0xBB00;
	s7 =	sadd.s32 s3, s6  }
0xdc: {  	[hbm4b:s7+s2] =	stream.linear.scatter [tilespmem:s15], [sflag:$0x6], $0x80, $0x38;
	[tilespmem:$0xDD00] =	vst v63  }
0xdd: {  	s18 =	simm.s32 $0xBB88;
	s8 =	sadd.s32 $0x10, s7  }
0xde: {  	[hbm4b:s8+s2] =	stream.linear.scatter [tilespmem:s18], [sflag:$0x6], $0x80, $0x38;
	[tilespmem:$0xDD00] =	vst v63  }
0xdf: {  	s20 =	simm.s32 $0xBC10;
	s9 =	simm.s32 $0xBC98;
	s28 =	sadd.s32 $0x20, s7  }
0xe0: {  	[hbm4b:s28+s2] =	stream.linear.scatter [tilespmem:s20], [sflag:$0x6], $0x80, $0x38;
	[tilespmem:$0xDD00] =	vst v63  }
0xe1: {  	s11 =	simm.s32 $0xBD20;
	s6 =	simm.s32 $0x440;
	s10 =	sadd.s32 $0x30, s7  }
0xe2: {  	[hbm4b:s10+s2] =	stream.linear.scatter [tilespmem:s9], [sflag:$0x6], $0x80, $0x38;
	[tilespmem:$0xDD00] =	vst v63  }
0xe3: {  	s14 =	sadd.s32 $0x40, s7;
	s15 =	simm.s32 $0xBDA8;
	s18 =	sadd.s32 $0x50, s7  }
0xe4: {  	[hbm4b:s14+s2] =	stream.linear.scatter [tilespmem:s11], [sflag:$0x6], $0x80, $0x38;
	[tilespmem:$0xDD00] =	vst v63  }
0xe5: {  	s8 =	simm.s32 $0x2200;
	s20 =	simm.s32 $0xBE30;
	s28 =	sadd.s32 $0x60, s7  }
0xe6: {  	[hbm4b:s18+s2] =	stream.linear.scatter [tilespmem:s15], [sflag:$0x6], $0x80, $0x38;
	[tilespmem:$0xDD00] =	vst v63  }
0xe7: {  	s9 =	simm.s32 $0xBEB8;
	s10 =	sadd.s32 $0x70, s7;
	s7 =	sadd.s32 $0x4000, s7  }
0xe8: {  	[hbm4b:s28+s2] =	stream.linear.scatter [tilespmem:s20], [sflag:$0x6], $0x80, $0x38;
	[tilespmem:$0xDD00] =	vst v63  }
.LBB2_9:
0xe9: {  	[hbm4b:s10+s2] =	stream.linear.scatter [tilespmem:s9], [sflag:$0x6], $0x80, $0x38;
	[tilespmem:$0xDD00] =	vst v63  }
0xea: {  	s9 =	smov.u32 s6;
	s6 =	smov.u32 s8  }
0xeb: {  	s11 =	sadd.s32 $0x1100, s8;
	s6 =	sshra.s32 s6, $0x2;
	s10 =	sadd.s32 $0xBB00, s9  }
0xec: {  	[hbm4b:s7+s2] =	stream.linear.scatter [tilespmem:s10], [sflag:$0x6], $0x80, $0x38;
	[tilespmem:$0xDD00] =	vst v63  }
0xed: {  	p0 =	sne.s32 s8, $0x7700;
	s8 =	sadd.s32 $0xBB88, s9;
	s10 =	sadd.s32 $0x10, s7  }
0xee: {  	[hbm4b:s10+s2] =	stream.linear.scatter [tilespmem:s8], [sflag:$0x6], $0x80, $0x38;
	[tilespmem:$0xDD00] =	vst v63  }
0xef: {  	s8 =	sadd.s32 $0xBC10, s9;
	s10 =	sadd.s32 $0x20, s7  }
0xf0: {  	[hbm4b:s10+s2] =	stream.linear.scatter [tilespmem:s8], [sflag:$0x6], $0x80, $0x38;
	[tilespmem:$0xDD00] =	vst v63  }
0xf1: {  	s8 =	sadd.s32 $0xBC98, s9;
	s10 =	sadd.s32 $0x30, s7  }
0xf2: {  	[hbm4b:s10+s2] =	stream.linear.scatter [tilespmem:s8], [sflag:$0x6], $0x80, $0x38;
	[tilespmem:$0xDD00] =	vst v63  }
0xf3: {  	s8 =	sadd.s32 $0xBD20, s9;
	s10 =	sadd.s32 $0x40, s7  }
0xf4: {  	[hbm4b:s10+s2] =	stream.linear.scatter [tilespmem:s8], [sflag:$0x6], $0x80, $0x38;
	[tilespmem:$0xDD00] =	vst v63  }
.Ltmp3:
0xf5: {  	s8 =	sadd.s32 $0xBDA8, s9;
	s10 =	sadd.s32 $0x50, s7;
	(pc) =	sbr.rel @p0 .LBB2_9-.Ltmp3, $4  }
0xf6: {  	[hbm4b:s10+s2] =	stream.linear.scatter [tilespmem:s8], [sflag:$0x6], $0x80, $0x38;
	[tilespmem:$0xDD00] =	vst v63  }
0xf7: {  	s8 =	sadd.s32 $0xBE30, s9;
	s10 =	sadd.s32 $0x60, s7;
	s9 =	sadd.s32 $0xBEB8, s9  }
0xf8: {  	[hbm4b:s10+s2] =	stream.linear.scatter [tilespmem:s8], [sflag:$0x6], $0x80, $0x38;
	[tilespmem:$0xDD00] =	vst v63  }
0xf9: {  	s10 =	sadd.s32 $0x70, s7;
	s7 =	sadd.s32 $0x4000, s7;
	s8 =	smov.u32 s11  }
0xfa: {  	[hbm4b:s10+s2] =	stream.linear.scatter [tilespmem:s9], [sflag:$0x6], $0x80, $0x38;
	[tilespmem:$0xDD00] =	vst v63  }
0xfb: {  	s8 =	sadd.s32 $0xBB00, s6  }
0xfc: {  	[hbm4b:s7+s2] =	stream.linear.scatter [tilespmem:s8], [sflag:$0x6], $0x80, $0x38;
	[tilespmem:$0xDD00] =	vst v63  }
0xfd: {  	s18 =	sadd.s32 $0xBB88, s6;
	s20 =	sadd.s32 $0x10, s7  }
0xfe: {  	[hbm4b:s20+s2] =	stream.linear.scatter [tilespmem:s18], [sflag:$0x6], $0x80, $0x38;
	[tilespmem:$0xDD00] =	vst v63  }
0xff: {  	s10 =	sadd.s32 $0xBC10, s6;
	s11 =	sadd.s32 $0x20, s7  }
0x100: {  	[hbm4b:s11+s2] =	stream.linear.scatter [tilespmem:s10], [sflag:$0x6], $0x80, $0x38;
	[tilespmem:$0xDD00] =	vst v63  }
0x101: {  	s14 =	sadd.s32 $0xBC98, s6;
	s15 =	sadd.s32 $0x30, s7  }
0x102: {  	[hbm4b:s15+s2] =	stream.linear.scatter [tilespmem:s14], [sflag:$0x6], $0x80, $0x38;
	[tilespmem:$0xDD00] =	vst v63  }
0x103: {  	s18 =	sadd.s32 $0xBD20, s6;
	s20 =	sadd.s32 $0x40, s7  }
0x104: {  	[hbm4b:s20+s2] =	stream.linear.scatter [tilespmem:s18], [sflag:$0x6], $0x80, $0x38;
	[tilespmem:$0xDD00] =	vst v63  }
0x105: {  	s9 =	sadd.s32 $0xBDA8, s6;
	s10 =	sadd.s32 $0x50, s7  }
0x106: {  	[hbm4b:s10+s2] =	stream.linear.scatter [tilespmem:s9], [sflag:$0x6], $0x80, $0x38;
	[tilespmem:$0xDD00] =	vst v63  }
0x107: {  	s11 =	sadd.s32 $0xBE30, s6;
	s14 =	sadd.s32 $0x60, s7  }
0x108: {  	[hbm4b:s14+s2] =	stream.linear.scatter [tilespmem:s11], [sflag:$0x6], $0x80, $0x38;
	[tilespmem:$0xDD00] =	vst v63  }
0x109: {  	s15 =	sadd.s32 $0xBEB8, s6;
	s18 =	sadd.s32 $0x70, s7  }
0x10a: {  	[hbm4b:s18+s2] =	stream.linear.scatter [tilespmem:s15], [sflag:$0x6], $0x80, $0x38;
	[tilespmem:$0xDD00] =	vst v63  }
0x10b: {  	s20 =	simm.s32 $0x280;
	s14 =	sshll.u32 s4, $0xA  }
0x10c: {  	[tilespmem:s17], [sflag:$0x2] =	stream.indirect.gather [hbm4b:s5+s13], $0x40, s20, s13, $0xb8;
	[tilespmem:$0xDD00] =	vst v63  }
0x10d: {  	s28 =	simm.s32 $0x0;
	s18 =	sadd.s32 $0x400000, s14;
	s20 =	sadd.s32 $0x500000, s14  }
.LBB2_11:
0x10e: {  	_ =	swait.ge [sflag:s29], $0x2000  }
0x10f: {  	[sflag:s29] =	ssyncset.done $0x0  }
0x110: {  	[sflag:s29] =	ssyncadd.s32 $0xFFFFE000  }
0x111: {  	_ =	swait.ge [sflag:s30], $0x2000  }
0x112: {  	[sflag:s30] =	ssyncset.done $0x0  }
0x113: {  	s4 =	simm.s32 $0x5980;
	[sflag:s30] =	ssyncadd.s32 $0xFFFFE000  }
0x114: {  	v4 =	vld [tilespmem:s4+$0x70]  }
0x115: {  	v6 =	vld [tilespmem:s4+$0x60]  }
0x116: {  	v5 =	vld [tilespmem:s4+$0x50]  }
0x117: {  	v7 =	vld [tilespmem:s4+$0x40]  }
0x118: {  	v8 =	vld [tilespmem:s4+$0x30]  }
0x119: {  	v9 =	vld [tilespmem:s4+$0x20]  }
0x11a: {  	v10 =	vld [tilespmem:s4+$0x10]  }
0x11b: {  	v11 =	vld [tilespmem:s4+$0x0]  }
0x11c: {  	v13 =	vmov s24;
	v12 =	vld [tilespmem:s4+$0xFFFFFFF0]  }
0x11d: {  	v13 =	vand.u32 $0x7C, v13;
	v14 =	vld [tilespmem:s4+$0xFFFFFFE0]  }
0x11e: {  	v17 =	vadd.s32 v0, v13;
	v16 =	vld [tilespmem:s4+$0xFFFFFF80]  }
0x11f: {  	s6 =	simm.s32 $0x1;
	v19 =	vadd.s32 v1, v13;
	v18 =	vld [tilespmem:s4+$0xFFFFFF90]  }
0x120: {  	v21 =	vmov s6;
	v22 =	vadd.s32 v2, v13;
	v20 =	vld [tilespmem:s4+$0xFFFFFFA0]  }
0x121: {  	v13 =	vadd.s32 v3, v13;
	v21 =	vand.u32 $0x7D, v21;
	v23 =	vld [tilespmem:s4+$0xFFFFFFB0]  }
0x122: {  	v25 =	vadd.s32 v0, v21;
	v24 =	vld [tilespmem:s4+$0xFFFFFFC0]  }
0x123: {  	s11 =	simm.s32 $0x2;
	v51 =	vadd.s32 v1, v21;
	v15 =	vld [tilespmem:s4+$0xFFFFFFD0];
	[tilespmem:v17+s23+$0x0] =	vst.idx.msk $0xffff, v16  }
0x124: {  	v52 =	vmov s11;
	v53 =	vadd.s32 v2, v21;
	[tilespmem:v19+s23+$0x0] =	vst.idx.msk $0xffff, v18  }
0x125: {  	v54 =	vadd.s32 v3, v21;
	v17 =	vand.u32 $0x7E, v52;
	[tilespmem:v22+s23+$0x0] =	vst.idx.msk $0xffff, v20  }
0x126: {  	v55 =	vadd.s32 v0, v17;
	[tilespmem:v13+s23+$0x0] =	vst.idx.msk $0xffff, v23  }
0x127: {  	s15 =	simm.s32 $0x3;
	v56 =	vadd.s32 v1, v17;
	[tilespmem:v25+s23+$0x0] =	vst.idx.msk $0xffff, v24  }
0x128: {  	v57 =	vmov s15;
	v58 =	vadd.s32 v2, v17;
	[tilespmem:v51+s23+$0x0] =	vst.idx.msk $0xffff, v15  }
0x129: {  	v60 =	vand.u32 $0x7F, v57;
	v59 =	vadd.s32 v3, v17;
	[tilespmem:v53+s23+$0x0] =	vst.idx.msk $0xffff, v14  }
0x12a: {  	v61 =	vadd.s32 v0, v60;
	[tilespmem:v54+s23+$0x0] =	vst.idx.msk $0xffff, v12  }
0x12b: {  	v62 =	vadd.s32 v1, v60;
	[tilespmem:v55+s23+$0x0] =	vst.idx.msk $0xffff, v11  }
0x12c: {  	[tilespmem:v56+s23+$0x0] =	vst.idx.msk $0xffff, v10  }
0x12d: {  	[tilespmem:v58+s23+$0x0] =	vst.idx.msk $0xffff, v9  }
0x12e: {  	v63 =	vadd.s32 v2, v60;
	[tilespmem:v59+s23+$0x0] =	vst.idx.msk $0xffff, v8  }
0x12f: {  	[tilespmem:v61+s23+$0x0] =	vst.idx.msk $0xffff, v7  }
0x130: {  	[tilespmem:v62+s23+$0x0] =	vst.idx.msk $0xffff, v5;
	v5 =	vadd.s32 v3, v60;
	_ =	sdelay $0x2  }
0x131: {  	s6 =	simm.s32 $0x4;
	[tilespmem:v63+s23+$0x0] =	vst.idx.msk $0xffff, v6  }
.LBB2_12:
0x132: {  	p0 =	sne.s32 s6, $0x7C  }
0x133: {  	[tilespmem:v5+s23+$0x0] =	vst.idx.msk $0xffff, v4;
	s4 =	sadd.s32 $0x100, s4;
	s7 =	smov.u32 s6;
	s6 =	sadd.s32 $0x4, s6  }
0x134: {  	v4 =	vld [tilespmem:s4+$0x70]  }
0x135: {  	v6 =	vld [tilespmem:s4+$0x60]  }
0x136: {  	v7 =	vld [tilespmem:s4+$0x50]  }
0x137: {  	v8 =	vld [tilespmem:s4+$0x40]  }
0x138: {  	v9 =	vld [tilespmem:s4+$0x30]  }
0x139: {  	v5 =	vld [tilespmem:s4+$0x20]  }
0x13a: {  	v10 =	vld [tilespmem:s4+$0x10]  }
0x13b: {  	v11 =	vld [tilespmem:s4+$0x0]  }
0x13c: {  	v12 =	vld [tilespmem:s4+$0xFFFFFFF0]  }
0x13d: {  	v13 =	vmov s7;
	v14 =	vld [tilespmem:s4+$0xFFFFFFE0]  }
0x13e: {  	v13 =	vand.u32 $0x7C, v13;
	v15 =	vld [tilespmem:s4+$0xFFFFFFD0]  }
0x13f: {  	v17 =	vadd.s32 v0, v13;
	v16 =	vld [tilespmem:s4+$0xFFFFFF80]  }
0x140: {  	s8 =	sadd.s32 $0x1, s7;
	v19 =	vadd.s32 v1, v13;
	v18 =	vld [tilespmem:s4+$0xFFFFFF90]  }
0x141: {  	v21 =	vmov s8;
	v22 =	vadd.s32 v2, v13;
	v20 =	vld [tilespmem:s4+$0xFFFFFFA0]  }
0x142: {  	v13 =	vadd.s32 v3, v13;
	v21 =	vand.u32 $0x7D, v21;
	v23 =	vld [tilespmem:s4+$0xFFFFFFB0]  }
0x143: {  	v25 =	vadd.s32 v0, v21;
	v24 =	vld [tilespmem:s4+$0xFFFFFFC0]  }
0x144: {  	s8 =	sadd.s32 $0x2, s7;
	[tilespmem:v17+s23+$0x0] =	vst.idx.msk $0xffff, v16;
	v16 =	vadd.s32 v1, v21  }
0x145: {  	v17 =	vmov s8;
	[tilespmem:v19+s23+$0x0] =	vst.idx.msk $0xffff, v18;
	v18 =	vadd.s32 v2, v21  }
0x146: {  	v19 =	vadd.s32 v3, v21;
	v17 =	vand.u32 $0x7E, v17;
	[tilespmem:v22+s23+$0x0] =	vst.idx.msk $0xffff, v20  }
0x147: {  	[tilespmem:v13+s23+$0x0] =	vst.idx.msk $0xffff, v23;
	v13 =	vadd.s32 v0, v17  }
0x148: {  	s7 =	sadd.s32 $0x3, s7;
	v20 =	vadd.s32 v1, v17;
	[tilespmem:v25+s23+$0x0] =	vst.idx.msk $0xffff, v24  }
0x149: {  	v21 =	vmov s7;
	[tilespmem:v16+s23+$0x0] =	vst.idx.msk $0xffff, v15;
	v15 =	vadd.s32 v2, v17  }
0x14a: {  	v16 =	vand.u32 $0x7F, v21;
	[tilespmem:v18+s23+$0x0] =	vst.idx.msk $0xffff, v14;
	v14 =	vadd.s32 v3, v17  }
0x14b: {  	[tilespmem:v19+s23+$0x0] =	vst.idx.msk $0xffff, v12;
	v12 =	vadd.s32 v0, v16  }
0x14c: {  	[tilespmem:v13+s23+$0x0] =	vst.idx.msk $0xffff, v11;
	v11 =	vadd.s32 v1, v16  }
0x14d: {  	[tilespmem:v20+s23+$0x0] =	vst.idx.msk $0xffff, v10;
	v10 =	vadd.s32 v2, v16  }
.Ltmp4:
0x14e: {  	[tilespmem:v15+s23+$0x0] =	vst.idx.msk $0xffff, v5;
	v5 =	vadd.s32 v3, v16;
	(pc) =	sbr.rel @p0 .LBB2_12-.Ltmp4, $4  }
0x14f: {  	[tilespmem:v14+s23+$0x0] =	vst.idx.msk $0xffff, v9  }
0x150: {  	[tilespmem:v12+s23+$0x0] =	vst.idx.msk $0xffff, v8  }
0x151: {  	[tilespmem:v11+s23+$0x0] =	vst.idx.msk $0xffff, v7  }
0x152: {  	[tilespmem:v10+s23+$0x0] =	vst.idx.msk $0xffff, v6  }
0x153: {  	s4 =	sshll.u32 s28, $0x16  }
0x154: {  	s6 =	sor.u32 s14, s4  }
0x155: {  	s7 =	sshrl.u32 s6, $0x3  }
0x156: {  	s6 =	sor.u32 $0x40000, s7  }
0x157: {  	[tilespmem:v5+s23+$0x0] =	vst.idx.msk $0xffff, v4;
	s9 =	simm.s32 $0x9900;
	s8 =	sadd.s32 s1, s6  }
0x158: {  	[hbm4b:s8+s2] =	stream.linear.scatter [tilespmem:s9], [sflag:$0x5], $0x80, $0x38;
	[tilespmem:$0xDD00] =	vst v63  }
0x159: {  	s10 =	simm.s32 $0x9988;
	s9 =	sadd.s32 $0x10, s8  }
0x15a: {  	[hbm4b:s9+s2] =	stream.linear.scatter [tilespmem:s10], [sflag:$0x5], $0x80, $0x38;
	[tilespmem:$0xDD00] =	vst v63  }
0x15b: {  	s11 =	simm.s32 $0x9A10;
	s15 =	sadd.s32 $0x20, s8  }
0x15c: {  	[hbm4b:s15+s2] =	stream.linear.scatter [tilespmem:s11], [sflag:$0x5], $0x80, $0x38;
	[tilespmem:$0xDD00] =	vst v63  }
0x15d: {  	s9 =	simm.s32 $0x9A98;
	s10 =	sadd.s32 $0x30, s8  }
0x15e: {  	[hbm4b:s10+s2] =	stream.linear.scatter [tilespmem:s9], [sflag:$0x5], $0x80, $0x38;
	[tilespmem:$0xDD00] =	vst v63  }
0x15f: {  	s11 =	simm.s32 $0x9B20;
	s15 =	sadd.s32 $0x40, s8  }
0x160: {  	[hbm4b:s15+s2] =	stream.linear.scatter [tilespmem:s11], [sflag:$0x5], $0x80, $0x38;
	[tilespmem:$0xDD00] =	vst v63  }
0x161: {  	s6 =	simm.s32 $0x440;
	s9 =	simm.s32 $0x9BA8;
	s10 =	sadd.s32 $0x50, s8  }
0x162: {  	[hbm4b:s10+s2] =	stream.linear.scatter [tilespmem:s9], [sflag:$0x5], $0x80, $0x38;
	[tilespmem:$0xDD00] =	vst v63  }
0x163: {  	s11 =	simm.s32 $0x9C30;
	s15 =	sadd.s32 $0x60, s8;
	s9 =	simm.s32 $0x2200  }
0x164: {  	[hbm4b:s15+s2] =	stream.linear.scatter [tilespmem:s11], [sflag:$0x5], $0x80, $0x38;
	[tilespmem:$0xDD00] =	vst v63  }
0x165: {  	s10 =	simm.s32 $0x9CB8;
	s11 =	sadd.s32 $0x70, s8;
	s8 =	sadd.s32 $0x4000, s8  }
.LBB2_14:
0x166: {  	[hbm4b:s11+s2] =	stream.linear.scatter [tilespmem:s10], [sflag:$0x5], $0x80, $0x38;
	[tilespmem:$0xDD00] =	vst v63  }
0x167: {  	s10 =	smov.u32 s6;
	s6 =	smov.u32 s9  }
0x168: {  	s15 =	sadd.s32 $0x1100, s9;
	s6 =	sshra.s32 s6, $0x2;
	s11 =	sadd.s32 $0x9900, s10  }
0x169: {  	[hbm4b:s8+s2] =	stream.linear.scatter [tilespmem:s11], [sflag:$0x5], $0x80, $0x38;
	[tilespmem:$0xDD00] =	vst v63  }
0x16a: {  	p0 =	sne.s32 s9, $0x7700;
	s9 =	sadd.s32 $0x9988, s10;
	s11 =	sadd.s32 $0x10, s8  }
0x16b: {  	[hbm4b:s11+s2] =	stream.linear.scatter [tilespmem:s9], [sflag:$0x5], $0x80, $0x38;
	[tilespmem:$0xDD00] =	vst v63  }
0x16c: {  	s9 =	sadd.s32 $0x9A10, s10;
	s11 =	sadd.s32 $0x20, s8  }
0x16d: {  	[hbm4b:s11+s2] =	stream.linear.scatter [tilespmem:s9], [sflag:$0x5], $0x80, $0x38;
	[tilespmem:$0xDD00] =	vst v63  }
0x16e: {  	s9 =	sadd.s32 $0x9A98, s10;
	s11 =	sadd.s32 $0x30, s8  }
0x16f: {  	[hbm4b:s11+s2] =	stream.linear.scatter [tilespmem:s9], [sflag:$0x5], $0x80, $0x38;
	[tilespmem:$0xDD00] =	vst v63  }
0x170: {  	s9 =	sadd.s32 $0x9B20, s10;
	s11 =	sadd.s32 $0x40, s8  }
0x171: {  	[hbm4b:s11+s2] =	stream.linear.scatter [tilespmem:s9], [sflag:$0x5], $0x80, $0x38;
	[tilespmem:$0xDD00] =	vst v63  }
.Ltmp5:
0x172: {  	s9 =	sadd.s32 $0x9BA8, s10;
	s11 =	sadd.s32 $0x50, s8;
	(pc) =	sbr.rel @p0 .LBB2_14-.Ltmp5, $4  }
0x173: {  	[hbm4b:s11+s2] =	stream.linear.scatter [tilespmem:s9], [sflag:$0x5], $0x80, $0x38;
	[tilespmem:$0xDD00] =	vst v63  }
0x174: {  	s9 =	sadd.s32 $0x9C30, s10;
	s11 =	sadd.s32 $0x60, s8;
	s10 =	sadd.s32 $0x9CB8, s10  }
0x175: {  	[hbm4b:s11+s2] =	stream.linear.scatter [tilespmem:s9], [sflag:$0x5], $0x80, $0x38;
	[tilespmem:$0xDD00] =	vst v63  }
0x176: {  	s11 =	sadd.s32 $0x70, s8;
	s8 =	sadd.s32 $0x4000, s8;
	s9 =	smov.u32 s15  }
0x177: {  	[hbm4b:s11+s2] =	stream.linear.scatter [tilespmem:s10], [sflag:$0x5], $0x80, $0x38;
	[tilespmem:$0xDD00] =	vst v63  }
0x178: {  	s9 =	sadd.s32 $0x9900, s6  }
0x179: {  	[hbm4b:s8+s2] =	stream.linear.scatter [tilespmem:s9], [sflag:$0x5], $0x80, $0x38;
	[tilespmem:$0xDD00] =	vst v63  }
0x17a: {  	s11 =	sadd.s32 $0x9988, s6;
	s15 =	sadd.s32 $0x10, s8  }
0x17b: {  	[hbm4b:s15+s2] =	stream.linear.scatter [tilespmem:s11], [sflag:$0x5], $0x80, $0x38;
	[tilespmem:$0xDD00] =	vst v63  }
0x17c: {  	s11 =	sadd.s32 $0x9A10, s6;
	s15 =	sadd.s32 $0x20, s8  }
0x17d: {  	[hbm4b:s15+s2] =	stream.linear.scatter [tilespmem:s11], [sflag:$0x5], $0x80, $0x38;
	[tilespmem:$0xDD00] =	vst v63  }
0x17e: {  	s11 =	sadd.s32 $0x9A98, s6;
	s15 =	sadd.s32 $0x30, s8  }
0x17f: {  	[hbm4b:s15+s2] =	stream.linear.scatter [tilespmem:s11], [sflag:$0x5], $0x80, $0x38;
	[tilespmem:$0xDD00] =	vst v63  }
0x180: {  	s11 =	sadd.s32 $0x9B20, s6;
	s15 =	sadd.s32 $0x40, s8  }
0x181: {  	[hbm4b:s15+s2] =	stream.linear.scatter [tilespmem:s11], [sflag:$0x5], $0x80, $0x38;
	[tilespmem:$0xDD00] =	vst v63  }
0x182: {  	s11 =	sadd.s32 $0x9BA8, s6;
	s15 =	sadd.s32 $0x50, s8  }
0x183: {  	[hbm4b:s15+s2] =	stream.linear.scatter [tilespmem:s11], [sflag:$0x5], $0x80, $0x38;
	[tilespmem:$0xDD00] =	vst v63  }
0x184: {  	s10 =	sadd.s32 $0x9C30, s6;
	s11 =	sadd.s32 $0x60, s8  }
0x185: {  	[hbm4b:s11+s2] =	stream.linear.scatter [tilespmem:s10], [sflag:$0x5], $0x80, $0x38;
	[tilespmem:$0xDD00] =	vst v63  }
0x186: {  	s10 =	sshll.u32 s28, $0x9  }
0x187: {  	s9 =	sadd.s32 $0x70, s8;
	s15 =	sadd.s32 $0x9CB8, s6;
	s6 =	sand.u32 $0x3FFFFE00, s10  }
0x188: {  	[hbm4b:s9+s2] =	stream.linear.scatter [tilespmem:s15], [sflag:$0x5], $0x80, $0x38;
	[tilespmem:$0xDD00] =	vst v63  }
0x189: {  	s11 =	sadd.s32 $0x300, s6  }
0x18a: {  	[tilespmem:s19], [sflag:$0x3] =	stream.indirect.gather [hbm4b:s5+s13], $0x40, s11, s13, $0xb8;
	[tilespmem:$0xDD00] =	vst v63  }
0x18b: {  	_ =	swait.ge [sflag:s31], $0x2000  }
0x18c: {  	[sflag:s31] =	ssyncset.done $0x0  }
0x18d: {  	[sflag:s31] =	ssyncadd.s32 $0xFFFFE000  }
0x18e: {  	_ =	swait.ge [sflag:s0], $0x2000  }
0x18f: {  	[sflag:s0] =	ssyncset.done $0x0  }
0x190: {  	s8 =	simm.s32 $0x7980;
	[sflag:s0] =	ssyncadd.s32 $0xFFFFE000  }
0x191: {  	v4 =	vld [tilespmem:s8+$0x70]  }
0x192: {  	v6 =	vld [tilespmem:s8+$0x60]  }
0x193: {  	v5 =	vld [tilespmem:s8+$0x50]  }
0x194: {  	v7 =	vld [tilespmem:s8+$0x40]  }
0x195: {  	v8 =	vld [tilespmem:s8+$0x30]  }
0x196: {  	v9 =	vld [tilespmem:s8+$0x20]  }
0x197: {  	v10 =	vld [tilespmem:s8+$0x10]  }
0x198: {  	s15 =	simm.s32 $0x0;
	v11 =	vld [tilespmem:s8+$0x0]  }
0x199: {  	v13 =	vmov s15;
	v12 =	vld [tilespmem:s8+$0xFFFFFFF0]  }
0x19a: {  	v13 =	vand.u32 $0x7C, v13;
	v14 =	vld [tilespmem:s8+$0xFFFFFFE0]  }
0x19b: {  	v17 =	vadd.s32 v0, v13;
	v16 =	vld [tilespmem:s8+$0xFFFFFF80]  }
0x19c: {  	s10 =	simm.s32 $0x1;
	v19 =	vadd.s32 v1, v13;
	v18 =	vld [tilespmem:s8+$0xFFFFFF90]  }
0x19d: {  	v21 =	vmov s10;
	v22 =	vadd.s32 v2, v13;
	v20 =	vld [tilespmem:s8+$0xFFFFFFA0]  }
0x19e: {  	v21 =	vand.u32 $0x7D, v21;
	v13 =	vadd.s32 v3, v13;
	v23 =	vld [tilespmem:s8+$0xFFFFFFB0]  }
0x19f: {  	v25 =	vadd.s32 v0, v21;
	v24 =	vld [tilespmem:s8+$0xFFFFFFC0]  }
0x1a0: {  	s11 =	simm.s32 $0x2;
	v51 =	vadd.s32 v1, v21;
	v15 =	vld [tilespmem:s8+$0xFFFFFFD0];
	[tilespmem:v17+s26+$0x0] =	vst.idx.msk $0xffff, v16  }
0x1a1: {  	v53 =	vadd.s32 v2, v21;
	v52 =	vmov s11;
	[tilespmem:v19+s26+$0x0] =	vst.idx.msk $0xffff, v18  }
0x1a2: {  	v54 =	vadd.s32 v3, v21;
	v17 =	vand.u32 $0x7E, v52;
	[tilespmem:v22+s26+$0x0] =	vst.idx.msk $0xffff, v20  }
0x1a3: {  	v55 =	vadd.s32 v0, v17;
	[tilespmem:v13+s26+$0x0] =	vst.idx.msk $0xffff, v23  }
0x1a4: {  	s15 =	simm.s32 $0x3;
	v56 =	vadd.s32 v1, v17;
	[tilespmem:v25+s26+$0x0] =	vst.idx.msk $0xffff, v24  }
0x1a5: {  	v57 =	vmov s15;
	v58 =	vadd.s32 v2, v17;
	[tilespmem:v51+s26+$0x0] =	vst.idx.msk $0xffff, v15  }
0x1a6: {  	v60 =	vand.u32 $0x7F, v57;
	v59 =	vadd.s32 v3, v17;
	[tilespmem:v53+s26+$0x0] =	vst.idx.msk $0xffff, v14  }
0x1a7: {  	v61 =	vadd.s32 v0, v60;
	[tilespmem:v54+s26+$0x0] =	vst.idx.msk $0xffff, v12  }
0x1a8: {  	v62 =	vadd.s32 v1, v60;
	[tilespmem:v55+s26+$0x0] =	vst.idx.msk $0xffff, v11  }
0x1a9: {  	[tilespmem:v56+s26+$0x0] =	vst.idx.msk $0xffff, v10  }
0x1aa: {  	[tilespmem:v58+s26+$0x0] =	vst.idx.msk $0xffff, v9  }
0x1ab: {  	v63 =	vadd.s32 v2, v60;
	[tilespmem:v59+s26+$0x0] =	vst.idx.msk $0xffff, v8  }
0x1ac: {  	[tilespmem:v61+s26+$0x0] =	vst.idx.msk $0xffff, v7  }
0x1ad: {  	[tilespmem:v62+s26+$0x0] =	vst.idx.msk $0xffff, v5;
	v5 =	vadd.s32 v3, v60;
	_ =	sdelay $0x2  }
0x1ae: {  	s9 =	simm.s32 $0x4;
	[tilespmem:v63+s26+$0x0] =	vst.idx.msk $0xffff, v6  }
.LBB2_16:
0x1af: {  	p0 =	sne.s32 s9, $0x7C  }
0x1b0: {  	[tilespmem:v5+s26+$0x0] =	vst.idx.msk $0xffff, v4;
	s8 =	sadd.s32 $0x100, s8;
	s10 =	smov.u32 s9;
	s9 =	sadd.s32 $0x4, s9  }
0x1b1: {  	v4 =	vld [tilespmem:s8+$0x70]  }
0x1b2: {  	v6 =	vld [tilespmem:s8+$0x60]  }
0x1b3: {  	v7 =	vld [tilespmem:s8+$0x50]  }
0x1b4: {  	v8 =	vld [tilespmem:s8+$0x40]  }
0x1b5: {  	v9 =	vld [tilespmem:s8+$0x30]  }
0x1b6: {  	v5 =	vld [tilespmem:s8+$0x20]  }
0x1b7: {  	v10 =	vld [tilespmem:s8+$0x10]  }
0x1b8: {  	v11 =	vld [tilespmem:s8+$0x0]  }
0x1b9: {  	v12 =	vld [tilespmem:s8+$0xFFFFFFF0]  }
0x1ba: {  	v13 =	vmov s10;
	v14 =	vld [tilespmem:s8+$0xFFFFFFE0]  }
0x1bb: {  	v13 =	vand.u32 $0x7C, v13;
	v15 =	vld [tilespmem:s8+$0xFFFFFFD0]  }
0x1bc: {  	v17 =	vadd.s32 v0, v13;
	v16 =	vld [tilespmem:s8+$0xFFFFFF80]  }
0x1bd: {  	s11 =	sadd.s32 $0x1, s10;
	v19 =	vadd.s32 v1, v13;
	v18 =	vld [tilespmem:s8+$0xFFFFFF90]  }
0x1be: {  	v21 =	vmov s11;
	v22 =	vadd.s32 v2, v13;
	v20 =	vld [tilespmem:s8+$0xFFFFFFA0]  }
0x1bf: {  	v13 =	vadd.s32 v3, v13;
	v21 =	vand.u32 $0x7D, v21;
	v23 =	vld [tilespmem:s8+$0xFFFFFFB0]  }
0x1c0: {  	v25 =	vadd.s32 v0, v21;
	v24 =	vld [tilespmem:s8+$0xFFFFFFC0]  }
0x1c1: {  	s11 =	sadd.s32 $0x2, s10;
	[tilespmem:v17+s26+$0x0] =	vst.idx.msk $0xffff, v16;
	v16 =	vadd.s32 v1, v21  }
0x1c2: {  	v17 =	vmov s11;
	[tilespmem:v19+s26+$0x0] =	vst.idx.msk $0xffff, v18;
	v18 =	vadd.s32 v2, v21  }
0x1c3: {  	v19 =	vadd.s32 v3, v21;
	v17 =	vand.u32 $0x7E, v17;
	[tilespmem:v22+s26+$0x0] =	vst.idx.msk $0xffff, v20  }
0x1c4: {  	[tilespmem:v13+s26+$0x0] =	vst.idx.msk $0xffff, v23;
	v13 =	vadd.s32 v0, v17  }
0x1c5: {  	s10 =	sadd.s32 $0x3, s10;
	v20 =	vadd.s32 v1, v17;
	[tilespmem:v25+s26+$0x0] =	vst.idx.msk $0xffff, v24  }
0x1c6: {  	v21 =	vmov s10;
	[tilespmem:v16+s26+$0x0] =	vst.idx.msk $0xffff, v15;
	v15 =	vadd.s32 v2, v17  }
0x1c7: {  	v16 =	vand.u32 $0x7F, v21;
	[tilespmem:v18+s26+$0x0] =	vst.idx.msk $0xffff, v14;
	v14 =	vadd.s32 v3, v17  }
0x1c8: {  	[tilespmem:v19+s26+$0x0] =	vst.idx.msk $0xffff, v12;
	v12 =	vadd.s32 v0, v16  }
0x1c9: {  	[tilespmem:v13+s26+$0x0] =	vst.idx.msk $0xffff, v11;
	v11 =	vadd.s32 v1, v16  }
0x1ca: {  	[tilespmem:v20+s26+$0x0] =	vst.idx.msk $0xffff, v10;
	v10 =	vadd.s32 v2, v16  }
.Ltmp6:
0x1cb: {  	[tilespmem:v15+s26+$0x0] =	vst.idx.msk $0xffff, v5;
	v5 =	vadd.s32 v3, v16;
	(pc) =	sbr.rel @p0 .LBB2_16-.Ltmp6, $4  }
0x1cc: {  	[tilespmem:v14+s26+$0x0] =	vst.idx.msk $0xffff, v9  }
0x1cd: {  	[tilespmem:v12+s26+$0x0] =	vst.idx.msk $0xffff, v8  }
0x1ce: {  	[tilespmem:v11+s26+$0x0] =	vst.idx.msk $0xffff, v7  }
0x1cf: {  	[tilespmem:v10+s26+$0x0] =	vst.idx.msk $0xffff, v6  }
0x1d0: {  	_ =	sdelay $0x2  }
0x1d1: {  	s7 =	sor.u32 $0x60000, s7  }
0x1d2: {  	[tilespmem:v5+s26+$0x0] =	vst.idx.msk $0xffff, v4;
	s9 =	simm.s32 $0xBB00;
	s8 =	sadd.s32 s1, s7  }
0x1d3: {  	[hbm4b:s8+s2] =	stream.linear.scatter [tilespmem:s9], [sflag:$0x6], $0x80, $0x38;
	[tilespmem:$0xDD00] =	vst v63  }
0x1d4: {  	s10 =	simm.s32 $0xBB88;
	s9 =	sadd.s32 $0x10, s8  }
0x1d5: {  	[hbm4b:s9+s2] =	stream.linear.scatter [tilespmem:s10], [sflag:$0x6], $0x80, $0x38;
	[tilespmem:$0xDD00] =	vst v63  }
0x1d6: {  	s11 =	simm.s32 $0xBC10;
	s15 =	sadd.s32 $0x20, s8  }
0x1d7: {  	[hbm4b:s15+s2] =	stream.linear.scatter [tilespmem:s11], [sflag:$0x6], $0x80, $0x38;
	[tilespmem:$0xDD00] =	vst v63  }
0x1d8: {  	s9 =	simm.s32 $0xBC98;
	s10 =	sadd.s32 $0x30, s8  }
0x1d9: {  	[hbm4b:s10+s2] =	stream.linear.scatter [tilespmem:s9], [sflag:$0x6], $0x80, $0x38;
	[tilespmem:$0xDD00] =	vst v63  }
0x1da: {  	s11 =	simm.s32 $0xBD20;
	s15 =	sadd.s32 $0x40, s8  }
0x1db: {  	[hbm4b:s15+s2] =	stream.linear.scatter [tilespmem:s11], [sflag:$0x6], $0x80, $0x38;
	[tilespmem:$0xDD00] =	vst v63  }
0x1dc: {  	s7 =	simm.s32 $0x440;
	s9 =	simm.s32 $0xBDA8;
	s10 =	sadd.s32 $0x50, s8  }
0x1dd: {  	[hbm4b:s10+s2] =	stream.linear.scatter [tilespmem:s9], [sflag:$0x6], $0x80, $0x38;
	[tilespmem:$0xDD00] =	vst v63  }
0x1de: {  	s11 =	simm.s32 $0xBE30;
	s15 =	sadd.s32 $0x60, s8;
	s9 =	simm.s32 $0x2200  }
0x1df: {  	[hbm4b:s15+s2] =	stream.linear.scatter [tilespmem:s11], [sflag:$0x6], $0x80, $0x38;
	[tilespmem:$0xDD00] =	vst v63  }
0x1e0: {  	s10 =	simm.s32 $0xBEB8;
	s11 =	sadd.s32 $0x70, s8;
	s8 =	sadd.s32 $0x4000, s8  }
.LBB2_18:
0x1e1: {  	[hbm4b:s11+s2] =	stream.linear.scatter [tilespmem:s10], [sflag:$0x6], $0x80, $0x38;
	[tilespmem:$0xDD00] =	vst v63  }
0x1e2: {  	s10 =	smov.u32 s7;
	s7 =	smov.u32 s9  }
0x1e3: {  	s15 =	sadd.s32 $0x1100, s9;
	s7 =	sshra.s32 s7, $0x2;
	s11 =	sadd.s32 $0xBB00, s10  }
0x1e4: {  	[hbm4b:s8+s2] =	stream.linear.scatter [tilespmem:s11], [sflag:$0x6], $0x80, $0x38;
	[tilespmem:$0xDD00] =	vst v63  }
0x1e5: {  	p0 =	sne.s32 s9, $0x7700;
	s9 =	sadd.s32 $0xBB88, s10;
	s11 =	sadd.s32 $0x10, s8  }
0x1e6: {  	[hbm4b:s11+s2] =	stream.linear.scatter [tilespmem:s9], [sflag:$0x6], $0x80, $0x38;
	[tilespmem:$0xDD00] =	vst v63  }
0x1e7: {  	s9 =	sadd.s32 $0xBC10, s10;
	s11 =	sadd.s32 $0x20, s8  }
0x1e8: {  	[hbm4b:s11+s2] =	stream.linear.scatter [tilespmem:s9], [sflag:$0x6], $0x80, $0x38;
	[tilespmem:$0xDD00] =	vst v63  }
0x1e9: {  	s9 =	sadd.s32 $0xBC98, s10;
	s11 =	sadd.s32 $0x30, s8  }
0x1ea: {  	[hbm4b:s11+s2] =	stream.linear.scatter [tilespmem:s9], [sflag:$0x6], $0x80, $0x38;
	[tilespmem:$0xDD00] =	vst v63  }
0x1eb: {  	s9 =	sadd.s32 $0xBD20, s10;
	s11 =	sadd.s32 $0x40, s8  }
0x1ec: {  	[hbm4b:s11+s2] =	stream.linear.scatter [tilespmem:s9], [sflag:$0x6], $0x80, $0x38;
	[tilespmem:$0xDD00] =	vst v63  }
.Ltmp7:
0x1ed: {  	s9 =	sadd.s32 $0xBDA8, s10;
	s11 =	sadd.s32 $0x50, s8;
	(pc) =	sbr.rel @p0 .LBB2_18-.Ltmp7, $4  }
0x1ee: {  	[hbm4b:s11+s2] =	stream.linear.scatter [tilespmem:s9], [sflag:$0x6], $0x80, $0x38;
	[tilespmem:$0xDD00] =	vst v63  }
0x1ef: {  	s9 =	sadd.s32 $0xBE30, s10;
	s11 =	sadd.s32 $0x60, s8;
	s10 =	sadd.s32 $0xBEB8, s10  }
0x1f0: {  	[hbm4b:s11+s2] =	stream.linear.scatter [tilespmem:s9], [sflag:$0x6], $0x80, $0x38;
	[tilespmem:$0xDD00] =	vst v63  }
0x1f1: {  	s11 =	sadd.s32 $0x70, s8;
	s8 =	sadd.s32 $0x4000, s8;
	s9 =	smov.u32 s15  }
0x1f2: {  	[hbm4b:s11+s2] =	stream.linear.scatter [tilespmem:s10], [sflag:$0x6], $0x80, $0x38;
	[tilespmem:$0xDD00] =	vst v63  }
0x1f3: {  	s9 =	sadd.s32 $0xBB00, s7  }
0x1f4: {  	[hbm4b:s8+s2] =	stream.linear.scatter [tilespmem:s9], [sflag:$0x6], $0x80, $0x38;
	[tilespmem:$0xDD00] =	vst v63  }
0x1f5: {  	s11 =	sadd.s32 $0xBB88, s7;
	s15 =	sadd.s32 $0x10, s8  }
0x1f6: {  	[hbm4b:s15+s2] =	stream.linear.scatter [tilespmem:s11], [sflag:$0x6], $0x80, $0x38;
	[tilespmem:$0xDD00] =	vst v63  }
0x1f7: {  	s11 =	sadd.s32 $0xBC10, s7;
	s15 =	sadd.s32 $0x20, s8  }
0x1f8: {  	[hbm4b:s15+s2] =	stream.linear.scatter [tilespmem:s11], [sflag:$0x6], $0x80, $0x38;
	[tilespmem:$0xDD00] =	vst v63  }
0x1f9: {  	s11 =	sadd.s32 $0xBC98, s7;
	s15 =	sadd.s32 $0x30, s8  }
0x1fa: {  	[hbm4b:s15+s2] =	stream.linear.scatter [tilespmem:s11], [sflag:$0x6], $0x80, $0x38;
	[tilespmem:$0xDD00] =	vst v63  }
0x1fb: {  	s11 =	sadd.s32 $0xBD20, s7;
	s15 =	sadd.s32 $0x40, s8  }
0x1fc: {  	[hbm4b:s15+s2] =	stream.linear.scatter [tilespmem:s11], [sflag:$0x6], $0x80, $0x38;
	[tilespmem:$0xDD00] =	vst v63  }
0x1fd: {  	s11 =	sadd.s32 $0xBDA8, s7;
	s15 =	sadd.s32 $0x50, s8  }
0x1fe: {  	[hbm4b:s15+s2] =	stream.linear.scatter [tilespmem:s11], [sflag:$0x6], $0x80, $0x38;
	[tilespmem:$0xDD00] =	vst v63  }
0x1ff: {  	s11 =	sadd.s32 $0xBE30, s7;
	s15 =	sadd.s32 $0x60, s8  }
0x200: {  	[hbm4b:s15+s2] =	stream.linear.scatter [tilespmem:s11], [sflag:$0x6], $0x80, $0x38;
	[tilespmem:$0xDD00] =	vst v63  }
0x201: {  	s11 =	sadd.s32 $0xBEB8, s7;
	s15 =	sadd.s32 $0x70, s8  }
0x202: {  	[hbm4b:s15+s2] =	stream.linear.scatter [tilespmem:s11], [sflag:$0x6], $0x80, $0x38;
	[tilespmem:$0xDD00] =	vst v63  }
0x203: {  	s8 =	sadd.s32 $0x380, s6  }
0x204: {  	[tilespmem:s21], [sflag:$0x4] =	stream.indirect.gather [hbm4b:s5+s13], $0x40, s8, s13, $0xb8;
	[tilespmem:$0xDD00] =	vst v63  }
0x205: {  	_ =	swait.ge [sflag:s22], $0x2000  }
0x206: {  	[sflag:s22] =	ssyncset.done $0x0  }
0x207: {  	[sflag:s22] =	ssyncadd.s32 $0xFFFFE000  }
0x208: {  	_ =	swait.ge [sflag:s30], $0x2000  }
0x209: {  	[sflag:s30] =	ssyncset.done $0x0  }
0x20a: {  	s7 =	simm.s32 $0x1980;
	[sflag:s30] =	ssyncadd.s32 $0xFFFFE000  }
0x20b: {  	v4 =	vld [tilespmem:s7+$0x70]  }
0x20c: {  	v6 =	vld [tilespmem:s7+$0x60]  }
0x20d: {  	v5 =	vld [tilespmem:s7+$0x50]  }
0x20e: {  	v7 =	vld [tilespmem:s7+$0x40]  }
0x20f: {  	v8 =	vld [tilespmem:s7+$0x30]  }
0x210: {  	v9 =	vld [tilespmem:s7+$0x20]  }
0x211: {  	v10 =	vld [tilespmem:s7+$0x10]  }
0x212: {  	s9 =	simm.s32 $0x0;
	v11 =	vld [tilespmem:s7+$0x0]  }
0x213: {  	v13 =	vmov s9;
	v12 =	vld [tilespmem:s7+$0xFFFFFFF0]  }
0x214: {  	v13 =	vand.u32 $0x7C, v13;
	v14 =	vld [tilespmem:s7+$0xFFFFFFE0]  }
0x215: {  	v17 =	vadd.s32 v0, v13;
	v16 =	vld [tilespmem:s7+$0xFFFFFF80]  }
0x216: {  	s10 =	simm.s32 $0x1;
	v19 =	vadd.s32 v1, v13;
	v18 =	vld [tilespmem:s7+$0xFFFFFF90]  }
0x217: {  	v21 =	vmov s10;
	v22 =	vadd.s32 v2, v13;
	v20 =	vld [tilespmem:s7+$0xFFFFFFA0]  }
0x218: {  	v21 =	vand.u32 $0x7D, v21;
	v13 =	vadd.s32 v3, v13;
	v23 =	vld [tilespmem:s7+$0xFFFFFFB0]  }
0x219: {  	v25 =	vadd.s32 v0, v21;
	v24 =	vld [tilespmem:s7+$0xFFFFFFC0]  }
0x21a: {  	v51 =	vadd.s32 v1, v21;
	s11 =	simm.s32 $0x2;
	v15 =	vld [tilespmem:s7+$0xFFFFFFD0];
	[tilespmem:v17+s23+$0x0] =	vst.idx.msk $0xffff, v16  }
0x21b: {  	v53 =	vadd.s32 v2, v21;
	v52 =	vmov s11;
	[tilespmem:v19+s23+$0x0] =	vst.idx.msk $0xffff, v18  }
0x21c: {  	v54 =	vadd.s32 v3, v21;
	v17 =	vand.u32 $0x7E, v52;
	[tilespmem:v22+s23+$0x0] =	vst.idx.msk $0xffff, v20  }
0x21d: {  	v55 =	vadd.s32 v0, v17;
	[tilespmem:v13+s23+$0x0] =	vst.idx.msk $0xffff, v23  }
0x21e: {  	s15 =	simm.s32 $0x3;
	v56 =	vadd.s32 v1, v17;
	[tilespmem:v25+s23+$0x0] =	vst.idx.msk $0xffff, v24  }
0x21f: {  	v57 =	vmov s15;
	v58 =	vadd.s32 v2, v17;
	[tilespmem:v51+s23+$0x0] =	vst.idx.msk $0xffff, v15  }
0x220: {  	v60 =	vand.u32 $0x7F, v57;
	v59 =	vadd.s32 v3, v17;
	[tilespmem:v53+s23+$0x0] =	vst.idx.msk $0xffff, v14  }
0x221: {  	v61 =	vadd.s32 v0, v60;
	[tilespmem:v54+s23+$0x0] =	vst.idx.msk $0xffff, v12  }
0x222: {  	v62 =	vadd.s32 v1, v60;
	[tilespmem:v55+s23+$0x0] =	vst.idx.msk $0xffff, v11  }
0x223: {  	[tilespmem:v56+s23+$0x0] =	vst.idx.msk $0xffff, v10  }
0x224: {  	[tilespmem:v58+s23+$0x0] =	vst.idx.msk $0xffff, v9  }
0x225: {  	v63 =	vadd.s32 v2, v60;
	[tilespmem:v59+s23+$0x0] =	vst.idx.msk $0xffff, v8  }
0x226: {  	[tilespmem:v61+s23+$0x0] =	vst.idx.msk $0xffff, v7  }
0x227: {  	[tilespmem:v62+s23+$0x0] =	vst.idx.msk $0xffff, v5;
	v5 =	vadd.s32 v3, v60;
	_ =	sdelay $0x2  }
0x228: {  	s8 =	simm.s32 $0x4;
	[tilespmem:v63+s23+$0x0] =	vst.idx.msk $0xffff, v6  }
.LBB2_20:
0x229: {  	p0 =	sne.s32 s8, $0x7C  }
0x22a: {  	[tilespmem:v5+s23+$0x0] =	vst.idx.msk $0xffff, v4;
	s7 =	sadd.s32 $0x100, s7;
	s9 =	smov.u32 s8;
	s8 =	sadd.s32 $0x4, s8  }
0x22b: {  	v4 =	vld [tilespmem:s7+$0x70]  }
0x22c: {  	v6 =	vld [tilespmem:s7+$0x60]  }
0x22d: {  	v7 =	vld [tilespmem:s7+$0x50]  }
0x22e: {  	v8 =	vld [tilespmem:s7+$0x40]  }
0x22f: {  	v9 =	vld [tilespmem:s7+$0x30]  }
0x230: {  	v5 =	vld [tilespmem:s7+$0x20]  }
0x231: {  	v10 =	vld [tilespmem:s7+$0x10]  }
0x232: {  	v11 =	vld [tilespmem:s7+$0x0]  }
0x233: {  	v12 =	vld [tilespmem:s7+$0xFFFFFFF0]  }
0x234: {  	v13 =	vmov s9;
	v14 =	vld [tilespmem:s7+$0xFFFFFFE0]  }
0x235: {  	v13 =	vand.u32 $0x7C, v13;
	v15 =	vld [tilespmem:s7+$0xFFFFFFD0]  }
0x236: {  	v17 =	vadd.s32 v0, v13;
	v16 =	vld [tilespmem:s7+$0xFFFFFF80]  }
0x237: {  	s10 =	sadd.s32 $0x1, s9;
	v19 =	vadd.s32 v1, v13;
	v18 =	vld [tilespmem:s7+$0xFFFFFF90]  }
0x238: {  	v21 =	vmov s10;
	v22 =	vadd.s32 v2, v13;
	v20 =	vld [tilespmem:s7+$0xFFFFFFA0]  }
0x239: {  	v13 =	vadd.s32 v3, v13;
	v21 =	vand.u32 $0x7D, v21;
	v23 =	vld [tilespmem:s7+$0xFFFFFFB0]  }
0x23a: {  	v25 =	vadd.s32 v0, v21;
	v24 =	vld [tilespmem:s7+$0xFFFFFFC0]  }
0x23b: {  	s10 =	sadd.s32 $0x2, s9;
	[tilespmem:v17+s23+$0x0] =	vst.idx.msk $0xffff, v16;
	v16 =	vadd.s32 v1, v21  }
0x23c: {  	v17 =	vmov s10;
	[tilespmem:v19+s23+$0x0] =	vst.idx.msk $0xffff, v18;
	v18 =	vadd.s32 v2, v21  }
0x23d: {  	v19 =	vadd.s32 v3, v21;
	v17 =	vand.u32 $0x7E, v17;
	[tilespmem:v22+s23+$0x0] =	vst.idx.msk $0xffff, v20  }
0x23e: {  	[tilespmem:v13+s23+$0x0] =	vst.idx.msk $0xffff, v23;
	v13 =	vadd.s32 v0, v17  }
0x23f: {  	s9 =	sadd.s32 $0x3, s9;
	v20 =	vadd.s32 v1, v17;
	[tilespmem:v25+s23+$0x0] =	vst.idx.msk $0xffff, v24  }
0x240: {  	v21 =	vmov s9;
	[tilespmem:v16+s23+$0x0] =	vst.idx.msk $0xffff, v15;
	v15 =	vadd.s32 v2, v17  }
0x241: {  	v16 =	vand.u32 $0x7F, v21;
	[tilespmem:v18+s23+$0x0] =	vst.idx.msk $0xffff, v14;
	v14 =	vadd.s32 v3, v17  }
0x242: {  	[tilespmem:v19+s23+$0x0] =	vst.idx.msk $0xffff, v12;
	v12 =	vadd.s32 v0, v16  }
0x243: {  	[tilespmem:v13+s23+$0x0] =	vst.idx.msk $0xffff, v11;
	v11 =	vadd.s32 v1, v16  }
0x244: {  	[tilespmem:v20+s23+$0x0] =	vst.idx.msk $0xffff, v10;
	v10 =	vadd.s32 v2, v16  }
.Ltmp8:
0x245: {  	[tilespmem:v15+s23+$0x0] =	vst.idx.msk $0xffff, v5;
	v5 =	vadd.s32 v3, v16;
	(pc) =	sbr.rel @p0 .LBB2_20-.Ltmp8, $4  }
0x246: {  	[tilespmem:v14+s23+$0x0] =	vst.idx.msk $0xffff, v9  }
0x247: {  	[tilespmem:v12+s23+$0x0] =	vst.idx.msk $0xffff, v8  }
0x248: {  	[tilespmem:v11+s23+$0x0] =	vst.idx.msk $0xffff, v7  }
0x249: {  	[tilespmem:v10+s23+$0x0] =	vst.idx.msk $0xffff, v6  }
0x24a: {  	_ =	sdelay $0x1  }
0x24b: {  	s7 =	sadd.s32 s18, s4  }
0x24c: {  	s7 =	sshrl.u32 s7, $0x3  }
0x24d: {  	[tilespmem:v5+s23+$0x0] =	vst.idx.msk $0xffff, v4;
	s9 =	simm.s32 $0x9900;
	s8 =	sadd.s32 s1, s7  }
0x24e: {  	[hbm4b:s8+s2] =	stream.linear.scatter [tilespmem:s9], [sflag:$0x5], $0x80, $0x38;
	[tilespmem:$0xDD00] =	vst v63  }
0x24f: {  	s10 =	simm.s32 $0x9988;
	s9 =	sadd.s32 $0x10, s8  }
0x250: {  	[hbm4b:s9+s2] =	stream.linear.scatter [tilespmem:s10], [sflag:$0x5], $0x80, $0x38;
	[tilespmem:$0xDD00] =	vst v63  }
0x251: {  	s11 =	simm.s32 $0x9A10;
	s15 =	sadd.s32 $0x20, s8  }
0x252: {  	[hbm4b:s15+s2] =	stream.linear.scatter [tilespmem:s11], [sflag:$0x5], $0x80, $0x38;
	[tilespmem:$0xDD00] =	vst v63  }
0x253: {  	s9 =	simm.s32 $0x9A98;
	s10 =	sadd.s32 $0x30, s8  }
0x254: {  	[hbm4b:s10+s2] =	stream.linear.scatter [tilespmem:s9], [sflag:$0x5], $0x80, $0x38;
	[tilespmem:$0xDD00] =	vst v63  }
0x255: {  	s11 =	simm.s32 $0x9B20;
	s15 =	sadd.s32 $0x40, s8  }
0x256: {  	[hbm4b:s15+s2] =	stream.linear.scatter [tilespmem:s11], [sflag:$0x5], $0x80, $0x38;
	[tilespmem:$0xDD00] =	vst v63  }
0x257: {  	s7 =	simm.s32 $0x440;
	s9 =	simm.s32 $0x9BA8;
	s10 =	sadd.s32 $0x50, s8  }
0x258: {  	[hbm4b:s10+s2] =	stream.linear.scatter [tilespmem:s9], [sflag:$0x5], $0x80, $0x38;
	[tilespmem:$0xDD00] =	vst v63  }
0x259: {  	s11 =	simm.s32 $0x9C30;
	s15 =	sadd.s32 $0x60, s8;
	s9 =	simm.s32 $0x2200  }
0x25a: {  	[hbm4b:s15+s2] =	stream.linear.scatter [tilespmem:s11], [sflag:$0x5], $0x80, $0x38;
	[tilespmem:$0xDD00] =	vst v63  }
0x25b: {  	s10 =	simm.s32 $0x9CB8;
	s11 =	sadd.s32 $0x70, s8;
	s8 =	sadd.s32 $0x4000, s8  }
.LBB2_22:
0x25c: {  	[hbm4b:s11+s2] =	stream.linear.scatter [tilespmem:s10], [sflag:$0x5], $0x80, $0x38;
	[tilespmem:$0xDD00] =	vst v63  }
0x25d: {  	s10 =	smov.u32 s7;
	s7 =	smov.u32 s9  }
0x25e: {  	s15 =	sadd.s32 $0x1100, s9;
	s7 =	sshra.s32 s7, $0x2;
	s11 =	sadd.s32 $0x9900, s10  }
0x25f: {  	[hbm4b:s8+s2] =	stream.linear.scatter [tilespmem:s11], [sflag:$0x5], $0x80, $0x38;
	[tilespmem:$0xDD00] =	vst v63  }
0x260: {  	p0 =	sne.s32 s9, $0x7700;
	s9 =	sadd.s32 $0x9988, s10;
	s11 =	sadd.s32 $0x10, s8  }
0x261: {  	[hbm4b:s11+s2] =	stream.linear.scatter [tilespmem:s9], [sflag:$0x5], $0x80, $0x38;
	[tilespmem:$0xDD00] =	vst v63  }
0x262: {  	s9 =	sadd.s32 $0x9A10, s10;
	s11 =	sadd.s32 $0x20, s8  }
0x263: {  	[hbm4b:s11+s2] =	stream.linear.scatter [tilespmem:s9], [sflag:$0x5], $0x80, $0x38;
	[tilespmem:$0xDD00] =	vst v63  }
0x264: {  	s9 =	sadd.s32 $0x9A98, s10;
	s11 =	sadd.s32 $0x30, s8  }
0x265: {  	[hbm4b:s11+s2] =	stream.linear.scatter [tilespmem:s9], [sflag:$0x5], $0x80, $0x38;
	[tilespmem:$0xDD00] =	vst v63  }
0x266: {  	s9 =	sadd.s32 $0x9B20, s10;
	s11 =	sadd.s32 $0x40, s8  }
0x267: {  	[hbm4b:s11+s2] =	stream.linear.scatter [tilespmem:s9], [sflag:$0x5], $0x80, $0x38;
	[tilespmem:$0xDD00] =	vst v63  }
.Ltmp9:
0x268: {  	s9 =	sadd.s32 $0x9BA8, s10;
	s11 =	sadd.s32 $0x50, s8;
	(pc) =	sbr.rel @p0 .LBB2_22-.Ltmp9, $4  }
0x269: {  	[hbm4b:s11+s2] =	stream.linear.scatter [tilespmem:s9], [sflag:$0x5], $0x80, $0x38;
	[tilespmem:$0xDD00] =	vst v63  }
0x26a: {  	s9 =	sadd.s32 $0x9C30, s10;
	s11 =	sadd.s32 $0x60, s8;
	s10 =	sadd.s32 $0x9CB8, s10  }
0x26b: {  	[hbm4b:s11+s2] =	stream.linear.scatter [tilespmem:s9], [sflag:$0x5], $0x80, $0x38;
	[tilespmem:$0xDD00] =	vst v63  }
0x26c: {  	s11 =	sadd.s32 $0x70, s8;
	s8 =	sadd.s32 $0x4000, s8;
	s9 =	smov.u32 s15  }
0x26d: {  	[hbm4b:s11+s2] =	stream.linear.scatter [tilespmem:s10], [sflag:$0x5], $0x80, $0x38;
	[tilespmem:$0xDD00] =	vst v63  }
0x26e: {  	s9 =	sadd.s32 $0x9900, s7  }
0x26f: {  	[hbm4b:s8+s2] =	stream.linear.scatter [tilespmem:s9], [sflag:$0x5], $0x80, $0x38;
	[tilespmem:$0xDD00] =	vst v63  }
0x270: {  	s11 =	sadd.s32 $0x9988, s7;
	s15 =	sadd.s32 $0x10, s8  }
0x271: {  	[hbm4b:s15+s2] =	stream.linear.scatter [tilespmem:s11], [sflag:$0x5], $0x80, $0x38;
	[tilespmem:$0xDD00] =	vst v63  }
0x272: {  	s11 =	sadd.s32 $0x9A10, s7;
	s15 =	sadd.s32 $0x20, s8  }
0x273: {  	[hbm4b:s15+s2] =	stream.linear.scatter [tilespmem:s11], [sflag:$0x5], $0x80, $0x38;
	[tilespmem:$0xDD00] =	vst v63  }
0x274: {  	s11 =	sadd.s32 $0x9A98, s7;
	s15 =	sadd.s32 $0x30, s8  }
0x275: {  	[hbm4b:s15+s2] =	stream.linear.scatter [tilespmem:s11], [sflag:$0x5], $0x80, $0x38;
	[tilespmem:$0xDD00] =	vst v63  }
0x276: {  	s11 =	sadd.s32 $0x9B20, s7;
	s15 =	sadd.s32 $0x40, s8  }
0x277: {  	[hbm4b:s15+s2] =	stream.linear.scatter [tilespmem:s11], [sflag:$0x5], $0x80, $0x38;
	[tilespmem:$0xDD00] =	vst v63  }
0x278: {  	s11 =	sadd.s32 $0x9BA8, s7;
	s15 =	sadd.s32 $0x50, s8  }
0x279: {  	[hbm4b:s15+s2] =	stream.linear.scatter [tilespmem:s11], [sflag:$0x5], $0x80, $0x38;
	[tilespmem:$0xDD00] =	vst v63  }
0x27a: {  	s11 =	sadd.s32 $0x9C30, s7;
	s15 =	sadd.s32 $0x60, s8  }
0x27b: {  	[hbm4b:s15+s2] =	stream.linear.scatter [tilespmem:s11], [sflag:$0x5], $0x80, $0x38;
	[tilespmem:$0xDD00] =	vst v63  }
0x27c: {  	s11 =	sadd.s32 $0x9CB8, s7;
	s15 =	sadd.s32 $0x70, s8  }
0x27d: {  	[hbm4b:s15+s2] =	stream.linear.scatter [tilespmem:s11], [sflag:$0x5], $0x80, $0x38;
	[tilespmem:$0xDD00] =	vst v63  }
0x27e: {  	s8 =	sadd.s32 $0x400, s6  }
0x27f: {  	[tilespmem:s16], [sflag:$0x1] =	stream.indirect.gather [hbm4b:s5+s13], $0x40, s8, s13, $0xb8;
	[tilespmem:$0xDD00] =	vst v63  }
0x280: {  	_ =	swait.ge [sflag:s25], $0x2000  }
0x281: {  	[sflag:s25] =	ssyncset.done $0x0  }
0x282: {  	[sflag:s25] =	ssyncadd.s32 $0xFFFFE000  }
0x283: {  	_ =	swait.ge [sflag:s0], $0x2000  }
0x284: {  	[sflag:s0] =	ssyncset.done $0x0  }
0x285: {  	s7 =	simm.s32 $0x3980;
	[sflag:s0] =	ssyncadd.s32 $0xFFFFE000  }
0x286: {  	v4 =	vld [tilespmem:s7+$0x70]  }
0x287: {  	v6 =	vld [tilespmem:s7+$0x60]  }
0x288: {  	v5 =	vld [tilespmem:s7+$0x50]  }
0x289: {  	v7 =	vld [tilespmem:s7+$0x40]  }
0x28a: {  	v8 =	vld [tilespmem:s7+$0x30]  }
0x28b: {  	v9 =	vld [tilespmem:s7+$0x20]  }
0x28c: {  	v10 =	vld [tilespmem:s7+$0x10]  }
0x28d: {  	s9 =	simm.s32 $0x0;
	v11 =	vld [tilespmem:s7+$0x0]  }
0x28e: {  	v13 =	vmov s9;
	v12 =	vld [tilespmem:s7+$0xFFFFFFF0]  }
0x28f: {  	v13 =	vand.u32 $0x7C, v13;
	v14 =	vld [tilespmem:s7+$0xFFFFFFE0]  }
0x290: {  	v17 =	vadd.s32 v0, v13;
	v16 =	vld [tilespmem:s7+$0xFFFFFF80]  }
0x291: {  	s10 =	simm.s32 $0x1;
	v19 =	vadd.s32 v1, v13;
	v18 =	vld [tilespmem:s7+$0xFFFFFF90]  }
0x292: {  	v21 =	vmov s10;
	v22 =	vadd.s32 v2, v13;
	v20 =	vld [tilespmem:s7+$0xFFFFFFA0]  }
0x293: {  	v21 =	vand.u32 $0x7D, v21;
	v13 =	vadd.s32 v3, v13;
	v23 =	vld [tilespmem:s7+$0xFFFFFFB0]  }
0x294: {  	v25 =	vadd.s32 v0, v21;
	v24 =	vld [tilespmem:s7+$0xFFFFFFC0]  }
0x295: {  	v51 =	vadd.s32 v1, v21;
	s11 =	simm.s32 $0x2;
	v15 =	vld [tilespmem:s7+$0xFFFFFFD0];
	[tilespmem:v17+s26+$0x0] =	vst.idx.msk $0xffff, v16  }
0x296: {  	v53 =	vadd.s32 v2, v21;
	v52 =	vmov s11;
	[tilespmem:v19+s26+$0x0] =	vst.idx.msk $0xffff, v18  }
0x297: {  	v54 =	vadd.s32 v3, v21;
	v17 =	vand.u32 $0x7E, v52;
	[tilespmem:v22+s26+$0x0] =	vst.idx.msk $0xffff, v20  }
0x298: {  	v55 =	vadd.s32 v0, v17;
	[tilespmem:v13+s26+$0x0] =	vst.idx.msk $0xffff, v23  }
0x299: {  	s15 =	simm.s32 $0x3;
	v56 =	vadd.s32 v1, v17;
	[tilespmem:v25+s26+$0x0] =	vst.idx.msk $0xffff, v24  }
0x29a: {  	v57 =	vmov s15;
	v58 =	vadd.s32 v2, v17;
	[tilespmem:v51+s26+$0x0] =	vst.idx.msk $0xffff, v15  }
0x29b: {  	v60 =	vand.u32 $0x7F, v57;
	v59 =	vadd.s32 v3, v17;
	[tilespmem:v53+s26+$0x0] =	vst.idx.msk $0xffff, v14  }
0x29c: {  	v61 =	vadd.s32 v0, v60;
	[tilespmem:v54+s26+$0x0] =	vst.idx.msk $0xffff, v12  }
0x29d: {  	v62 =	vadd.s32 v1, v60;
	[tilespmem:v55+s26+$0x0] =	vst.idx.msk $0xffff, v11  }
0x29e: {  	[tilespmem:v56+s26+$0x0] =	vst.idx.msk $0xffff, v10  }
0x29f: {  	[tilespmem:v58+s26+$0x0] =	vst.idx.msk $0xffff, v9  }
0x2a0: {  	v63 =	vadd.s32 v2, v60;
	[tilespmem:v59+s26+$0x0] =	vst.idx.msk $0xffff, v8  }
0x2a1: {  	[tilespmem:v61+s26+$0x0] =	vst.idx.msk $0xffff, v7  }
0x2a2: {  	[tilespmem:v62+s26+$0x0] =	vst.idx.msk $0xffff, v5;
	v5 =	vadd.s32 v3, v60;
	_ =	sdelay $0x2  }
0x2a3: {  	s8 =	simm.s32 $0x4;
	[tilespmem:v63+s26+$0x0] =	vst.idx.msk $0xffff, v6  }
.LBB2_24:
0x2a4: {  	p0 =	sne.s32 s8, $0x7C  }
0x2a5: {  	[tilespmem:v5+s26+$0x0] =	vst.idx.msk $0xffff, v4;
	s7 =	sadd.s32 $0x100, s7;
	s9 =	smov.u32 s8;
	s8 =	sadd.s32 $0x4, s8  }
0x2a6: {  	v4 =	vld [tilespmem:s7+$0x70]  }
0x2a7: {  	v6 =	vld [tilespmem:s7+$0x60]  }
0x2a8: {  	v7 =	vld [tilespmem:s7+$0x50]  }
0x2a9: {  	v8 =	vld [tilespmem:s7+$0x40]  }
0x2aa: {  	v9 =	vld [tilespmem:s7+$0x30]  }
0x2ab: {  	v5 =	vld [tilespmem:s7+$0x20]  }
0x2ac: {  	v10 =	vld [tilespmem:s7+$0x10]  }
0x2ad: {  	v11 =	vld [tilespmem:s7+$0x0]  }
0x2ae: {  	v12 =	vld [tilespmem:s7+$0xFFFFFFF0]  }
0x2af: {  	v13 =	vmov s9;
	v14 =	vld [tilespmem:s7+$0xFFFFFFE0]  }
0x2b0: {  	v13 =	vand.u32 $0x7C, v13;
	v15 =	vld [tilespmem:s7+$0xFFFFFFD0]  }
0x2b1: {  	v17 =	vadd.s32 v0, v13;
	v16 =	vld [tilespmem:s7+$0xFFFFFF80]  }
0x2b2: {  	s10 =	sadd.s32 $0x1, s9;
	v19 =	vadd.s32 v1, v13;
	v18 =	vld [tilespmem:s7+$0xFFFFFF90]  }
0x2b3: {  	v21 =	vmov s10;
	v22 =	vadd.s32 v2, v13;
	v20 =	vld [tilespmem:s7+$0xFFFFFFA0]  }
0x2b4: {  	v13 =	vadd.s32 v3, v13;
	v21 =	vand.u32 $0x7D, v21;
	v23 =	vld [tilespmem:s7+$0xFFFFFFB0]  }
0x2b5: {  	v25 =	vadd.s32 v0, v21;
	v24 =	vld [tilespmem:s7+$0xFFFFFFC0]  }
0x2b6: {  	s10 =	sadd.s32 $0x2, s9;
	[tilespmem:v17+s26+$0x0] =	vst.idx.msk $0xffff, v16;
	v16 =	vadd.s32 v1, v21  }
0x2b7: {  	v17 =	vmov s10;
	[tilespmem:v19+s26+$0x0] =	vst.idx.msk $0xffff, v18;
	v18 =	vadd.s32 v2, v21  }
0x2b8: {  	v19 =	vadd.s32 v3, v21;
	v17 =	vand.u32 $0x7E, v17;
	[tilespmem:v22+s26+$0x0] =	vst.idx.msk $0xffff, v20  }
0x2b9: {  	[tilespmem:v13+s26+$0x0] =	vst.idx.msk $0xffff, v23;
	v13 =	vadd.s32 v0, v17  }
0x2ba: {  	s9 =	sadd.s32 $0x3, s9;
	v20 =	vadd.s32 v1, v17;
	[tilespmem:v25+s26+$0x0] =	vst.idx.msk $0xffff, v24  }
0x2bb: {  	v21 =	vmov s9;
	[tilespmem:v16+s26+$0x0] =	vst.idx.msk $0xffff, v15;
	v15 =	vadd.s32 v2, v17  }
0x2bc: {  	v16 =	vand.u32 $0x7F, v21;
	[tilespmem:v18+s26+$0x0] =	vst.idx.msk $0xffff, v14;
	v14 =	vadd.s32 v3, v17  }
0x2bd: {  	[tilespmem:v19+s26+$0x0] =	vst.idx.msk $0xffff, v12;
	v12 =	vadd.s32 v0, v16  }
0x2be: {  	[tilespmem:v13+s26+$0x0] =	vst.idx.msk $0xffff, v11;
	v11 =	vadd.s32 v1, v16  }
0x2bf: {  	[tilespmem:v20+s26+$0x0] =	vst.idx.msk $0xffff, v10;
	v10 =	vadd.s32 v2, v16  }
.Ltmp10:
0x2c0: {  	[tilespmem:v15+s26+$0x0] =	vst.idx.msk $0xffff, v5;
	v5 =	vadd.s32 v3, v16;
	(pc) =	sbr.rel @p0 .LBB2_24-.Ltmp10, $4  }
0x2c1: {  	[tilespmem:v14+s26+$0x0] =	vst.idx.msk $0xffff, v9  }
0x2c2: {  	[tilespmem:v12+s26+$0x0] =	vst.idx.msk $0xffff, v8  }
0x2c3: {  	[tilespmem:v11+s26+$0x0] =	vst.idx.msk $0xffff, v7  }
0x2c4: {  	[tilespmem:v10+s26+$0x0] =	vst.idx.msk $0xffff, v6  }
0x2c5: {  	_ =	sdelay $0x1  }
0x2c6: {  	s4 =	sadd.s32 s20, s4  }
0x2c7: {  	s4 =	sshrl.u32 s4, $0x3  }
0x2c8: {  	[tilespmem:v5+s26+$0x0] =	vst.idx.msk $0xffff, v4;
	s9 =	simm.s32 $0xBB00;
	s7 =	sadd.s32 s1, s4  }
0x2c9: {  	[hbm4b:s7+s2] =	stream.linear.scatter [tilespmem:s9], [sflag:$0x6], $0x80, $0x38;
	[tilespmem:$0xDD00] =	vst v63  }
0x2ca: {  	s10 =	simm.s32 $0xBB88;
	s8 =	sadd.s32 $0x10, s7  }
0x2cb: {  	[hbm4b:s8+s2] =	stream.linear.scatter [tilespmem:s10], [sflag:$0x6], $0x80, $0x38;
	[tilespmem:$0xDD00] =	vst v63  }
0x2cc: {  	s11 =	simm.s32 $0xBC10;
	s4 =	simm.s32 $0x440;
	s15 =	sadd.s32 $0x20, s7  }
0x2cd: {  	[hbm4b:s15+s2] =	stream.linear.scatter [tilespmem:s11], [sflag:$0x6], $0x80, $0x38;
	[tilespmem:$0xDD00] =	vst v63  }
0x2ce: {  	s9 =	simm.s32 $0xBC98;
	s10 =	sadd.s32 $0x30, s7;
	s8 =	simm.s32 $0x2200  }
0x2cf: {  	[hbm4b:s10+s2] =	stream.linear.scatter [tilespmem:s9], [sflag:$0x6], $0x80, $0x38;
	[tilespmem:$0xDD00] =	vst v63  }
0x2d0: {  	s11 =	simm.s32 $0xBD20;
	s15 =	sadd.s32 $0x40, s7;
	s9 =	simm.s32 $0xBDA8  }
0x2d1: {  	[hbm4b:s15+s2] =	stream.linear.scatter [tilespmem:s11], [sflag:$0x6], $0x80, $0x38;
	[tilespmem:$0xDD00] =	vst v63  }
0x2d2: {  	s10 =	sadd.s32 $0x50, s7;
	s11 =	simm.s32 $0xBE30;
	s15 =	sadd.s32 $0x60, s7  }
0x2d3: {  	[hbm4b:s10+s2] =	stream.linear.scatter [tilespmem:s9], [sflag:$0x6], $0x80, $0x38;
	[tilespmem:$0xDD00] =	vst v63  }
0x2d4: {  	s9 =	simm.s32 $0xBEB8;
	s10 =	sadd.s32 $0x70, s7;
	s7 =	sadd.s32 $0x4000, s7  }
0x2d5: {  	[hbm4b:s15+s2] =	stream.linear.scatter [tilespmem:s11], [sflag:$0x6], $0x80, $0x38;
	[tilespmem:$0xDD00] =	vst v63  }
.LBB2_26:
0x2d6: {  	[hbm4b:s10+s2] =	stream.linear.scatter [tilespmem:s9], [sflag:$0x6], $0x80, $0x38;
	[tilespmem:$0xDD00] =	vst v63  }
0x2d7: {  	s9 =	smov.u32 s4;
	s4 =	smov.u32 s8  }
0x2d8: {  	s11 =	sadd.s32 $0x1100, s8;
	s4 =	sshra.s32 s4, $0x2;
	s10 =	sadd.s32 $0xBB00, s9  }
0x2d9: {  	[hbm4b:s7+s2] =	stream.linear.scatter [tilespmem:s10], [sflag:$0x6], $0x80, $0x38;
	[tilespmem:$0xDD00] =	vst v63  }
0x2da: {  	p0 =	sne.s32 s8, $0x7700;
	s8 =	sadd.s32 $0xBB88, s9;
	s10 =	sadd.s32 $0x10, s7  }
0x2db: {  	[hbm4b:s10+s2] =	stream.linear.scatter [tilespmem:s8], [sflag:$0x6], $0x80, $0x38;
	[tilespmem:$0xDD00] =	vst v63  }
0x2dc: {  	s8 =	sadd.s32 $0xBC10, s9;
	s10 =	sadd.s32 $0x20, s7  }
0x2dd: {  	[hbm4b:s10+s2] =	stream.linear.scatter [tilespmem:s8], [sflag:$0x6], $0x80, $0x38;
	[tilespmem:$0xDD00] =	vst v63  }
0x2de: {  	s8 =	sadd.s32 $0xBC98, s9;
	s10 =	sadd.s32 $0x30, s7  }
0x2df: {  	[hbm4b:s10+s2] =	stream.linear.scatter [tilespmem:s8], [sflag:$0x6], $0x80, $0x38;
	[tilespmem:$0xDD00] =	vst v63  }
0x2e0: {  	s8 =	sadd.s32 $0xBD20, s9;
	s10 =	sadd.s32 $0x40, s7  }
0x2e1: {  	[hbm4b:s10+s2] =	stream.linear.scatter [tilespmem:s8], [sflag:$0x6], $0x80, $0x38;
	[tilespmem:$0xDD00] =	vst v63  }
.Ltmp11:
0x2e2: {  	s8 =	sadd.s32 $0xBDA8, s9;
	s10 =	sadd.s32 $0x50, s7;
	(pc) =	sbr.rel @p0 .LBB2_26-.Ltmp11, $4  }
0x2e3: {  	[hbm4b:s10+s2] =	stream.linear.scatter [tilespmem:s8], [sflag:$0x6], $0x80, $0x38;
	[tilespmem:$0xDD00] =	vst v63  }
0x2e4: {  	s8 =	sadd.s32 $0xBE30, s9;
	s10 =	sadd.s32 $0x60, s7;
	s9 =	sadd.s32 $0xBEB8, s9  }
0x2e5: {  	[hbm4b:s10+s2] =	stream.linear.scatter [tilespmem:s8], [sflag:$0x6], $0x80, $0x38;
	[tilespmem:$0xDD00] =	vst v63  }
0x2e6: {  	s10 =	sadd.s32 $0x70, s7;
	s7 =	sadd.s32 $0x4000, s7;
	s8 =	smov.u32 s11  }
0x2e7: {  	[hbm4b:s10+s2] =	stream.linear.scatter [tilespmem:s9], [sflag:$0x6], $0x80, $0x38;
	[tilespmem:$0xDD00] =	vst v63  }
0x2e8: {  	s8 =	sadd.s32 $0xBB00, s4  }
0x2e9: {  	[hbm4b:s7+s2] =	stream.linear.scatter [tilespmem:s8], [sflag:$0x6], $0x80, $0x38;
	[tilespmem:$0xDD00] =	vst v63  }
0x2ea: {  	s9 =	sadd.s32 $0xBB88, s4;
	s10 =	sadd.s32 $0x10, s7  }
0x2eb: {  	[hbm4b:s10+s2] =	stream.linear.scatter [tilespmem:s9], [sflag:$0x6], $0x80, $0x38;
	[tilespmem:$0xDD00] =	vst v63  }
0x2ec: {  	s11 =	sadd.s32 $0xBC10, s4;
	s15 =	sadd.s32 $0x20, s7  }
0x2ed: {  	[hbm4b:s15+s2] =	stream.linear.scatter [tilespmem:s11], [sflag:$0x6], $0x80, $0x38;
	[tilespmem:$0xDD00] =	vst v63  }
0x2ee: {  	s9 =	sadd.s32 $0xBC98, s4;
	s10 =	sadd.s32 $0x30, s7  }
0x2ef: {  	[hbm4b:s10+s2] =	stream.linear.scatter [tilespmem:s9], [sflag:$0x6], $0x80, $0x38;
	[tilespmem:$0xDD00] =	vst v63  }
0x2f0: {  	s11 =	sadd.s32 $0xBD20, s4;
	s15 =	sadd.s32 $0x40, s7  }
0x2f1: {  	[hbm4b:s15+s2] =	stream.linear.scatter [tilespmem:s11], [sflag:$0x6], $0x80, $0x38;
	[tilespmem:$0xDD00] =	vst v63  }
0x2f2: {  	s28 =	sadd.s32 $0x1, s28;
	s9 =	sadd.s32 $0xBDA8, s4;
	s10 =	sadd.s32 $0x50, s7  }
0x2f3: {  	[hbm4b:s10+s2] =	stream.linear.scatter [tilespmem:s9], [sflag:$0x6], $0x80, $0x38;
	[tilespmem:$0xDD00] =	vst v63  }
0x2f4: {  	p0 =	sne.s32 s28, $0xB;
	s11 =	sadd.s32 $0xBE30, s4;
	s15 =	sadd.s32 $0x60, s7  }
0x2f5: {  	[hbm4b:s15+s2] =	stream.linear.scatter [tilespmem:s11], [sflag:$0x6], $0x80, $0x38;
	[tilespmem:$0xDD00] =	vst v63  }
.Ltmp12:
0x2f6: {  	_ = 	snop;
	(pc) =	sbr.rel @p0 .LBB2_11-.Ltmp12, $4  }
0x2f7: {  	s10 =	sadd.s32 $0xBEB8, s4;
	s11 =	sadd.s32 $0x70, s7  }
0x2f8: {  	[hbm4b:s11+s2] =	stream.linear.scatter [tilespmem:s10], [sflag:$0x6], $0x80, $0x38;
	[tilespmem:$0xDD00] =	vst v63  }
0x2f9: {  	s15 =	sadd.s32 $0x480, s6  }
0x2fa: {  	[tilespmem:s17], [sflag:$0x2] =	stream.indirect.gather [hbm4b:s5+s13], $0x40, s15, s13, $0xb8;
	[tilespmem:$0xDD00] =	vst v63  }
0x2fb: {  	_ =	swait.ge [sflag:s29], $0x2000  }
0x2fc: {  	[sflag:s29] =	ssyncset.done $0x0  }
0x2fd: {  	[sflag:s29] =	ssyncadd.s32 $0xFFFFE000  }
0x2fe: {  	_ =	swait.ge [sflag:s30], $0x2000  }
0x2ff: {  	[sflag:s30] =	ssyncset.done $0x0  }
0x300: {  	s4 =	simm.s32 $0x5980;
	[sflag:s30] =	ssyncadd.s32 $0xFFFFE000  }
0x301: {  	v4 =	vld [tilespmem:s4+$0x70]  }
0x302: {  	v6 =	vld [tilespmem:s4+$0x60]  }
0x303: {  	v5 =	vld [tilespmem:s4+$0x50]  }
0x304: {  	v7 =	vld [tilespmem:s4+$0x40]  }
0x305: {  	v8 =	vld [tilespmem:s4+$0x30]  }
0x306: {  	v9 =	vld [tilespmem:s4+$0x20]  }
0x307: {  	v10 =	vld [tilespmem:s4+$0x10]  }
0x308: {  	s6 =	simm.s32 $0x0;
	v11 =	vld [tilespmem:s4+$0x0]  }
0x309: {  	v13 =	vmov s6;
	v12 =	vld [tilespmem:s4+$0xFFFFFFF0]  }
0x30a: {  	v13 =	vand.u32 $0x7C, v13;
	v14 =	vld [tilespmem:s4+$0xFFFFFFE0]  }
0x30b: {  	v17 =	vadd.s32 v0, v13;
	v16 =	vld [tilespmem:s4+$0xFFFFFF80]  }
0x30c: {  	s18 =	simm.s32 $0x1;
	v19 =	vadd.s32 v1, v13;
	v18 =	vld [tilespmem:s4+$0xFFFFFF90]  }
0x30d: {  	v21 =	vmov s18;
	v22 =	vadd.s32 v2, v13;
	v20 =	vld [tilespmem:s4+$0xFFFFFFA0]  }
0x30e: {  	v21 =	vand.u32 $0x7D, v21;
	v13 =	vadd.s32 v3, v13;
	v23 =	vld [tilespmem:s4+$0xFFFFFFB0]  }
0x30f: {  	v25 =	vadd.s32 v0, v21;
	v24 =	vld [tilespmem:s4+$0xFFFFFFC0]  }
0x310: {  	s20 =	simm.s32 $0x2;
	v51 =	vadd.s32 v1, v21;
	v15 =	vld [tilespmem:s4+$0xFFFFFFD0];
	[tilespmem:v17+s23+$0x0] =	vst.idx.msk $0xffff, v16  }
0x311: {  	v52 =	vmov s20;
	v53 =	vadd.s32 v2, v21;
	[tilespmem:v19+s23+$0x0] =	vst.idx.msk $0xffff, v18  }
0x312: {  	v54 =	vadd.s32 v3, v21;
	v17 =	vand.u32 $0x7E, v52;
	[tilespmem:v22+s23+$0x0] =	vst.idx.msk $0xffff, v20  }
0x313: {  	v55 =	vadd.s32 v0, v17;
	[tilespmem:v13+s23+$0x0] =	vst.idx.msk $0xffff, v23  }
0x314: {  	s28 =	simm.s32 $0x3;
	v56 =	vadd.s32 v1, v17;
	[tilespmem:v25+s23+$0x0] =	vst.idx.msk $0xffff, v24  }
0x315: {  	v57 =	vmov s28;
	v58 =	vadd.s32 v2, v17;
	[tilespmem:v51+s23+$0x0] =	vst.idx.msk $0xffff, v15  }
0x316: {  	v60 =	vand.u32 $0x7F, v57;
	v59 =	vadd.s32 v3, v17;
	[tilespmem:v53+s23+$0x0] =	vst.idx.msk $0xffff, v14  }
0x317: {  	v61 =	vadd.s32 v0, v60;
	[tilespmem:v54+s23+$0x0] =	vst.idx.msk $0xffff, v12  }
0x318: {  	v62 =	vadd.s32 v1, v60;
	[tilespmem:v55+s23+$0x0] =	vst.idx.msk $0xffff, v11  }
0x319: {  	[tilespmem:v56+s23+$0x0] =	vst.idx.msk $0xffff, v10  }
0x31a: {  	[tilespmem:v58+s23+$0x0] =	vst.idx.msk $0xffff, v9  }
0x31b: {  	v63 =	vadd.s32 v2, v60;
	[tilespmem:v59+s23+$0x0] =	vst.idx.msk $0xffff, v8  }
0x31c: {  	[tilespmem:v61+s23+$0x0] =	vst.idx.msk $0xffff, v7  }
0x31d: {  	[tilespmem:v62+s23+$0x0] =	vst.idx.msk $0xffff, v5;
	v5 =	vadd.s32 v3, v60;
	_ =	sdelay $0x2  }
0x31e: {  	s6 =	simm.s32 $0x4;
	[tilespmem:v63+s23+$0x0] =	vst.idx.msk $0xffff, v6  }
.LBB2_29:
0x31f: {  	p0 =	sne.s32 s6, $0x7C  }
0x320: {  	[tilespmem:v5+s23+$0x0] =	vst.idx.msk $0xffff, v4;
	s4 =	sadd.s32 $0x100, s4;
	s7 =	smov.u32 s6;
	s6 =	sadd.s32 $0x4, s6  }
0x321: {  	v4 =	vld [tilespmem:s4+$0x70]  }
0x322: {  	v6 =	vld [tilespmem:s4+$0x60]  }
0x323: {  	v7 =	vld [tilespmem:s4+$0x50]  }
0x324: {  	v8 =	vld [tilespmem:s4+$0x40]  }
0x325: {  	v9 =	vld [tilespmem:s4+$0x30]  }
0x326: {  	v5 =	vld [tilespmem:s4+$0x20]  }
0x327: {  	v10 =	vld [tilespmem:s4+$0x10]  }
0x328: {  	v11 =	vld [tilespmem:s4+$0x0]  }
0x329: {  	v12 =	vld [tilespmem:s4+$0xFFFFFFF0]  }
0x32a: {  	v13 =	vmov s7;
	v14 =	vld [tilespmem:s4+$0xFFFFFFE0]  }
0x32b: {  	v13 =	vand.u32 $0x7C, v13;
	v15 =	vld [tilespmem:s4+$0xFFFFFFD0]  }
0x32c: {  	v17 =	vadd.s32 v0, v13;
	v16 =	vld [tilespmem:s4+$0xFFFFFF80]  }
0x32d: {  	s8 =	sadd.s32 $0x1, s7;
	v19 =	vadd.s32 v1, v13;
	v18 =	vld [tilespmem:s4+$0xFFFFFF90]  }
0x32e: {  	v21 =	vmov s8;
	v22 =	vadd.s32 v2, v13;
	v20 =	vld [tilespmem:s4+$0xFFFFFFA0]  }
0x32f: {  	v13 =	vadd.s32 v3, v13;
	v21 =	vand.u32 $0x7D, v21;
	v23 =	vld [tilespmem:s4+$0xFFFFFFB0]  }
0x330: {  	v25 =	vadd.s32 v0, v21;
	v24 =	vld [tilespmem:s4+$0xFFFFFFC0]  }
0x331: {  	s8 =	sadd.s32 $0x2, s7;
	[tilespmem:v17+s23+$0x0] =	vst.idx.msk $0xffff, v16;
	v16 =	vadd.s32 v1, v21  }
0x332: {  	v17 =	vmov s8;
	[tilespmem:v19+s23+$0x0] =	vst.idx.msk $0xffff, v18;
	v18 =	vadd.s32 v2, v21  }
0x333: {  	v19 =	vadd.s32 v3, v21;
	v17 =	vand.u32 $0x7E, v17;
	[tilespmem:v22+s23+$0x0] =	vst.idx.msk $0xffff, v20  }
0x334: {  	[tilespmem:v13+s23+$0x0] =	vst.idx.msk $0xffff, v23;
	v13 =	vadd.s32 v0, v17  }
0x335: {  	s7 =	sadd.s32 $0x3, s7;
	v20 =	vadd.s32 v1, v17;
	[tilespmem:v25+s23+$0x0] =	vst.idx.msk $0xffff, v24  }
0x336: {  	v21 =	vmov s7;
	[tilespmem:v16+s23+$0x0] =	vst.idx.msk $0xffff, v15;
	v15 =	vadd.s32 v2, v17  }
0x337: {  	v16 =	vand.u32 $0x7F, v21;
	[tilespmem:v18+s23+$0x0] =	vst.idx.msk $0xffff, v14;
	v14 =	vadd.s32 v3, v17  }
0x338: {  	[tilespmem:v19+s23+$0x0] =	vst.idx.msk $0xffff, v12;
	v12 =	vadd.s32 v0, v16  }
0x339: {  	[tilespmem:v13+s23+$0x0] =	vst.idx.msk $0xffff, v11;
	v11 =	vadd.s32 v1, v16  }
0x33a: {  	[tilespmem:v20+s23+$0x0] =	vst.idx.msk $0xffff, v10;
	v10 =	vadd.s32 v2, v16  }
.Ltmp13:
0x33b: {  	[tilespmem:v15+s23+$0x0] =	vst.idx.msk $0xffff, v5;
	v5 =	vadd.s32 v3, v16;
	(pc) =	sbr.rel @p0 .LBB2_29-.Ltmp13, $4  }
0x33c: {  	[tilespmem:v14+s23+$0x0] =	vst.idx.msk $0xffff, v9  }
0x33d: {  	[tilespmem:v12+s23+$0x0] =	vst.idx.msk $0xffff, v8  }
0x33e: {  	[tilespmem:v11+s23+$0x0] =	vst.idx.msk $0xffff, v7  }
0x33f: {  	[tilespmem:v10+s23+$0x0] =	vst.idx.msk $0xffff, v6  }
0x340: {  	_ =	sdelay $0x2  }
0x341: {  	s4 =	rddreg [dreg:$0x6]  }
0x342: {  	[tilespmem:v5+s23+$0x0] =	vst.idx.msk $0xffff, v4;
	s20 =	simm.s32 $0x9900;
	s6 =	sadd.s32 s3, s4  }
0x343: {  	[hbm4b:s6+s2] =	stream.linear.scatter [tilespmem:s20], [sflag:$0x5], $0x80, $0x38;
	[tilespmem:$0xDD00] =	vst v63  }
0x344: {  	s28 =	simm.s32 $0x9988;
	s7 =	sadd.s32 $0x10, s6  }
0x345: {  	[hbm4b:s7+s2] =	stream.linear.scatter [tilespmem:s28], [sflag:$0x5], $0x80, $0x38;
	[tilespmem:$0xDD00] =	vst v63  }
0x346: {  	s9 =	simm.s32 $0x9A98;
	s8 =	sadd.s32 $0x20, s6;
	s7 =	simm.s32 $0x9A10  }
0x347: {  	[hbm4b:s8+s2] =	stream.linear.scatter [tilespmem:s7], [sflag:$0x5], $0x80, $0x38;
	[tilespmem:$0xDD00] =	vst v63  }
0x348: {  	s11 =	simm.s32 $0x9B20;
	s15 =	simm.s32 $0x9BA8;
	s10 =	sadd.s32 $0x30, s6  }
0x349: {  	[hbm4b:s10+s2] =	stream.linear.scatter [tilespmem:s9], [sflag:$0x5], $0x80, $0x38;
	[tilespmem:$0xDD00] =	vst v63  }
0x34a: {  	s4 =	simm.s32 $0x440;
	s14 =	sadd.s32 $0x40, s6;
	s18 =	sadd.s32 $0x50, s6  }
0x34b: {  	[hbm4b:s14+s2] =	stream.linear.scatter [tilespmem:s11], [sflag:$0x5], $0x80, $0x38;
	[tilespmem:$0xDD00] =	vst v63  }
0x34c: {  	s20 =	simm.s32 $0x9C30;
	s28 =	sadd.s32 $0x60, s6;
	s7 =	simm.s32 $0x2200  }
0x34d: {  	[hbm4b:s18+s2] =	stream.linear.scatter [tilespmem:s15], [sflag:$0x5], $0x80, $0x38;
	[tilespmem:$0xDD00] =	vst v63  }
0x34e: {  	s8 =	simm.s32 $0x9CB8;
	s9 =	sadd.s32 $0x70, s6;
	s6 =	sadd.s32 $0x4000, s6  }
0x34f: {  	[hbm4b:s28+s2] =	stream.linear.scatter [tilespmem:s20], [sflag:$0x5], $0x80, $0x38;
	[tilespmem:$0xDD00] =	vst v63  }
.LBB2_31:
0x350: {  	[hbm4b:s9+s2] =	stream.linear.scatter [tilespmem:s8], [sflag:$0x5], $0x80, $0x38;
	[tilespmem:$0xDD00] =	vst v63  }
0x351: {  	s8 =	smov.u32 s4;
	s4 =	smov.u32 s7  }
0x352: {  	s10 =	sadd.s32 $0x1100, s7;
	s4 =	sshra.s32 s4, $0x2;
	s9 =	sadd.s32 $0x9900, s8  }
0x353: {  	[hbm4b:s6+s2] =	stream.linear.scatter [tilespmem:s9], [sflag:$0x5], $0x80, $0x38;
	[tilespmem:$0xDD00] =	vst v63  }
0x354: {  	p0 =	sne.s32 s7, $0x7700;
	s7 =	sadd.s32 $0x9988, s8;
	s9 =	sadd.s32 $0x10, s6  }
0x355: {  	[hbm4b:s9+s2] =	stream.linear.scatter [tilespmem:s7], [sflag:$0x5], $0x80, $0x38;
	[tilespmem:$0xDD00] =	vst v63  }
0x356: {  	s7 =	sadd.s32 $0x9A10, s8;
	s9 =	sadd.s32 $0x20, s6  }
0x357: {  	[hbm4b:s9+s2] =	stream.linear.scatter [tilespmem:s7], [sflag:$0x5], $0x80, $0x38;
	[tilespmem:$0xDD00] =	vst v63  }
0x358: {  	s7 =	sadd.s32 $0x9A98, s8;
	s9 =	sadd.s32 $0x30, s6  }
0x359: {  	[hbm4b:s9+s2] =	stream.linear.scatter [tilespmem:s7], [sflag:$0x5], $0x80, $0x38;
	[tilespmem:$0xDD00] =	vst v63  }
0x35a: {  	s7 =	sadd.s32 $0x9B20, s8;
	s9 =	sadd.s32 $0x40, s6  }
0x35b: {  	[hbm4b:s9+s2] =	stream.linear.scatter [tilespmem:s7], [sflag:$0x5], $0x80, $0x38;
	[tilespmem:$0xDD00] =	vst v63  }
.Ltmp14:
0x35c: {  	s7 =	sadd.s32 $0x9BA8, s8;
	s9 =	sadd.s32 $0x50, s6;
	(pc) =	sbr.rel @p0 .LBB2_31-.Ltmp14, $4  }
0x35d: {  	[hbm4b:s9+s2] =	stream.linear.scatter [tilespmem:s7], [sflag:$0x5], $0x80, $0x38;
	[tilespmem:$0xDD00] =	vst v63  }
0x35e: {  	s7 =	sadd.s32 $0x9C30, s8;
	s9 =	sadd.s32 $0x60, s6;
	s8 =	sadd.s32 $0x9CB8, s8  }
0x35f: {  	[hbm4b:s9+s2] =	stream.linear.scatter [tilespmem:s7], [sflag:$0x5], $0x80, $0x38;
	[tilespmem:$0xDD00] =	vst v63  }
0x360: {  	s9 =	sadd.s32 $0x70, s6;
	s6 =	sadd.s32 $0x4000, s6;
	s7 =	smov.u32 s10  }
0x361: {  	[hbm4b:s9+s2] =	stream.linear.scatter [tilespmem:s8], [sflag:$0x5], $0x80, $0x38;
	[tilespmem:$0xDD00] =	vst v63  }
0x362: {  	s7 =	sadd.s32 $0x9900, s4  }
0x363: {  	[hbm4b:s6+s2] =	stream.linear.scatter [tilespmem:s7], [sflag:$0x5], $0x80, $0x38;
	[tilespmem:$0xDD00] =	vst v63  }
0x364: {  	s20 =	sadd.s32 $0x9988, s4;
	s28 =	sadd.s32 $0x10, s6  }
0x365: {  	[hbm4b:s28+s2] =	stream.linear.scatter [tilespmem:s20], [sflag:$0x5], $0x80, $0x38;
	[tilespmem:$0xDD00] =	vst v63  }
0x366: {  	s9 =	sadd.s32 $0x9A10, s4;
	s10 =	sadd.s32 $0x20, s6  }
0x367: {  	[hbm4b:s10+s2] =	stream.linear.scatter [tilespmem:s9], [sflag:$0x5], $0x80, $0x38;
	[tilespmem:$0xDD00] =	vst v63  }
0x368: {  	s11 =	sadd.s32 $0x9A98, s4;
	s14 =	sadd.s32 $0x30, s6  }
0x369: {  	[hbm4b:s14+s2] =	stream.linear.scatter [tilespmem:s11], [sflag:$0x5], $0x80, $0x38;
	[tilespmem:$0xDD00] =	vst v63  }
0x36a: {  	s15 =	sadd.s32 $0x9B20, s4;
	s18 =	sadd.s32 $0x40, s6  }
0x36b: {  	[hbm4b:s18+s2] =	stream.linear.scatter [tilespmem:s15], [sflag:$0x5], $0x80, $0x38;
	[tilespmem:$0xDD00] =	vst v63  }
0x36c: {  	s20 =	sadd.s32 $0x9BA8, s4;
	s28 =	sadd.s32 $0x50, s6  }
0x36d: {  	[hbm4b:s28+s2] =	stream.linear.scatter [tilespmem:s20], [sflag:$0x5], $0x80, $0x38;
	[tilespmem:$0xDD00] =	vst v63  }
0x36e: {  	s9 =	sadd.s32 $0x9C30, s4;
	s10 =	sadd.s32 $0x60, s6  }
0x36f: {  	[hbm4b:s10+s2] =	stream.linear.scatter [tilespmem:s9], [sflag:$0x5], $0x80, $0x38;
	[tilespmem:$0xDD00] =	vst v63  }
0x370: {  	s11 =	sadd.s32 $0x9CB8, s4;
	s14 =	sadd.s32 $0x70, s6  }
0x371: {  	[hbm4b:s14+s2] =	stream.linear.scatter [tilespmem:s11], [sflag:$0x5], $0x80, $0x38;
	[tilespmem:$0xDD00] =	vst v63  }
0x372: {  	_ =	swait.ge [sflag:s31], $0x2000  }
0x373: {  	[sflag:s31] =	ssyncset.done $0x0  }
0x374: {  	[sflag:s31] =	ssyncadd.s32 $0xFFFFE000  }
0x375: {  	_ =	swait.ge [sflag:s0], $0x2000  }
0x376: {  	[sflag:s0] =	ssyncset.done $0x0  }
0x377: {  	s4 =	simm.s32 $0x7980;
	[sflag:s0] =	ssyncadd.s32 $0xFFFFE000  }
0x378: {  	v4 =	vld [tilespmem:s4+$0x70]  }
0x379: {  	v6 =	vld [tilespmem:s4+$0x60]  }
0x37a: {  	v5 =	vld [tilespmem:s4+$0x50]  }
0x37b: {  	v7 =	vld [tilespmem:s4+$0x40]  }
0x37c: {  	v8 =	vld [tilespmem:s4+$0x30]  }
0x37d: {  	v9 =	vld [tilespmem:s4+$0x20]  }
0x37e: {  	v10 =	vld [tilespmem:s4+$0x10]  }
0x37f: {  	s15 =	simm.s32 $0x0;
	v11 =	vld [tilespmem:s4+$0x0]  }
0x380: {  	v13 =	vmov s15;
	v12 =	vld [tilespmem:s4+$0xFFFFFFF0]  }
0x381: {  	v13 =	vand.u32 $0x7C, v13;
	v14 =	vld [tilespmem:s4+$0xFFFFFFE0]  }
0x382: {  	v17 =	vadd.s32 v0, v13;
	v16 =	vld [tilespmem:s4+$0xFFFFFF80]  }
0x383: {  	s18 =	simm.s32 $0x1;
	v19 =	vadd.s32 v1, v13;
	v18 =	vld [tilespmem:s4+$0xFFFFFF90]  }
0x384: {  	v21 =	vmov s18;
	v22 =	vadd.s32 v2, v13;
	v20 =	vld [tilespmem:s4+$0xFFFFFFA0]  }
0x385: {  	v21 =	vand.u32 $0x7D, v21;
	v13 =	vadd.s32 v3, v13;
	v23 =	vld [tilespmem:s4+$0xFFFFFFB0]  }
0x386: {  	v25 =	vadd.s32 v0, v21;
	v24 =	vld [tilespmem:s4+$0xFFFFFFC0]  }
0x387: {  	s20 =	simm.s32 $0x2;
	v51 =	vadd.s32 v1, v21;
	v15 =	vld [tilespmem:s4+$0xFFFFFFD0];
	[tilespmem:v17+s26+$0x0] =	vst.idx.msk $0xffff, v16  }
0x388: {  	v52 =	vmov s20;
	v53 =	vadd.s32 v2, v21;
	[tilespmem:v19+s26+$0x0] =	vst.idx.msk $0xffff, v18  }
0x389: {  	v54 =	vadd.s32 v3, v21;
	v17 =	vand.u32 $0x7E, v52;
	[tilespmem:v22+s26+$0x0] =	vst.idx.msk $0xffff, v20  }
0x38a: {  	v55 =	vadd.s32 v0, v17;
	[tilespmem:v13+s26+$0x0] =	vst.idx.msk $0xffff, v23  }
0x38b: {  	s28 =	simm.s32 $0x3;
	v56 =	vadd.s32 v1, v17;
	[tilespmem:v25+s26+$0x0] =	vst.idx.msk $0xffff, v24  }
0x38c: {  	v57 =	vmov s28;
	v58 =	vadd.s32 v2, v17;
	[tilespmem:v51+s26+$0x0] =	vst.idx.msk $0xffff, v15  }
0x38d: {  	v60 =	vand.u32 $0x7F, v57;
	v59 =	vadd.s32 v3, v17;
	[tilespmem:v53+s26+$0x0] =	vst.idx.msk $0xffff, v14  }
0x38e: {  	v61 =	vadd.s32 v0, v60;
	[tilespmem:v54+s26+$0x0] =	vst.idx.msk $0xffff, v12  }
0x38f: {  	v62 =	vadd.s32 v1, v60;
	[tilespmem:v55+s26+$0x0] =	vst.idx.msk $0xffff, v11  }
0x390: {  	[tilespmem:v56+s26+$0x0] =	vst.idx.msk $0xffff, v10  }
0x391: {  	[tilespmem:v58+s26+$0x0] =	vst.idx.msk $0xffff, v9  }
0x392: {  	v63 =	vadd.s32 v2, v60;
	[tilespmem:v59+s26+$0x0] =	vst.idx.msk $0xffff, v8  }
0x393: {  	[tilespmem:v61+s26+$0x0] =	vst.idx.msk $0xffff, v7  }
0x394: {  	[tilespmem:v62+s26+$0x0] =	vst.idx.msk $0xffff, v5;
	v5 =	vadd.s32 v3, v60;
	_ =	sdelay $0x2  }
0x395: {  	s6 =	simm.s32 $0x4;
	[tilespmem:v63+s26+$0x0] =	vst.idx.msk $0xffff, v6  }
.LBB2_33:
0x396: {  	p0 =	sne.s32 s6, $0x7C  }
0x397: {  	[tilespmem:v5+s26+$0x0] =	vst.idx.msk $0xffff, v4;
	s4 =	sadd.s32 $0x100, s4;
	s7 =	smov.u32 s6;
	s6 =	sadd.s32 $0x4, s6  }
0x398: {  	v4 =	vld [tilespmem:s4+$0x70]  }
0x399: {  	v6 =	vld [tilespmem:s4+$0x60]  }
0x39a: {  	v7 =	vld [tilespmem:s4+$0x50]  }
0x39b: {  	v8 =	vld [tilespmem:s4+$0x40]  }
0x39c: {  	v9 =	vld [tilespmem:s4+$0x30]  }
0x39d: {  	v5 =	vld [tilespmem:s4+$0x20]  }
0x39e: {  	v10 =	vld [tilespmem:s4+$0x10]  }
0x39f: {  	v11 =	vld [tilespmem:s4+$0x0]  }
0x3a0: {  	v12 =	vld [tilespmem:s4+$0xFFFFFFF0]  }
0x3a1: {  	v13 =	vmov s7;
	v14 =	vld [tilespmem:s4+$0xFFFFFFE0]  }
0x3a2: {  	v13 =	vand.u32 $0x7C, v13;
	v15 =	vld [tilespmem:s4+$0xFFFFFFD0]  }
0x3a3: {  	v17 =	vadd.s32 v0, v13;
	v16 =	vld [tilespmem:s4+$0xFFFFFF80]  }
0x3a4: {  	s8 =	sadd.s32 $0x1, s7;
	v19 =	vadd.s32 v1, v13;
	v18 =	vld [tilespmem:s4+$0xFFFFFF90]  }
0x3a5: {  	v21 =	vmov s8;
	v22 =	vadd.s32 v2, v13;
	v20 =	vld [tilespmem:s4+$0xFFFFFFA0]  }
0x3a6: {  	v13 =	vadd.s32 v3, v13;
	v21 =	vand.u32 $0x7D, v21;
	v23 =	vld [tilespmem:s4+$0xFFFFFFB0]  }
0x3a7: {  	v25 =	vadd.s32 v0, v21;
	v24 =	vld [tilespmem:s4+$0xFFFFFFC0]  }
0x3a8: {  	s8 =	sadd.s32 $0x2, s7;
	[tilespmem:v17+s26+$0x0] =	vst.idx.msk $0xffff, v16;
	v16 =	vadd.s32 v1, v21  }
0x3a9: {  	v17 =	vmov s8;
	[tilespmem:v19+s26+$0x0] =	vst.idx.msk $0xffff, v18;
	v18 =	vadd.s32 v2, v21  }
0x3aa: {  	v19 =	vadd.s32 v3, v21;
	v17 =	vand.u32 $0x7E, v17;
	[tilespmem:v22+s26+$0x0] =	vst.idx.msk $0xffff, v20  }
0x3ab: {  	[tilespmem:v13+s26+$0x0] =	vst.idx.msk $0xffff, v23;
	v13 =	vadd.s32 v0, v17  }
0x3ac: {  	s7 =	sadd.s32 $0x3, s7;
	v20 =	vadd.s32 v1, v17;
	[tilespmem:v25+s26+$0x0] =	vst.idx.msk $0xffff, v24  }
0x3ad: {  	v21 =	vmov s7;
	[tilespmem:v16+s26+$0x0] =	vst.idx.msk $0xffff, v15;
	v15 =	vadd.s32 v2, v17  }
0x3ae: {  	v16 =	vand.u32 $0x7F, v21;
	[tilespmem:v18+s26+$0x0] =	vst.idx.msk $0xffff, v14;
	v14 =	vadd.s32 v3, v17  }
0x3af: {  	[tilespmem:v19+s26+$0x0] =	vst.idx.msk $0xffff, v12;
	v12 =	vadd.s32 v0, v16  }
0x3b0: {  	[tilespmem:v13+s26+$0x0] =	vst.idx.msk $0xffff, v11;
	v11 =	vadd.s32 v1, v16  }
0x3b1: {  	[tilespmem:v20+s26+$0x0] =	vst.idx.msk $0xffff, v10;
	v10 =	vadd.s32 v2, v16  }
.Ltmp15:
0x3b2: {  	[tilespmem:v15+s26+$0x0] =	vst.idx.msk $0xffff, v5;
	v5 =	vadd.s32 v3, v16;
	(pc) =	sbr.rel @p0 .LBB2_33-.Ltmp15, $4  }
0x3b3: {  	[tilespmem:v14+s26+$0x0] =	vst.idx.msk $0xffff, v9  }
0x3b4: {  	[tilespmem:v12+s26+$0x0] =	vst.idx.msk $0xffff, v8  }
0x3b5: {  	[tilespmem:v11+s26+$0x0] =	vst.idx.msk $0xffff, v7  }
0x3b6: {  	[tilespmem:v10+s26+$0x0] =	vst.idx.msk $0xffff, v6  }
0x3b7: {  	_ =	sdelay $0x2  }
0x3b8: {  	s4 =	rddreg [dreg:$0x7]  }
0x3b9: {  	[tilespmem:v5+s26+$0x0] =	vst.idx.msk $0xffff, v4;
	s20 =	simm.s32 $0xBB00;
	s6 =	sadd.s32 s3, s4  }
0x3ba: {  	[hbm4b:s6+s2] =	stream.linear.scatter [tilespmem:s20], [sflag:$0x6], $0x80, $0x38;
	[tilespmem:$0xDD00] =	vst v63  }
0x3bb: {  	s28 =	simm.s32 $0xBB88;
	s7 =	sadd.s32 $0x10, s6  }
0x3bc: {  	[hbm4b:s7+s2] =	stream.linear.scatter [tilespmem:s28], [sflag:$0x6], $0x80, $0x38;
	[tilespmem:$0xDD00] =	vst v63  }
0x3bd: {  	s9 =	simm.s32 $0xBC98;
	s8 =	sadd.s32 $0x20, s6;
	s7 =	simm.s32 $0xBC10  }
0x3be: {  	[hbm4b:s8+s2] =	stream.linear.scatter [tilespmem:s7], [sflag:$0x6], $0x80, $0x38;
	[tilespmem:$0xDD00] =	vst v63  }
0x3bf: {  	s11 =	simm.s32 $0xBD20;
	s15 =	simm.s32 $0xBDA8;
	s10 =	sadd.s32 $0x30, s6  }
0x3c0: {  	[hbm4b:s10+s2] =	stream.linear.scatter [tilespmem:s9], [sflag:$0x6], $0x80, $0x38;
	[tilespmem:$0xDD00] =	vst v63  }
0x3c1: {  	s4 =	simm.s32 $0x440;
	s14 =	sadd.s32 $0x40, s6;
	s18 =	sadd.s32 $0x50, s6  }
0x3c2: {  	[hbm4b:s14+s2] =	stream.linear.scatter [tilespmem:s11], [sflag:$0x6], $0x80, $0x38;
	[tilespmem:$0xDD00] =	vst v63  }
0x3c3: {  	s20 =	simm.s32 $0xBE30;
	s28 =	sadd.s32 $0x60, s6;
	s7 =	simm.s32 $0x2200  }
0x3c4: {  	[hbm4b:s18+s2] =	stream.linear.scatter [tilespmem:s15], [sflag:$0x6], $0x80, $0x38;
	[tilespmem:$0xDD00] =	vst v63  }
0x3c5: {  	s8 =	simm.s32 $0xBEB8;
	s9 =	sadd.s32 $0x70, s6;
	s6 =	sadd.s32 $0x4000, s6  }
0x3c6: {  	[hbm4b:s28+s2] =	stream.linear.scatter [tilespmem:s20], [sflag:$0x6], $0x80, $0x38;
	[tilespmem:$0xDD00] =	vst v63  }
.LBB2_35:
0x3c7: {  	[hbm4b:s9+s2] =	stream.linear.scatter [tilespmem:s8], [sflag:$0x6], $0x80, $0x38;
	[tilespmem:$0xDD00] =	vst v63  }
0x3c8: {  	s8 =	smov.u32 s4;
	s4 =	smov.u32 s7  }
0x3c9: {  	s10 =	sadd.s32 $0x1100, s7;
	s4 =	sshra.s32 s4, $0x2;
	s9 =	sadd.s32 $0xBB00, s8  }
0x3ca: {  	[hbm4b:s6+s2] =	stream.linear.scatter [tilespmem:s9], [sflag:$0x6], $0x80, $0x38;
	[tilespmem:$0xDD00] =	vst v63  }
0x3cb: {  	p0 =	sne.s32 s7, $0x7700;
	s7 =	sadd.s32 $0xBB88, s8;
	s9 =	sadd.s32 $0x10, s6  }
0x3cc: {  	[hbm4b:s9+s2] =	stream.linear.scatter [tilespmem:s7], [sflag:$0x6], $0x80, $0x38;
	[tilespmem:$0xDD00] =	vst v63  }
0x3cd: {  	s7 =	sadd.s32 $0xBC10, s8;
	s9 =	sadd.s32 $0x20, s6  }
0x3ce: {  	[hbm4b:s9+s2] =	stream.linear.scatter [tilespmem:s7], [sflag:$0x6], $0x80, $0x38;
	[tilespmem:$0xDD00] =	vst v63  }
0x3cf: {  	s7 =	sadd.s32 $0xBC98, s8;
	s9 =	sadd.s32 $0x30, s6  }
0x3d0: {  	[hbm4b:s9+s2] =	stream.linear.scatter [tilespmem:s7], [sflag:$0x6], $0x80, $0x38;
	[tilespmem:$0xDD00] =	vst v63  }
0x3d1: {  	s7 =	sadd.s32 $0xBD20, s8;
	s9 =	sadd.s32 $0x40, s6  }
0x3d2: {  	[hbm4b:s9+s2] =	stream.linear.scatter [tilespmem:s7], [sflag:$0x6], $0x80, $0x38;
	[tilespmem:$0xDD00] =	vst v63  }
.Ltmp16:
0x3d3: {  	s7 =	sadd.s32 $0xBDA8, s8;
	s9 =	sadd.s32 $0x50, s6;
	(pc) =	sbr.rel @p0 .LBB2_35-.Ltmp16, $4  }
0x3d4: {  	[hbm4b:s9+s2] =	stream.linear.scatter [tilespmem:s7], [sflag:$0x6], $0x80, $0x38;
	[tilespmem:$0xDD00] =	vst v63  }
0x3d5: {  	s7 =	sadd.s32 $0xBE30, s8;
	s9 =	sadd.s32 $0x60, s6;
	s8 =	sadd.s32 $0xBEB8, s8  }
0x3d6: {  	[hbm4b:s9+s2] =	stream.linear.scatter [tilespmem:s7], [sflag:$0x6], $0x80, $0x38;
	[tilespmem:$0xDD00] =	vst v63  }
0x3d7: {  	s9 =	sadd.s32 $0x70, s6;
	s6 =	sadd.s32 $0x4000, s6;
	s7 =	smov.u32 s10  }
0x3d8: {  	[hbm4b:s9+s2] =	stream.linear.scatter [tilespmem:s8], [sflag:$0x6], $0x80, $0x38;
	[tilespmem:$0xDD00] =	vst v63  }
0x3d9: {  	s7 =	sadd.s32 $0xBB00, s4  }
0x3da: {  	[hbm4b:s6+s2] =	stream.linear.scatter [tilespmem:s7], [sflag:$0x6], $0x80, $0x38;
	[tilespmem:$0xDD00] =	vst v63  }
0x3db: {  	s20 =	sadd.s32 $0xBB88, s4;
	s28 =	sadd.s32 $0x10, s6  }
0x3dc: {  	[hbm4b:s28+s2] =	stream.linear.scatter [tilespmem:s20], [sflag:$0x6], $0x80, $0x38;
	[tilespmem:$0xDD00] =	vst v63  }
0x3dd: {  	s9 =	sadd.s32 $0xBC10, s4;
	s10 =	sadd.s32 $0x20, s6  }
0x3de: {  	[hbm4b:s10+s2] =	stream.linear.scatter [tilespmem:s9], [sflag:$0x6], $0x80, $0x38;
	[tilespmem:$0xDD00] =	vst v63  }
0x3df: {  	s11 =	sadd.s32 $0xBC98, s4;
	s14 =	sadd.s32 $0x30, s6  }
0x3e0: {  	[hbm4b:s14+s2] =	stream.linear.scatter [tilespmem:s11], [sflag:$0x6], $0x80, $0x38;
	[tilespmem:$0xDD00] =	vst v63  }
0x3e1: {  	s15 =	sadd.s32 $0xBD20, s4;
	s18 =	sadd.s32 $0x40, s6  }
0x3e2: {  	[hbm4b:s18+s2] =	stream.linear.scatter [tilespmem:s15], [sflag:$0x6], $0x80, $0x38;
	[tilespmem:$0xDD00] =	vst v63  }
0x3e3: {  	s20 =	sadd.s32 $0xBDA8, s4;
	s28 =	sadd.s32 $0x50, s6  }
0x3e4: {  	[hbm4b:s28+s2] =	stream.linear.scatter [tilespmem:s20], [sflag:$0x6], $0x80, $0x38;
	[tilespmem:$0xDD00] =	vst v63  }
0x3e5: {  	s9 =	sadd.s32 $0xBE30, s4;
	s10 =	sadd.s32 $0x60, s6  }
0x3e6: {  	[hbm4b:s10+s2] =	stream.linear.scatter [tilespmem:s9], [sflag:$0x6], $0x80, $0x38;
	[tilespmem:$0xDD00] =	vst v63  }
0x3e7: {  	s11 =	sadd.s32 $0xBEB8, s4;
	s14 =	sadd.s32 $0x70, s6  }
0x3e8: {  	[hbm4b:s14+s2] =	stream.linear.scatter [tilespmem:s11], [sflag:$0x6], $0x80, $0x38;
	[tilespmem:$0xDD00] =	vst v63  }
0x3e9: {  	_ =	swait.ge [sflag:s22], $0x2000  }
0x3ea: {  	[sflag:s22] =	ssyncset.done $0x0  }
0x3eb: {  	[sflag:s22] =	ssyncadd.s32 $0xFFFFE000  }
0x3ec: {  	_ =	swait.ge [sflag:s30], $0x2000  }
0x3ed: {  	[sflag:s30] =	ssyncset.done $0x0  }
0x3ee: {  	s4 =	simm.s32 $0x1980;
	[sflag:s30] =	ssyncadd.s32 $0xFFFFE000  }
0x3ef: {  	v4 =	vld [tilespmem:s4+$0x70]  }
0x3f0: {  	v6 =	vld [tilespmem:s4+$0x60]  }
0x3f1: {  	v5 =	vld [tilespmem:s4+$0x50]  }
0x3f2: {  	v7 =	vld [tilespmem:s4+$0x40]  }
0x3f3: {  	v8 =	vld [tilespmem:s4+$0x30]  }
0x3f4: {  	v9 =	vld [tilespmem:s4+$0x20]  }
0x3f5: {  	v10 =	vld [tilespmem:s4+$0x10]  }
0x3f6: {  	s15 =	simm.s32 $0x0;
	v11 =	vld [tilespmem:s4+$0x0]  }
0x3f7: {  	v13 =	vmov s15;
	v12 =	vld [tilespmem:s4+$0xFFFFFFF0]  }
0x3f8: {  	v13 =	vand.u32 $0x7C, v13;
	v14 =	vld [tilespmem:s4+$0xFFFFFFE0]  }
0x3f9: {  	v17 =	vadd.s32 v0, v13;
	v16 =	vld [tilespmem:s4+$0xFFFFFF80]  }
0x3fa: {  	s18 =	simm.s32 $0x1;
	v19 =	vadd.s32 v1, v13;
	v18 =	vld [tilespmem:s4+$0xFFFFFF90]  }
0x3fb: {  	v21 =	vmov s18;
	v22 =	vadd.s32 v2, v13;
	v20 =	vld [tilespmem:s4+$0xFFFFFFA0]  }
0x3fc: {  	v21 =	vand.u32 $0x7D, v21;
	v13 =	vadd.s32 v3, v13;
	v23 =	vld [tilespmem:s4+$0xFFFFFFB0]  }
0x3fd: {  	v25 =	vadd.s32 v0, v21;
	v24 =	vld [tilespmem:s4+$0xFFFFFFC0]  }
0x3fe: {  	s20 =	simm.s32 $0x2;
	v51 =	vadd.s32 v1, v21;
	v15 =	vld [tilespmem:s4+$0xFFFFFFD0];
	[tilespmem:v17+s23+$0x0] =	vst.idx.msk $0xffff, v16  }
0x3ff: {  	v52 =	vmov s20;
	v53 =	vadd.s32 v2, v21;
	[tilespmem:v19+s23+$0x0] =	vst.idx.msk $0xffff, v18  }
0x400: {  	v54 =	vadd.s32 v3, v21;
	v17 =	vand.u32 $0x7E, v52;
	[tilespmem:v22+s23+$0x0] =	vst.idx.msk $0xffff, v20  }
0x401: {  	v55 =	vadd.s32 v0, v17;
	[tilespmem:v13+s23+$0x0] =	vst.idx.msk $0xffff, v23  }
0x402: {  	s28 =	simm.s32 $0x3;
	v56 =	vadd.s32 v1, v17;
	[tilespmem:v25+s23+$0x0] =	vst.idx.msk $0xffff, v24  }
0x403: {  	v57 =	vmov s28;
	v58 =	vadd.s32 v2, v17;
	[tilespmem:v51+s23+$0x0] =	vst.idx.msk $0xffff, v15  }
0x404: {  	v60 =	vand.u32 $0x7F, v57;
	v59 =	vadd.s32 v3, v17;
	[tilespmem:v53+s23+$0x0] =	vst.idx.msk $0xffff, v14  }
0x405: {  	v61 =	vadd.s32 v0, v60;
	[tilespmem:v54+s23+$0x0] =	vst.idx.msk $0xffff, v12  }
0x406: {  	v62 =	vadd.s32 v1, v60;
	[tilespmem:v55+s23+$0x0] =	vst.idx.msk $0xffff, v11  }
0x407: {  	[tilespmem:v56+s23+$0x0] =	vst.idx.msk $0xffff, v10  }
0x408: {  	[tilespmem:v58+s23+$0x0] =	vst.idx.msk $0xffff, v9  }
0x409: {  	v63 =	vadd.s32 v2, v60;
	[tilespmem:v59+s23+$0x0] =	vst.idx.msk $0xffff, v8  }
0x40a: {  	[tilespmem:v61+s23+$0x0] =	vst.idx.msk $0xffff, v7  }
0x40b: {  	[tilespmem:v62+s23+$0x0] =	vst.idx.msk $0xffff, v5;
	v5 =	vadd.s32 v3, v60;
	_ =	sdelay $0x2  }
0x40c: {  	s6 =	simm.s32 $0x4;
	[tilespmem:v63+s23+$0x0] =	vst.idx.msk $0xffff, v6  }
.LBB2_37:
0x40d: {  	p0 =	sne.s32 s6, $0x7C  }
0x40e: {  	[tilespmem:v5+s23+$0x0] =	vst.idx.msk $0xffff, v4;
	s4 =	sadd.s32 $0x100, s4;
	s7 =	smov.u32 s6;
	s6 =	sadd.s32 $0x4, s6  }
0x40f: {  	v4 =	vld [tilespmem:s4+$0x70]  }
0x410: {  	v6 =	vld [tilespmem:s4+$0x60]  }
0x411: {  	v7 =	vld [tilespmem:s4+$0x50]  }
0x412: {  	v8 =	vld [tilespmem:s4+$0x40]  }
0x413: {  	v9 =	vld [tilespmem:s4+$0x30]  }
0x414: {  	v5 =	vld [tilespmem:s4+$0x20]  }
0x415: {  	v10 =	vld [tilespmem:s4+$0x10]  }
0x416: {  	v11 =	vld [tilespmem:s4+$0x0]  }
0x417: {  	v12 =	vld [tilespmem:s4+$0xFFFFFFF0]  }
0x418: {  	v13 =	vmov s7;
	v14 =	vld [tilespmem:s4+$0xFFFFFFE0]  }
0x419: {  	v13 =	vand.u32 $0x7C, v13;
	v15 =	vld [tilespmem:s4+$0xFFFFFFD0]  }
0x41a: {  	v17 =	vadd.s32 v0, v13;
	v16 =	vld [tilespmem:s4+$0xFFFFFF80]  }
0x41b: {  	s8 =	sadd.s32 $0x1, s7;
	v19 =	vadd.s32 v1, v13;
	v18 =	vld [tilespmem:s4+$0xFFFFFF90]  }
0x41c: {  	v21 =	vmov s8;
	v22 =	vadd.s32 v2, v13;
	v20 =	vld [tilespmem:s4+$0xFFFFFFA0]  }
0x41d: {  	v13 =	vadd.s32 v3, v13;
	v21 =	vand.u32 $0x7D, v21;
	v23 =	vld [tilespmem:s4+$0xFFFFFFB0]  }
0x41e: {  	v25 =	vadd.s32 v0, v21;
	v24 =	vld [tilespmem:s4+$0xFFFFFFC0]  }
0x41f: {  	s8 =	sadd.s32 $0x2, s7;
	[tilespmem:v17+s23+$0x0] =	vst.idx.msk $0xffff, v16;
	v16 =	vadd.s32 v1, v21  }
0x420: {  	v17 =	vmov s8;
	[tilespmem:v19+s23+$0x0] =	vst.idx.msk $0xffff, v18;
	v18 =	vadd.s32 v2, v21  }
0x421: {  	v19 =	vadd.s32 v3, v21;
	v17 =	vand.u32 $0x7E, v17;
	[tilespmem:v22+s23+$0x0] =	vst.idx.msk $0xffff, v20  }
0x422: {  	[tilespmem:v13+s23+$0x0] =	vst.idx.msk $0xffff, v23;
	v13 =	vadd.s32 v0, v17  }
0x423: {  	s7 =	sadd.s32 $0x3, s7;
	v20 =	vadd.s32 v1, v17;
	[tilespmem:v25+s23+$0x0] =	vst.idx.msk $0xffff, v24  }
0x424: {  	v21 =	vmov s7;
	[tilespmem:v16+s23+$0x0] =	vst.idx.msk $0xffff, v15;
	v15 =	vadd.s32 v2, v17  }
0x425: {  	v16 =	vand.u32 $0x7F, v21;
	[tilespmem:v18+s23+$0x0] =	vst.idx.msk $0xffff, v14;
	v14 =	vadd.s32 v3, v17  }
0x426: {  	[tilespmem:v19+s23+$0x0] =	vst.idx.msk $0xffff, v12;
	v12 =	vadd.s32 v0, v16  }
0x427: {  	[tilespmem:v13+s23+$0x0] =	vst.idx.msk $0xffff, v11;
	v11 =	vadd.s32 v1, v16  }
0x428: {  	[tilespmem:v20+s23+$0x0] =	vst.idx.msk $0xffff, v10;
	v10 =	vadd.s32 v2, v16  }
.Ltmp17:
0x429: {  	[tilespmem:v15+s23+$0x0] =	vst.idx.msk $0xffff, v5;
	v5 =	vadd.s32 v3, v16;
	(pc) =	sbr.rel @p0 .LBB2_37-.Ltmp17, $4  }
0x42a: {  	[tilespmem:v14+s23+$0x0] =	vst.idx.msk $0xffff, v9  }
0x42b: {  	[tilespmem:v12+s23+$0x0] =	vst.idx.msk $0xffff, v8  }
0x42c: {  	[tilespmem:v11+s23+$0x0] =	vst.idx.msk $0xffff, v7  }
0x42d: {  	[tilespmem:v10+s23+$0x0] =	vst.idx.msk $0xffff, v6  }
0x42e: {  	_ =	sdelay $0x2  }
0x42f: {  	s4 =	rddreg [dreg:$0x8]  }
0x430: {  	[tilespmem:v5+s23+$0x0] =	vst.idx.msk $0xffff, v4;
	s20 =	simm.s32 $0x9900;
	s6 =	sadd.s32 s3, s4  }
0x431: {  	[hbm4b:s6+s2] =	stream.linear.scatter [tilespmem:s20], [sflag:$0x5], $0x80, $0x38;
	[tilespmem:$0xDD00] =	vst v63  }
0x432: {  	s28 =	simm.s32 $0x9988;
	s7 =	sadd.s32 $0x10, s6  }
0x433: {  	[hbm4b:s7+s2] =	stream.linear.scatter [tilespmem:s28], [sflag:$0x5], $0x80, $0x38;
	[tilespmem:$0xDD00] =	vst v63  }
0x434: {  	s9 =	simm.s32 $0x9A98;
	s8 =	sadd.s32 $0x20, s6;
	s7 =	simm.s32 $0x9A10  }
0x435: {  	[hbm4b:s8+s2] =	stream.linear.scatter [tilespmem:s7], [sflag:$0x5], $0x80, $0x38;
	[tilespmem:$0xDD00] =	vst v63  }
0x436: {  	s11 =	simm.s32 $0x9B20;
	s15 =	simm.s32 $0x9BA8;
	s10 =	sadd.s32 $0x30, s6  }
0x437: {  	[hbm4b:s10+s2] =	stream.linear.scatter [tilespmem:s9], [sflag:$0x5], $0x80, $0x38;
	[tilespmem:$0xDD00] =	vst v63  }
0x438: {  	s4 =	simm.s32 $0x440;
	s14 =	sadd.s32 $0x40, s6;
	s18 =	sadd.s32 $0x50, s6  }
0x439: {  	[hbm4b:s14+s2] =	stream.linear.scatter [tilespmem:s11], [sflag:$0x5], $0x80, $0x38;
	[tilespmem:$0xDD00] =	vst v63  }
0x43a: {  	s20 =	simm.s32 $0x9C30;
	s28 =	sadd.s32 $0x60, s6;
	s7 =	simm.s32 $0x2200  }
0x43b: {  	[hbm4b:s18+s2] =	stream.linear.scatter [tilespmem:s15], [sflag:$0x5], $0x80, $0x38;
	[tilespmem:$0xDD00] =	vst v63  }
0x43c: {  	s8 =	simm.s32 $0x9CB8;
	s9 =	sadd.s32 $0x70, s6;
	s6 =	sadd.s32 $0x4000, s6  }
0x43d: {  	[hbm4b:s28+s2] =	stream.linear.scatter [tilespmem:s20], [sflag:$0x5], $0x80, $0x38;
	[tilespmem:$0xDD00] =	vst v63  }
.LBB2_39:
0x43e: {  	[hbm4b:s9+s2] =	stream.linear.scatter [tilespmem:s8], [sflag:$0x5], $0x80, $0x38;
	[tilespmem:$0xDD00] =	vst v63  }
0x43f: {  	s8 =	smov.u32 s4;
	s4 =	smov.u32 s7  }
0x440: {  	s10 =	sadd.s32 $0x1100, s7;
	s4 =	sshra.s32 s4, $0x2;
	s9 =	sadd.s32 $0x9900, s8  }
0x441: {  	[hbm4b:s6+s2] =	stream.linear.scatter [tilespmem:s9], [sflag:$0x5], $0x80, $0x38;
	[tilespmem:$0xDD00] =	vst v63  }
0x442: {  	p0 =	sne.s32 s7, $0x7700;
	s7 =	sadd.s32 $0x9988, s8;
	s9 =	sadd.s32 $0x10, s6  }
0x443: {  	[hbm4b:s9+s2] =	stream.linear.scatter [tilespmem:s7], [sflag:$0x5], $0x80, $0x38;
	[tilespmem:$0xDD00] =	vst v63  }
0x444: {  	s7 =	sadd.s32 $0x9A10, s8;
	s9 =	sadd.s32 $0x20, s6  }
0x445: {  	[hbm4b:s9+s2] =	stream.linear.scatter [tilespmem:s7], [sflag:$0x5], $0x80, $0x38;
	[tilespmem:$0xDD00] =	vst v63  }
0x446: {  	s7 =	sadd.s32 $0x9A98, s8;
	s9 =	sadd.s32 $0x30, s6  }
0x447: {  	[hbm4b:s9+s2] =	stream.linear.scatter [tilespmem:s7], [sflag:$0x5], $0x80, $0x38;
	[tilespmem:$0xDD00] =	vst v63  }
0x448: {  	s7 =	sadd.s32 $0x9B20, s8;
	s9 =	sadd.s32 $0x40, s6  }
0x449: {  	[hbm4b:s9+s2] =	stream.linear.scatter [tilespmem:s7], [sflag:$0x5], $0x80, $0x38;
	[tilespmem:$0xDD00] =	vst v63  }
.Ltmp18:
0x44a: {  	s7 =	sadd.s32 $0x9BA8, s8;
	s9 =	sadd.s32 $0x50, s6;
	(pc) =	sbr.rel @p0 .LBB2_39-.Ltmp18, $4  }
0x44b: {  	[hbm4b:s9+s2] =	stream.linear.scatter [tilespmem:s7], [sflag:$0x5], $0x80, $0x38;
	[tilespmem:$0xDD00] =	vst v63  }
0x44c: {  	s7 =	sadd.s32 $0x9C30, s8;
	s9 =	sadd.s32 $0x60, s6;
	s8 =	sadd.s32 $0x9CB8, s8  }
0x44d: {  	[hbm4b:s9+s2] =	stream.linear.scatter [tilespmem:s7], [sflag:$0x5], $0x80, $0x38;
	[tilespmem:$0xDD00] =	vst v63  }
0x44e: {  	s9 =	sadd.s32 $0x70, s6;
	s6 =	sadd.s32 $0x4000, s6;
	s7 =	smov.u32 s10  }
0x44f: {  	[hbm4b:s9+s2] =	stream.linear.scatter [tilespmem:s8], [sflag:$0x5], $0x80, $0x38;
	[tilespmem:$0xDD00] =	vst v63  }
0x450: {  	s7 =	sadd.s32 $0x9900, s4  }
0x451: {  	[hbm4b:s6+s2] =	stream.linear.scatter [tilespmem:s7], [sflag:$0x5], $0x80, $0x38;
	[tilespmem:$0xDD00] =	vst v63  }
0x452: {  	s20 =	sadd.s32 $0x9988, s4;
	s28 =	sadd.s32 $0x10, s6  }
0x453: {  	[hbm4b:s28+s2] =	stream.linear.scatter [tilespmem:s20], [sflag:$0x5], $0x80, $0x38;
	[tilespmem:$0xDD00] =	vst v63  }
0x454: {  	s9 =	sadd.s32 $0x9A10, s4;
	s10 =	sadd.s32 $0x20, s6  }
0x455: {  	[hbm4b:s10+s2] =	stream.linear.scatter [tilespmem:s9], [sflag:$0x5], $0x80, $0x38;
	[tilespmem:$0xDD00] =	vst v63  }
0x456: {  	s11 =	sadd.s32 $0x9A98, s4;
	s14 =	sadd.s32 $0x30, s6  }
0x457: {  	[hbm4b:s14+s2] =	stream.linear.scatter [tilespmem:s11], [sflag:$0x5], $0x80, $0x38;
	[tilespmem:$0xDD00] =	vst v63  }
0x458: {  	s15 =	sadd.s32 $0x9B20, s4;
	s18 =	sadd.s32 $0x40, s6  }
0x459: {  	[hbm4b:s18+s2] =	stream.linear.scatter [tilespmem:s15], [sflag:$0x5], $0x80, $0x38;
	[tilespmem:$0xDD00] =	vst v63  }
0x45a: {  	s20 =	sadd.s32 $0x9BA8, s4;
	s28 =	sadd.s32 $0x50, s6  }
0x45b: {  	[hbm4b:s28+s2] =	stream.linear.scatter [tilespmem:s20], [sflag:$0x5], $0x80, $0x38;
	[tilespmem:$0xDD00] =	vst v63  }
0x45c: {  	s9 =	sadd.s32 $0x9C30, s4;
	s10 =	sadd.s32 $0x60, s6  }
0x45d: {  	[hbm4b:s10+s2] =	stream.linear.scatter [tilespmem:s9], [sflag:$0x5], $0x80, $0x38;
	[tilespmem:$0xDD00] =	vst v63  }
0x45e: {  	s11 =	sadd.s32 $0x9CB8, s4;
	s14 =	sadd.s32 $0x70, s6  }
0x45f: {  	[hbm4b:s14+s2] =	stream.linear.scatter [tilespmem:s11], [sflag:$0x5], $0x80, $0x38;
	[tilespmem:$0xDD00] =	vst v63  }
0x460: {  	_ =	swait.ge [sflag:s25], $0x2000  }
0x461: {  	[sflag:s25] =	ssyncset.done $0x0  }
0x462: {  	[sflag:s25] =	ssyncadd.s32 $0xFFFFE000  }
0x463: {  	_ =	swait.ge [sflag:s0], $0x2000  }
0x464: {  	[sflag:s0] =	ssyncset.done $0x0  }
0x465: {  	s4 =	simm.s32 $0x3980;
	[sflag:s0] =	ssyncadd.s32 $0xFFFFE000  }
0x466: {  	v4 =	vld [tilespmem:s4+$0x70]  }
0x467: {  	v6 =	vld [tilespmem:s4+$0x60]  }
0x468: {  	v5 =	vld [tilespmem:s4+$0x50]  }
0x469: {  	v7 =	vld [tilespmem:s4+$0x40]  }
0x46a: {  	v8 =	vld [tilespmem:s4+$0x30]  }
0x46b: {  	v9 =	vld [tilespmem:s4+$0x20]  }
0x46c: {  	v10 =	vld [tilespmem:s4+$0x10]  }
0x46d: {  	s15 =	simm.s32 $0x0;
	v11 =	vld [tilespmem:s4+$0x0]  }
0x46e: {  	v13 =	vmov s15;
	v12 =	vld [tilespmem:s4+$0xFFFFFFF0]  }
0x46f: {  	v13 =	vand.u32 $0x7C, v13;
	v14 =	vld [tilespmem:s4+$0xFFFFFFE0]  }
0x470: {  	v17 =	vadd.s32 v0, v13;
	v16 =	vld [tilespmem:s4+$0xFFFFFF80]  }
0x471: {  	s18 =	simm.s32 $0x1;
	v19 =	vadd.s32 v1, v13;
	v18 =	vld [tilespmem:s4+$0xFFFFFF90]  }
0x472: {  	v21 =	vmov s18;
	v22 =	vadd.s32 v2, v13;
	v20 =	vld [tilespmem:s4+$0xFFFFFFA0]  }
0x473: {  	v21 =	vand.u32 $0x7D, v21;
	v13 =	vadd.s32 v3, v13;
	v23 =	vld [tilespmem:s4+$0xFFFFFFB0]  }
0x474: {  	v25 =	vadd.s32 v0, v21;
	v24 =	vld [tilespmem:s4+$0xFFFFFFC0]  }
0x475: {  	s20 =	simm.s32 $0x2;
	v51 =	vadd.s32 v1, v21;
	v15 =	vld [tilespmem:s4+$0xFFFFFFD0];
	[tilespmem:v17+s26+$0x0] =	vst.idx.msk $0xffff, v16  }
0x476: {  	v52 =	vmov s20;
	v53 =	vadd.s32 v2, v21;
	[tilespmem:v19+s26+$0x0] =	vst.idx.msk $0xffff, v18  }
0x477: {  	v54 =	vadd.s32 v3, v21;
	v17 =	vand.u32 $0x7E, v52;
	[tilespmem:v22+s26+$0x0] =	vst.idx.msk $0xffff, v20  }
0x478: {  	v55 =	vadd.s32 v0, v17;
	[tilespmem:v13+s26+$0x0] =	vst.idx.msk $0xffff, v23  }
0x479: {  	s28 =	simm.s32 $0x3;
	v56 =	vadd.s32 v1, v17;
	[tilespmem:v25+s26+$0x0] =	vst.idx.msk $0xffff, v24  }
0x47a: {  	v57 =	vmov s28;
	v58 =	vadd.s32 v2, v17;
	[tilespmem:v51+s26+$0x0] =	vst.idx.msk $0xffff, v15  }
0x47b: {  	v60 =	vand.u32 $0x7F, v57;
	v59 =	vadd.s32 v3, v17;
	[tilespmem:v53+s26+$0x0] =	vst.idx.msk $0xffff, v14  }
0x47c: {  	v61 =	vadd.s32 v0, v60;
	[tilespmem:v54+s26+$0x0] =	vst.idx.msk $0xffff, v12  }
0x47d: {  	v62 =	vadd.s32 v1, v60;
	[tilespmem:v55+s26+$0x0] =	vst.idx.msk $0xffff, v11  }
0x47e: {  	[tilespmem:v56+s26+$0x0] =	vst.idx.msk $0xffff, v10  }
0x47f: {  	[tilespmem:v58+s26+$0x0] =	vst.idx.msk $0xffff, v9  }
0x480: {  	v63 =	vadd.s32 v2, v60;
	[tilespmem:v59+s26+$0x0] =	vst.idx.msk $0xffff, v8  }
0x481: {  	[tilespmem:v61+s26+$0x0] =	vst.idx.msk $0xffff, v7  }
0x482: {  	[tilespmem:v62+s26+$0x0] =	vst.idx.msk $0xffff, v5;
	v5 =	vadd.s32 v3, v60;
	_ =	sdelay $0x2  }
0x483: {  	s6 =	simm.s32 $0x4;
	[tilespmem:v63+s26+$0x0] =	vst.idx.msk $0xffff, v6  }
.LBB2_41:
0x484: {  	p0 =	sne.s32 s6, $0x7C  }
0x485: {  	[tilespmem:v5+s26+$0x0] =	vst.idx.msk $0xffff, v4;
	s4 =	sadd.s32 $0x100, s4;
	s7 =	smov.u32 s6;
	s6 =	sadd.s32 $0x4, s6  }
0x486: {  	v4 =	vld [tilespmem:s4+$0x70]  }
0x487: {  	v6 =	vld [tilespmem:s4+$0x60]  }
0x488: {  	v7 =	vld [tilespmem:s4+$0x50]  }
0x489: {  	v8 =	vld [tilespmem:s4+$0x40]  }
0x48a: {  	v9 =	vld [tilespmem:s4+$0x30]  }
0x48b: {  	v5 =	vld [tilespmem:s4+$0x20]  }
0x48c: {  	v10 =	vld [tilespmem:s4+$0x10]  }
0x48d: {  	v11 =	vld [tilespmem:s4+$0x0]  }
0x48e: {  	v12 =	vld [tilespmem:s4+$0xFFFFFFF0]  }
0x48f: {  	v13 =	vmov s7;
	v14 =	vld [tilespmem:s4+$0xFFFFFFE0]  }
0x490: {  	v13 =	vand.u32 $0x7C, v13;
	v15 =	vld [tilespmem:s4+$0xFFFFFFD0]  }
0x491: {  	v17 =	vadd.s32 v0, v13;
	v16 =	vld [tilespmem:s4+$0xFFFFFF80]  }
0x492: {  	s8 =	sadd.s32 $0x1, s7;
	v19 =	vadd.s32 v1, v13;
	v18 =	vld [tilespmem:s4+$0xFFFFFF90]  }
0x493: {  	v21 =	vmov s8;
	v22 =	vadd.s32 v2, v13;
	v20 =	vld [tilespmem:s4+$0xFFFFFFA0]  }
0x494: {  	v13 =	vadd.s32 v3, v13;
	v21 =	vand.u32 $0x7D, v21;
	v23 =	vld [tilespmem:s4+$0xFFFFFFB0]  }
0x495: {  	v25 =	vadd.s32 v0, v21;
	v24 =	vld [tilespmem:s4+$0xFFFFFFC0]  }
0x496: {  	s8 =	sadd.s32 $0x2, s7;
	[tilespmem:v17+s26+$0x0] =	vst.idx.msk $0xffff, v16;
	v16 =	vadd.s32 v1, v21  }
0x497: {  	v17 =	vmov s8;
	[tilespmem:v19+s26+$0x0] =	vst.idx.msk $0xffff, v18;
	v18 =	vadd.s32 v2, v21  }
0x498: {  	v19 =	vadd.s32 v3, v21;
	v17 =	vand.u32 $0x7E, v17;
	[tilespmem:v22+s26+$0x0] =	vst.idx.msk $0xffff, v20  }
0x499: {  	[tilespmem:v13+s26+$0x0] =	vst.idx.msk $0xffff, v23;
	v13 =	vadd.s32 v0, v17  }
0x49a: {  	s7 =	sadd.s32 $0x3, s7;
	v20 =	vadd.s32 v1, v17;
	[tilespmem:v25+s26+$0x0] =	vst.idx.msk $0xffff, v24  }
0x49b: {  	v21 =	vmov s7;
	[tilespmem:v16+s26+$0x0] =	vst.idx.msk $0xffff, v15;
	v15 =	vadd.s32 v2, v17  }
0x49c: {  	v16 =	vand.u32 $0x7F, v21;
	[tilespmem:v18+s26+$0x0] =	vst.idx.msk $0xffff, v14;
	v14 =	vadd.s32 v3, v17  }
0x49d: {  	[tilespmem:v19+s26+$0x0] =	vst.idx.msk $0xffff, v12;
	v12 =	vadd.s32 v0, v16  }
0x49e: {  	[tilespmem:v13+s26+$0x0] =	vst.idx.msk $0xffff, v11;
	v11 =	vadd.s32 v1, v16  }
0x49f: {  	[tilespmem:v20+s26+$0x0] =	vst.idx.msk $0xffff, v10;
	v10 =	vadd.s32 v2, v16  }
.Ltmp19:
0x4a0: {  	[tilespmem:v15+s26+$0x0] =	vst.idx.msk $0xffff, v5;
	v5 =	vadd.s32 v3, v16;
	(pc) =	sbr.rel @p0 .LBB2_41-.Ltmp19, $4  }
0x4a1: {  	[tilespmem:v14+s26+$0x0] =	vst.idx.msk $0xffff, v9  }
0x4a2: {  	[tilespmem:v12+s26+$0x0] =	vst.idx.msk $0xffff, v8  }
0x4a3: {  	[tilespmem:v11+s26+$0x0] =	vst.idx.msk $0xffff, v7  }
0x4a4: {  	[tilespmem:v10+s26+$0x0] =	vst.idx.msk $0xffff, v6  }
0x4a5: {  	_ =	sdelay $0x2  }
0x4a6: {  	s4 =	rddreg [dreg:$0x9]  }
0x4a7: {  	[tilespmem:v5+s26+$0x0] =	vst.idx.msk $0xffff, v4;
	s20 =	simm.s32 $0xBB00;
	s4 =	sadd.s32 s3, s4  }
0x4a8: {  	[hbm4b:s4+s2] =	stream.linear.scatter [tilespmem:s20], [sflag:$0x6], $0x80, $0x38;
	[tilespmem:$0xDD00] =	vst v63  }
0x4a9: {  	s28 =	simm.s32 $0xBB88;
	s6 =	sadd.s32 $0x10, s4  }
0x4aa: {  	[hbm4b:s6+s2] =	stream.linear.scatter [tilespmem:s28], [sflag:$0x6], $0x80, $0x38;
	[tilespmem:$0xDD00] =	vst v63  }
0x4ab: {  	s7 =	simm.s32 $0xBC10;
	s9 =	simm.s32 $0xBC98;
	s8 =	sadd.s32 $0x20, s4  }
0x4ac: {  	[hbm4b:s8+s2] =	stream.linear.scatter [tilespmem:s7], [sflag:$0x6], $0x80, $0x38;
	[tilespmem:$0xDD00] =	vst v63  }
0x4ad: {  	s11 =	simm.s32 $0xBD20;
	s15 =	simm.s32 $0xBDA8;
	s10 =	sadd.s32 $0x30, s4  }
0x4ae: {  	[hbm4b:s10+s2] =	stream.linear.scatter [tilespmem:s9], [sflag:$0x6], $0x80, $0x38;
	[tilespmem:$0xDD00] =	vst v63  }
0x4af: {  	s3 =	simm.s32 $0x440;
	s14 =	sadd.s32 $0x40, s4;
	s18 =	sadd.s32 $0x50, s4  }
0x4b0: {  	[hbm4b:s14+s2] =	stream.linear.scatter [tilespmem:s11], [sflag:$0x6], $0x80, $0x38;
	[tilespmem:$0xDD00] =	vst v63  }
0x4b1: {  	s20 =	simm.s32 $0xBE30;
	s28 =	sadd.s32 $0x60, s4;
	s6 =	simm.s32 $0x2200  }
0x4b2: {  	[hbm4b:s18+s2] =	stream.linear.scatter [tilespmem:s15], [sflag:$0x6], $0x80, $0x38;
	[tilespmem:$0xDD00] =	vst v63  }
0x4b3: {  	s7 =	simm.s32 $0xBEB8;
	s8 =	sadd.s32 $0x70, s4;
	s4 =	sadd.s32 $0x4000, s4  }
0x4b4: {  	[hbm4b:s28+s2] =	stream.linear.scatter [tilespmem:s20], [sflag:$0x6], $0x80, $0x38;
	[tilespmem:$0xDD00] =	vst v63  }
.LBB2_43:
0x4b5: {  	[hbm4b:s8+s2] =	stream.linear.scatter [tilespmem:s7], [sflag:$0x6], $0x80, $0x38;
	[tilespmem:$0xDD00] =	vst v63  }
0x4b6: {  	s7 =	smov.u32 s3;
	s3 =	smov.u32 s6  }
0x4b7: {  	s9 =	sadd.s32 $0x1100, s6;
	s3 =	sshra.s32 s3, $0x2;
	s8 =	sadd.s32 $0xBB00, s7  }
0x4b8: {  	[hbm4b:s4+s2] =	stream.linear.scatter [tilespmem:s8], [sflag:$0x6], $0x80, $0x38;
	[tilespmem:$0xDD00] =	vst v63  }
0x4b9: {  	p0 =	sne.s32 s6, $0x7700;
	s6 =	sadd.s32 $0xBB88, s7;
	s8 =	sadd.s32 $0x10, s4  }
0x4ba: {  	[hbm4b:s8+s2] =	stream.linear.scatter [tilespmem:s6], [sflag:$0x6], $0x80, $0x38;
	[tilespmem:$0xDD00] =	vst v63  }
0x4bb: {  	s6 =	sadd.s32 $0xBC10, s7;
	s8 =	sadd.s32 $0x20, s4  }
0x4bc: {  	[hbm4b:s8+s2] =	stream.linear.scatter [tilespmem:s6], [sflag:$0x6], $0x80, $0x38;
	[tilespmem:$0xDD00] =	vst v63  }
0x4bd: {  	s6 =	sadd.s32 $0xBC98, s7;
	s8 =	sadd.s32 $0x30, s4  }
0x4be: {  	[hbm4b:s8+s2] =	stream.linear.scatter [tilespmem:s6], [sflag:$0x6], $0x80, $0x38;
	[tilespmem:$0xDD00] =	vst v63  }
0x4bf: {  	s6 =	sadd.s32 $0xBD20, s7;
	s8 =	sadd.s32 $0x40, s4  }
0x4c0: {  	[hbm4b:s8+s2] =	stream.linear.scatter [tilespmem:s6], [sflag:$0x6], $0x80, $0x38;
	[tilespmem:$0xDD00] =	vst v63  }
.Ltmp20:
0x4c1: {  	s6 =	sadd.s32 $0xBDA8, s7;
	s8 =	sadd.s32 $0x50, s4;
	(pc) =	sbr.rel @p0 .LBB2_43-.Ltmp20, $4  }
0x4c2: {  	[hbm4b:s8+s2] =	stream.linear.scatter [tilespmem:s6], [sflag:$0x6], $0x80, $0x38;
	[tilespmem:$0xDD00] =	vst v63  }
0x4c3: {  	s6 =	sadd.s32 $0xBE30, s7;
	s8 =	sadd.s32 $0x60, s4;
	s7 =	sadd.s32 $0xBEB8, s7  }
0x4c4: {  	[hbm4b:s8+s2] =	stream.linear.scatter [tilespmem:s6], [sflag:$0x6], $0x80, $0x38;
	[tilespmem:$0xDD00] =	vst v63  }
0x4c5: {  	s8 =	sadd.s32 $0x70, s4;
	s4 =	sadd.s32 $0x4000, s4;
	s6 =	smov.u32 s9  }
0x4c6: {  	[hbm4b:s8+s2] =	stream.linear.scatter [tilespmem:s7], [sflag:$0x6], $0x80, $0x38;
	[tilespmem:$0xDD00] =	vst v63  }
0x4c7: {  	s6 =	sadd.s32 $0xBB00, s3  }
0x4c8: {  	[hbm4b:s4+s2] =	stream.linear.scatter [tilespmem:s6], [sflag:$0x6], $0x80, $0x38;
	[tilespmem:$0xDD00] =	vst v63  }
0x4c9: {  	s15 =	sadd.s32 $0xBB88, s3;
	s18 =	sadd.s32 $0x10, s4  }
0x4ca: {  	[hbm4b:s18+s2] =	stream.linear.scatter [tilespmem:s15], [sflag:$0x6], $0x80, $0x38;
	[tilespmem:$0xDD00] =	vst v63  }
0x4cb: {  	s20 =	sadd.s32 $0xBC10, s3;
	s28 =	sadd.s32 $0x20, s4  }
0x4cc: {  	[hbm4b:s28+s2] =	stream.linear.scatter [tilespmem:s20], [sflag:$0x6], $0x80, $0x38;
	[tilespmem:$0xDD00] =	vst v63  }
0x4cd: {  	s7 =	sadd.s32 $0xBC98, s3;
	s8 =	sadd.s32 $0x30, s4  }
0x4ce: {  	[hbm4b:s8+s2] =	stream.linear.scatter [tilespmem:s7], [sflag:$0x6], $0x80, $0x38;
	[tilespmem:$0xDD00] =	vst v63  }
0x4cf: {  	s9 =	sadd.s32 $0xBD20, s3;
	s10 =	sadd.s32 $0x40, s4  }
0x4d0: {  	[hbm4b:s10+s2] =	stream.linear.scatter [tilespmem:s9], [sflag:$0x6], $0x80, $0x38;
	[tilespmem:$0xDD00] =	vst v63  }
0x4d1: {  	s11 =	sadd.s32 $0xBDA8, s3;
	s14 =	sadd.s32 $0x50, s4  }
0x4d2: {  	[hbm4b:s14+s2] =	stream.linear.scatter [tilespmem:s11], [sflag:$0x6], $0x80, $0x38;
	[tilespmem:$0xDD00] =	vst v63  }
0x4d3: {  	s15 =	sadd.s32 $0xBE30, s3;
	s18 =	sadd.s32 $0x60, s4  }
0x4d4: {  	[hbm4b:s18+s2] =	stream.linear.scatter [tilespmem:s15], [sflag:$0x6], $0x80, $0x38;
	[tilespmem:$0xDD00] =	vst v63  }
0x4d5: {  	s12 =	sadd.s32 $0x1, s12;
	s20 =	sadd.s32 $0xBEB8, s3;
	s28 =	sadd.s32 $0x70, s4  }
0x4d6: {  	[hbm4b:s28+s2] =	stream.linear.scatter [tilespmem:s20], [sflag:$0x6], $0x80, $0x38;
	[tilespmem:$0xDD00] =	vst v63  }
0x4d7: {  	p0 =	sne.s32 s12, $0x4;
	_ =	swait.ge [sflag:s30], $0x2000  }
.Ltmp21:
0x4d8: {  	[sflag:s30] =	ssyncset.done $0x0;
	(pc) =	sbr.rel @p0 .LBB2_2-.Ltmp21, $4  }
0x4d9: {  	[sflag:s30] =	ssyncadd.s32 $0xFFFFE000  }
0x4da: {  	_ =	swait.ge [sflag:s0], $0x2000  }
0x4db: {  	[sflag:s0] =	ssyncset.done $0x0  }
0x4dc: {  	[sflag:s0] =	ssyncadd.s32 $0xFFFFE000  }
0x4dd: {  	s4 =	rddreg [dreg:$0xb]  }
0x4de: {  	s3 =	rddreg [dreg:$0xa];
	s4 =	sadd.s32 $0x1, s4  }
0x4df: {  	p0 =	sne.s32 s4, s3  }
.Ltmp22:
0x4e0: {  	_ = 	snop;
	(pc) =	sbr.rel @p0 .LBB2_1-.Ltmp22, $1  }
0x4e1: {  	_ =	sdelay $0x3  }
0x4e2: {  	_ =	sfence.sel $0x180000  }
0x4e3: {  	[bflag:$0x0] =	sbarrier.arrive $0xFFFF  }
0x4e4: {  	_ =	strace $0x90000047  }
0x4e5: {  	s0 =	stileid.u32;
	[bflag:$0x2] =	sbarrier.arrive $0xFFFF  }
0x4e6: {  	p0 =	sne.s32 s0, $0x0;
	s0 =	rddreg [dreg:$0x2]  }
0x4e7: {  	s0 =	sadd.s32 @!p0 $0x100000, s0  }
0x4e8: {  	[sflag:s0] =	ssyncadd.tile.s32 @!p0 $0x1;
	_ =	shalt  }
.Lfunc_end2:
_tile_overlayer_lowered:
.L_overlay_start_2:
0x4e9: {  	(tag) =	ssettag $0x2  }
0x4ea: {  	s0 =	rddreg [dreg:$0x0];
	s2 =	stileid.u32  }
0x4eb: {  	s1 =	rddreg [dreg:$0x1];
	p0 =	sne.s32 s2, $0x0  }
0x4ec: {  	s3 =	rddreg [dreg:$0x2];
	[bflag:$0x3] =	sbarrier.arrive $0xFFFF;
	s2 =	simm.s32 @!p0 $0x1C07  }
0x4ed: {  	[timem:s3], [sflag:s2] =	dma.local @!p0 [hbm:s0], s1  }
0x4ee: {  	s0 =	simm.s32 @!p0 $0x7  }
0x4ef: {  	_ =	swait.ge @!p0 [sflag:s0], s1  }
0x4f0: {  	s1 =	ssub.s32 @!p0 $0x0, s1;
	[sflag:s0] =	ssyncset.done @!p0 $0x0  }
0x4f1: {  	[sflag:s0] =	ssyncadd.s32 @!p0 s1  }
0x4f2: {  	[bflag:$0x3] =	sbarrier.arrive $0xFFFF  }
0x4f3: {  	_ =	shalt  }

</sc_bundles>
